<compile_context>
chip_gen: v7x
topology: tpu7x:2x2x1
jax: 0.10.2.dev20260603
libtpu: 0.0.44.dev20260713+nightly
codegen_flags: <defaults>
</compile_context>

<pallas_src>
import dataclasses
import functools

import jax
import jax.numpy as jnp
from jax import lax
from jax.experimental import pallas as pl
from jax.experimental.pallas import tpu as pltpu
from jax.experimental.pallas import tpu_sc as plsc

N_NODES = 10000
N_EDGES = 160000
D_FEAT = 256
D_HALF = 128
D_HID = 1024

N_CORES = 2
N_SUBCORES = 16

N_PAD = 10240
ROWS_PER_SUB = N_PAD // N_SUBCORES
DEG_PAD = 12000
E_PAD = 163840
E_PER_S = E_PAD // N_SUBCORES
CHUNK = 80
NCH = E_PER_S // CHUNK
NPAIR = NCH // 2
W_CHUNKS = E_PAD // (32 * CHUNK)
DUMMY_DST = N_NODES
PK_SHIFT = 14
PK_MASK = (1 << PK_SHIFT) - 1


def _sc_compiler_params():
    cp = pltpu.CompilerParams()
    if "needs_layout_passes" in pltpu.CompilerParams.__dataclass_fields__:
        cp = dataclasses.replace(cp, needs_layout_passes=False)
    return cp


_MESH = plsc.VectorSubcoreMesh(
    core_axis_name="c", subcore_axis_name="s",
    num_cores=N_CORES, num_subcores=N_SUBCORES)


def _sc_aggregate(x2, packed):

    @functools.partial(
        pl.kernel,
        out_type=jax.ShapeDtypeStruct((N_CORES, N_PAD, D_HALF), jnp.float32),
        mesh=_MESH,
        compiler_params=_sc_compiler_params(),
        scratch_types=[
            pltpu.VMEM((2, 2, CHUNK), jnp.int32),
            pltpu.VMEM((4, CHUNK), jnp.int32),
            pltpu.VMEM((4, CHUNK), jnp.int32),
            pltpu.VMEM((CHUNK, D_HALF), jnp.float32),
            pltpu.VMEM((CHUNK, D_HALF), jnp.float32),
            pltpu.VMEM_SHARED((N_PAD, D_HALF), jnp.float32),
            pltpu.SemaphoreType.DMA,
            pltpu.SemaphoreType.DMA,
            pltpu.SemaphoreType.DMA,
            pltpu.SemaphoreType.DMA,
            pltpu.SemaphoreType.DMA,
            pltpu.SemaphoreType.DMA,
        ],
    )
    def sc_kernel(x2_hbm, pk_hbm, agg_hbm,
                  pb, gb, db, rows0_v, rows1_v, agg_sh,
                  g0, g1, s0, s1, i0, i1):
        c = lax.axis_index("c")
        s = lax.axis_index("s")
        rows = (rows0_v, rows1_v)
        gsem = (g0, g1)
        ssem = (s0, s1)
        isem = (i0, i1)
        base = s * NCH

        def unpack(q):
            for kk in range(2):
                for t in range(0, CHUNK, 16):
                    v = pb[q, kk, pl.ds(t, 16)]
                    gb[2 * q + kk, pl.ds(t, 16)] = (v >> PK_SHIFT) * 2 + c
                    db[2 * q + kk, pl.ds(t, 16)] = v & PK_MASK

        @pl.loop(0, CHUNK)
        def _(i):
            @pl.loop(0, D_HALF, step=16)
            def _(j):
                rows0_v[i, pl.ds(j, 16)] = jnp.zeros((16,), jnp.float32)

        @pl.loop(0, ROWS_PER_SUB // CHUNK)
        def _(t):
            pltpu.sync_copy(
                rows0_v, agg_sh.at[pl.ds(s * ROWS_PER_SUB + t * CHUNK, CHUNK)])

        pltpu.sync_copy(pk_hbm.at[pl.ds(base, 2)], pb.at[0])
        unpack(0)
        pltpu.async_copy(pk_hbm.at[pl.ds(base + 2, 2)], pb.at[1], i1)
        pltpu.async_copy(x2_hbm.at[gb.at[0]], rows0_v, g0)
        pltpu.async_copy(x2_hbm.at[gb.at[1]], rows1_v, g1)
        plsc.subcore_barrier()

        def body(p, q, pf_idx, pf_gather):
            qn = 1 - q
            if pf_idx:
                pltpu.async_copy(pk_hbm.at[pl.ds(base + 2 * p + 4, 2)],
                                 pb.at[q], isem[q])
            for kk in range(2):
                pltpu.make_async_copy(x2_hbm.at[gb.at[2 * q + kk]],
                                      rows[kk], gsem[kk]).wait()
                pltpu.async_copy(rows[kk], agg_sh.at[db.at[2 * q + kk]],
                                 ssem[kk], add=True)
            if pf_gather:
                pltpu.make_async_copy(pk_hbm.at[pl.ds(base, 2)],
                                      pb.at[qn], isem[qn]).wait()
                unpack(qn)
                for kk in range(2):
                    pltpu.make_async_copy(rows[kk],
                                          agg_sh.at[db.at[2 * q + kk]],
                                          ssem[kk]).wait()
                    pltpu.async_copy(x2_hbm.at[gb.at[2 * qn + kk]],
                                     rows[kk], gsem[kk])

        @pl.loop(0, NPAIR // 2 - 1)
        def _(p2):
            body(2 * p2, 0, True, True)
            body(2 * p2 + 1, 1, True, True)

        body(NPAIR - 2, 0, False, True)
        body(NPAIR - 1, 1, False, False)
        for kk in range(2):
            pltpu.make_async_copy(rows[kk], agg_sh.at[db.at[2 + kk]],
                                  ssem[kk]).wait()

        plsc.subcore_barrier()

        pltpu.sync_copy(agg_sh.at[pl.ds(s * ROWS_PER_SUB, ROWS_PER_SUB)],
                        agg_hbm.at[c, pl.ds(s * ROWS_PER_SUB, ROWS_PER_SUB)])

    return sc_kernel(x2, packed)


def _sc_degrees(packed):

    @functools.partial(
        pl.kernel,
        out_type=jax.ShapeDtypeStruct((N_CORES, N_SUBCORES, DEG_PAD),
                                      jnp.float32),
        mesh=_MESH,
        compiler_params=_sc_compiler_params(),
        scratch_types=[
            pltpu.VMEM((W_CHUNKS, CHUNK), jnp.int32),
            pltpu.VMEM((DEG_PAD,), jnp.float32),
        ],
    )
    def deg_kernel(pk_hbm, deg_hbm, slab_v, deg_v):
        c = lax.axis_index("c")
        s = lax.axis_index("s")
        w = s * N_CORES + c

        pltpu.sync_copy(pk_hbm.at[pl.ds(w * W_CHUNKS, W_CHUNKS)], slab_v)

        @pl.loop(0, DEG_PAD, step=16)
        def _(i):
            deg_v[pl.ds(i, 16)] = jnp.zeros((16,), jnp.float32)

        ones16 = jnp.full((16,), 1.0, jnp.float32)

        @pl.loop(0, W_CHUNKS)
        def _(i):
            @pl.loop(0, CHUNK, step=16)
            def _(t):
                d = slab_v[i, pl.ds(t, 16)] & PK_MASK
                plsc.addupdate_scatter(deg_v, [d], ones16)

        pltpu.sync_copy(deg_v, deg_hbm.at[c, s])

    return deg_kernel(packed)


BLOCK_M = 1000
GRID_M = N_NODES // BLOCK_M


def _tc_head(x, agg, deg4, W_self, W_neigh, bs2, W1, b12, W2, b22):

    def body(x_ref, agg_ref, deg_ref, ws_ref, wn_ref, bs_ref,
             w1_ref, b1_ref, w2_ref, b2_ref, o_ref):
        i = pl.program_id(0)
        dblk = deg_ref[:, :, pl.ds(i, 1), :]
        deg_sum = jnp.sum(dblk, axis=(0, 1, 2))
        inv_row = 1.0 / jnp.maximum(deg_sum, 1.0)
        inv = jnp.transpose(inv_row.reshape(1, BLOCK_M))
        a0 = agg_ref[0] * inv
        a1 = agg_ref[1] * inv
        h = (jnp.dot(x_ref[...], ws_ref[...], preferred_element_type=jnp.float32)
             + jnp.dot(a0, wn_ref[:D_HALF, :], preferred_element_type=jnp.float32)
             + jnp.dot(a1, wn_ref[D_HALF:, :], preferred_element_type=jnp.float32)
             + bs_ref[...])
        h = jnp.maximum(h, 0.0)
        h1 = jnp.maximum(
            jnp.dot(h, w1_ref[...], preferred_element_type=jnp.float32)
            + b1_ref[...], 0.0)
        o_ref[...] = (jnp.dot(h1, w2_ref[...], preferred_element_type=jnp.float32)
                      + b2_ref[...])

    return pl.pallas_call(
        body,
        grid=(GRID_M,),
        in_specs=[
            pl.BlockSpec((BLOCK_M, D_FEAT), lambda i: (i, 0)),
            pl.BlockSpec((N_CORES, BLOCK_M, D_HALF), lambda i: (0, i, 0)),
            pl.BlockSpec((N_CORES, N_SUBCORES, DEG_PAD // BLOCK_M, BLOCK_M),
                         lambda i: (0, 0, 0, 0)),
            pl.BlockSpec((D_FEAT, D_FEAT), lambda i: (0, 0)),
            pl.BlockSpec((D_FEAT, D_FEAT), lambda i: (0, 0)),
            pl.BlockSpec((1, D_FEAT), lambda i: (0, 0)),
            pl.BlockSpec((D_FEAT, D_HID), lambda i: (0, 0)),
            pl.BlockSpec((1, D_HID), lambda i: (0, 0)),
            pl.BlockSpec((D_HID, D_FEAT), lambda i: (0, 0)),
            pl.BlockSpec((1, D_FEAT), lambda i: (0, 0)),
        ],
        out_specs=pl.BlockSpec((BLOCK_M, D_FEAT), lambda i: (i, 0)),
        out_shape=jax.ShapeDtypeStruct((N_NODES, D_FEAT), jnp.float32),
        compiler_params=pltpu.CompilerParams(
            dimension_semantics=("parallel",)),
    )(x, agg, deg4, W_self, W_neigh, bs2, W1, b12, W2, b22)


def kernel(x, edge_index, W_self, W_neigh, b_sage, W1, b1, W2, b2):
    src = edge_index[0].astype(jnp.int32)
    dst = edge_index[1].astype(jnp.int32)
    pad = E_PAD - N_EDGES
    src = jnp.concatenate([src, jnp.zeros((pad,), jnp.int32)])
    dst = jnp.concatenate([dst, jnp.full((pad,), DUMMY_DST, jnp.int32)])
    packed = ((src << PK_SHIFT) | dst).reshape(E_PAD // CHUNK, CHUNK)
    x2 = x.reshape(2 * N_NODES, D_HALF)

    agg = _sc_aggregate(x2, packed)
    deg = _sc_degrees(packed)
    deg4 = deg.reshape(N_CORES, N_SUBCORES, DEG_PAD // BLOCK_M, BLOCK_M)

    return _tc_head(x, agg, deg4, W_self, W_neigh,
                    b_sage.reshape(1, D_FEAT), W1, b1.reshape(1, D_HID),
                    W2, b2.reshape(1, D_FEAT))

# --- scband reference (transcript-rebuilt; emitter-appended) ---
"""Pipeline reference for scband-graphsage-with-mlp-26139170964031 (READ-ONLY COPY).

The authoritative reference and input builder live on the scoring server;
editing this copy changes nothing except your own understanding.
"""

import jax, jax.numpy as jnp
import numpy as np

N_NODES = 10000
N_EDGES = 160000
D_FEAT = 256
D_HIDDEN = 1024


def setup_inputs(seed: int = 0) -> dict:
    key = jax.random.key(seed)
    ks = jax.random.split(key, 10)
    x = jax.random.normal(ks[0], (N_NODES, D_FEAT), dtype=jnp.float32)
    edge_index = jax.random.randint(ks[1], (2, N_EDGES), 0, N_NODES, dtype=jnp.int64)
    # GraphSAGE (mean aggr) parameters
    W_self = jax.random.normal(ks[2], (D_FEAT, D_FEAT), dtype=jnp.float32) * (1.0 / np.sqrt(D_FEAT))
    W_neigh = jax.random.normal(ks[3], (D_FEAT, D_FEAT), dtype=jnp.float32) * (1.0 / np.sqrt(D_FEAT))
    b_sage = jnp.zeros((D_FEAT,), dtype=jnp.float32)
    # MLP parameters
    W1 = jax.random.normal(ks[4], (D_FEAT, D_HIDDEN), dtype=jnp.float32) * (1.0 / np.sqrt(D_FEAT))
    b1 = jnp.zeros((D_HIDDEN,), dtype=jnp.float32)
    W2 = jax.random.normal(ks[5], (D_HIDDEN, D_FEAT), dtype=jnp.float32) * (1.0 / np.sqrt(D_HIDDEN))
    b2 = jnp.zeros((D_FEAT,), dtype=jnp.float32)
    return {"x": x, "edge_index": edge_index, "W_self": W_self, "W_neigh": W_neigh,
            "b_sage": b_sage, "W1": W1, "b1": b1, "W2": W2, "b2": b2}


def reference(x, edge_index, W_self, W_neigh, b_sage, W1, b1, W2, b2):
    src = edge_index[0]
    dst = edge_index[1]
    n = x.shape[0]
    # SAGEConv with mean aggregation: gather messages from src, scatter-mean onto dst
    msg = jnp.take(x, src, axis=0)
    agg = jax.ops.segment_sum(msg, dst, num_segments=n)
    deg = jax.ops.segment_sum(jnp.ones((src.shape[0],), dtype=x.dtype), dst, num_segments=n)
    agg = agg / jnp.clip(deg, 1.0)[:, None]
    h = x @ W_self + agg @ W_neigh + b_sage
    h = jax.nn.relu(h)  # activation after graphsage layer
    # MLP head
    h = jax.nn.relu(h @ W1 + b1)
    out = h @ W2 + b2
    return out

if __name__ == "__main__":
    import jax
    _d = setup_inputs()
    print(jax.jit(kernel)(*tuple(_d.values())))

</pallas_src>

<mosaic_0001>
#map = affine_map<(d0, d1) -> (0, 0)>
#map1 = affine_map<(d0, d1) -> (0, 0, 0)>
module attributes {stable_mosaic.version = 14 : i64} {
  func.func @sc_kernel(%arg0: i32, %arg1: i32, %arg2: memref<20000x128xf32, #tpu.memory_space<hbm>>, %arg3: memref<2048x80xi32, #tpu.memory_space<hbm>>, %arg4: memref<2x10240x128xf32, #tpu.memory_space<hbm>>, %arg5: memref<2x2x80xi32, #tpu.memory_space<vmem>>, %arg6: memref<4x80xi32, #tpu.memory_space<vmem>>, %arg7: memref<4x80xi32, #tpu.memory_space<vmem>>, %arg8: memref<80x128xf32, #tpu.memory_space<vmem>>, %arg9: memref<80x128xf32, #tpu.memory_space<vmem>>, %arg10: memref<10240x128xf32, #tpu.memory_space<vmem_shared>>, %arg11: memref<!tpu.dma_semaphore, #tpu.memory_space<semaphore_mem>>, %arg12: memref<!tpu.dma_semaphore, #tpu.memory_space<semaphore_mem>>, %arg13: memref<!tpu.dma_semaphore, #tpu.memory_space<semaphore_mem>>, %arg14: memref<!tpu.dma_semaphore, #tpu.memory_space<semaphore_mem>>, %arg15: memref<!tpu.dma_semaphore, #tpu.memory_space<semaphore_mem>>, %arg16: memref<!tpu.dma_semaphore, #tpu.memory_space<semaphore_mem>>) attributes {dimension_semantics = [#tpu.dimension_semantics<core_parallel>, #tpu.dimension_semantics<subcore_parallel>], iteration_bounds = array<i64: 2, 16>, scalar_prefetch = 0 : i64, scratch_operands = 12 : i64, tpu.core_type = #tpu.core_type<sc_vector_subcore>, window_params = [{transform_indices = #map}, {transform_indices = #map}, {transform_indices = #map1}]} {
    %mul3A = arith.constant 128 : i32
    %mul3A_0 = arith.muli %arg1, %mul3A : i32
    %scan3A = arith.constant 0 : i32
    %scan3A_1 = arith.constant 80 : i32
    %scan3A_2 = arith.addi %scan3A, %scan3A_1 : i32
    %scan3A_3 = arith.constant 1 : i32
    scf.for %scan3A_653 = %scan3A to %scan3A_2 step %scan3A_3  : i32 {
      %mul3A_654 = arith.constant 1 : i32
      %mul3A_655 = arith.muli %scan3A_653, %mul3A_654 : i32
      %add3A_656 = arith.constant 0 : i32
      %add3A_657 = arith.addi %add3A_656, %mul3A_655 : i32
      %scan3A_658 = arith.constant 0 : i32
      %scan3A_659 = arith.constant 8 : i32
      %scan3A_660 = arith.addi %scan3A_658, %scan3A_659 : i32
      %scan3A_661 = arith.constant 1 : i32
      scf.for %scan3A_663 = %scan3A_658 to %scan3A_660 step %scan3A_661  : i32 {
        %mul3A_664 = arith.constant 16 : i32
        %mul3A_665 = arith.muli %scan3A_663, %mul3A_664 : i32
        %add3A_666 = arith.constant 0 : i32
        %add3A_667 = arith.addi %add3A_666, %mul3A_665 : i32
        %broadcast_in_dim3A = arith.constant 0.000000e+00 : f32
        %broadcast_in_dim3A_668 = vector.broadcast %broadcast_in_dim3A : f32 to vector<16xf32>
        %swap3A_669 = arith.index_cast %add3A_657 : i32 to index
        %swap3A_670 = arith.index_cast %add3A_667 : i32 to index
        %swap3A_671 = tpu.vector_load %arg8[%swap3A_669, %swap3A_670] {strides = array<i32>} : memref<80x128xf32, #tpu.memory_space<vmem>>, vector<16xf32>,
        tpu.vector_store %arg8[%swap3A_669, %swap3A_670], %broadcast_in_dim3A_668 {strides = array<i32>} : memref<80x128xf32, #tpu.memory_space<vmem>>, vector<16xf32>,
      }
      %scan3A_662 = arith.constant 8 : i32
    }
    %scan3A_4 = arith.constant 80 : i32
    %scan3A_5 = arith.constant 0 : i32
    %scan3A_6 = arith.constant 8 : i32
    %scan3A_7 = arith.addi %scan3A_5, %scan3A_6 : i32
    %scan3A_8 = arith.constant 1 : i32
    scf.for %scan3A_653 = %scan3A_5 to %scan3A_7 step %scan3A_8  : i32 {
      %mul3A_654 = arith.constant 1 : i32
      %mul3A_655 = arith.muli %scan3A_653, %mul3A_654 : i32
      %add3A_656 = arith.constant 0 : i32
      %add3A_657 = arith.addi %add3A_656, %mul3A_655 : i32
      %mul3A_658 = arith.constant 640 : i32
      %mul3A_659 = arith.muli %arg1, %mul3A_658 : i32
      %mul3A_660 = arith.constant 80 : i32
      %mul3A_661 = arith.muli %add3A_657, %mul3A_660 : i32
      %add3A_662 = arith.addi %mul3A_659, %mul3A_661 : i32
      "tpu.region"() ({
        %run_scoped3A_663 = tpu.sem_alloc : memref<!tpu.dma_semaphore, #tpu.memory_space<semaphore_mem>>
        %dma_start3A_664 = arith.constant 0 : i32
        %dma_start3A_665 = tpu.memref_slice %arg10[%add3A_662, %dma_start3A_664] : memref<10240x128xf32, #tpu.memory_space<vmem_shared>> -> memref<80x128xf32, #tpu.memory_space<vmem_shared>>
        %dma_start3A_666 = arith.constant 0 : i32
        %dma_start3A_667 = tpu.memref_slice %arg10[%add3A_662, %dma_start3A_666] : memref<10240x128xf32, #tpu.memory_space<vmem_shared>> -> memref<80x128xf32, #tpu.memory_space<vmem_shared>>
        tpu.enqueue_dma source(%arg8 : memref<80x128xf32, #tpu.memory_space<vmem>>) target(%dma_start3A_667 : memref<80x128xf32, #tpu.memory_space<vmem_shared>>) target_semaphore(%run_scoped3A_663 : memref<!tpu.dma_semaphore, #tpu.memory_space<semaphore_mem>>)
        %dma_wait3A_668 = arith.constant 0 : i32
        %dma_wait3A_669 = tpu.memref_slice %arg10[%add3A_662, %dma_wait3A_668] : memref<10240x128xf32, #tpu.memory_space<vmem_shared>> -> memref<80x128xf32, #tpu.memory_space<vmem_shared>>
        %dma_wait3A_670 = arith.constant 0 : i32
        %dma_wait3A_671 = tpu.memref_slice %arg10[%add3A_662, %dma_wait3A_670] : memref<10240x128xf32, #tpu.memory_space<vmem_shared>> -> memref<80x128xf32, #tpu.memory_space<vmem_shared>>
        tpu.wait_dma2 semaphore(%run_scoped3A_663 : memref<!tpu.dma_semaphore, #tpu.memory_space<semaphore_mem>>) src(%arg8 : memref<80x128xf32, #tpu.memory_space<vmem>>) dst(%dma_wait3A_671 : memref<80x128xf32, #tpu.memory_space<vmem_shared>>)
        tpu.yield
      }) : () -> ()
    }
    %scan3A_9 = arith.constant 8 : i32
    %run_scoped3A = arith.constant 0 : i32
    "tpu.region"() ({
      %run_scoped3A_653 = tpu.sem_alloc : memref<!tpu.dma_semaphore, #tpu.memory_space<semaphore_mem>>
      %dma_start3A_654 = arith.constant 0 : i32
      %dma_start3A_655 = arith.constant 0 : i32
      %dma_start3A_656 = tpu.memref_slice %arg5[%run_scoped3A, %dma_start3A_654, %dma_start3A_655] : memref<2x2x80xi32, #tpu.memory_space<vmem>> -> memref<1x2x80xi32, #tpu.memory_space<vmem>>
      %dma_start3A_657 = tpu.memref_squeeze %dma_start3A_656 : memref<1x2x80xi32, #tpu.memory_space<vmem>> -> memref<2x80xi32, #tpu.memory_space<vmem>>
      %dma_start3A_658 = arith.constant 0 : i32
      %dma_start3A_659 = tpu.memref_slice %arg3[%mul3A_0, %dma_start3A_658] : memref<2048x80xi32, #tpu.memory_space<hbm>> -> memref<2x80xi32, #tpu.memory_space<hbm>>
      %dma_start3A_660 = arith.constant 0 : i32
      %dma_start3A_661 = arith.constant 0 : i32
      %dma_start3A_662 = tpu.memref_slice %arg5[%run_scoped3A, %dma_start3A_660, %dma_start3A_661] : memref<2x2x80xi32, #tpu.memory_space<vmem>> -> memref<1x2x80xi32, #tpu.memory_space<vmem>>
      %dma_start3A_663 = tpu.memref_squeeze %dma_start3A_662 : memref<1x2x80xi32, #tpu.memory_space<vmem>> -> memref<2x80xi32, #tpu.memory_space<vmem>>
      %dma_start3A_664 = arith.constant 0 : i32
      %dma_start3A_665 = tpu.memref_slice %arg3[%mul3A_0, %dma_start3A_664] : memref<2048x80xi32, #tpu.memory_space<hbm>> -> memref<2x80xi32, #tpu.memory_space<hbm>>
      tpu.enqueue_dma source(%dma_start3A_665 : memref<2x80xi32, #tpu.memory_space<hbm>>) target(%dma_start3A_663 : memref<2x80xi32, #tpu.memory_space<vmem>>) target_semaphore(%run_scoped3A_653 : memref<!tpu.dma_semaphore, #tpu.memory_space<semaphore_mem>>)
      %dma_wait3A_666 = arith.constant 0 : i32
      %dma_wait3A_667 = arith.constant 0 : i32
      %dma_wait3A_668 = tpu.memref_slice %arg5[%run_scoped3A, %dma_wait3A_666, %dma_wait3A_667] : memref<2x2x80xi32, #tpu.memory_space<vmem>> -> memref<1x2x80xi32, #tpu.memory_space<vmem>>
      %dma_wait3A_669 = tpu.memref_squeeze %dma_wait3A_668 : memref<1x2x80xi32, #tpu.memory_space<vmem>> -> memref<2x80xi32, #tpu.memory_space<vmem>>
      %dma_wait3A_670 = arith.constant 0 : i32
      %dma_wait3A_671 = tpu.memref_slice %arg3[%mul3A_0, %dma_wait3A_670] : memref<2048x80xi32, #tpu.memory_space<hbm>> -> memref<2x80xi32, #tpu.memory_space<hbm>>
      %dma_wait3A_672 = arith.constant 0 : i32
      %dma_wait3A_673 = arith.constant 0 : i32
      %dma_wait3A_674 = tpu.memref_slice %arg5[%run_scoped3A, %dma_wait3A_672, %dma_wait3A_673] : memref<2x2x80xi32, #tpu.memory_space<vmem>> -> memref<1x2x80xi32, #tpu.memory_space<vmem>>
      %dma_wait3A_675 = tpu.memref_squeeze %dma_wait3A_674 : memref<1x2x80xi32, #tpu.memory_space<vmem>> -> memref<2x80xi32, #tpu.memory_space<vmem>>
      %dma_wait3A_676 = arith.constant 0 : i32
      %dma_wait3A_677 = tpu.memref_slice %arg3[%mul3A_0, %dma_wait3A_676] : memref<2048x80xi32, #tpu.memory_space<hbm>> -> memref<2x80xi32, #tpu.memory_space<hbm>>
      tpu.wait_dma2 semaphore(%run_scoped3A_653 : memref<!tpu.dma_semaphore, #tpu.memory_space<semaphore_mem>>) src(%dma_wait3A_677 : memref<2x80xi32, #tpu.memory_space<hbm>>) dst(%dma_wait3A_675 : memref<2x80xi32, #tpu.memory_space<vmem>>)
      tpu.yield
    }) : () -> ()
    %get3A = arith.constant 0 : i32
    %get3A_10 = arith.constant 0 : i32
    %get3A_11 = arith.index_cast %get3A : i32 to index
    %get3A_12 = arith.index_cast %get3A_10 : i32 to index
    %get3A_13 = arith.constant 0 : index
    %get3A_14 = tpu.vector_load %arg5[%get3A_11, %get3A_12, %get3A_13] {strides = array<i32>} : memref<2x2x80xi32, #tpu.memory_space<vmem>>, vector<16xi32>,
    %shift_right_arithmetic3A = arith.constant 14 : i32
    %shift_right_arithmetic3A_15 = vector.broadcast %shift_right_arithmetic3A : i32 to vector<16xi32>
    %shift_right_arithmetic3A_16 = arith.shrsi %get3A_14, %shift_right_arithmetic3A_15 : vector<16xi32>
    %mul3A_17 = arith.constant 2 : i32
    %mul3A_18 = vector.broadcast %mul3A_17 : i32 to vector<16xi32>
    %mul3A_19 = arith.muli %shift_right_arithmetic3A_16, %mul3A_18 : vector<16xi32>
    %add3A = vector.broadcast %arg0 : i32 to vector<16xi32>
    %add3A_20 = arith.addi %mul3A_19, %add3A : vector<16xi32>
    %swap3A = arith.constant 0 : i32
    %swap3A_21 = arith.index_cast %swap3A : i32 to index
    %swap3A_22 = arith.constant 0 : index
    %swap3A_23 = tpu.vector_load %arg6[%swap3A_21, %swap3A_22] {strides = array<i32>} : memref<4x80xi32, #tpu.memory_space<vmem>>, vector<16xi32>,
    tpu.vector_store %arg6[%swap3A_21, %swap3A_22], %add3A_20 {strides = array<i32>} : memref<4x80xi32, #tpu.memory_space<vmem>>, vector<16xi32>,
    %and3A = arith.constant 16383 : i32
    %and3A_24 = vector.broadcast %and3A : i32 to vector<16xi32>
    %and3A_25 = arith.andi %get3A_14, %and3A_24 : vector<16xi32>
    %swap3A_26 = arith.constant 0 : i32
    %swap3A_27 = arith.index_cast %swap3A_26 : i32 to index
    %swap3A_28 = arith.constant 0 : index
    %swap3A_29 = tpu.vector_load %arg7[%swap3A_27, %swap3A_28] {strides = array<i32>} : memref<4x80xi32, #tpu.memory_space<vmem>>, vector<16xi32>,
    tpu.vector_store %arg7[%swap3A_27, %swap3A_28], %and3A_25 {strides = array<i32>} : memref<4x80xi32, #tpu.memory_space<vmem>>, vector<16xi32>,
    %get3A_30 = arith.constant 0 : i32
    %get3A_31 = arith.constant 0 : i32
    %get3A_32 = arith.index_cast %get3A_30 : i32 to index
    %get3A_33 = arith.index_cast %get3A_31 : i32 to index
    %get3A_34 = arith.constant 16 : index
    %get3A_35 = tpu.vector_load %arg5[%get3A_32, %get3A_33, %get3A_34] {strides = array<i32>} : memref<2x2x80xi32, #tpu.memory_space<vmem>>, vector<16xi32>,
    %shift_right_arithmetic3A_36 = arith.constant 14 : i32
    %shift_right_arithmetic3A_37 = vector.broadcast %shift_right_arithmetic3A_36 : i32 to vector<16xi32>
    %shift_right_arithmetic3A_38 = arith.shrsi %get3A_35, %shift_right_arithmetic3A_37 : vector<16xi32>
    %mul3A_39 = arith.constant 2 : i32
    %mul3A_40 = vector.broadcast %mul3A_39 : i32 to vector<16xi32>
    %mul3A_41 = arith.muli %shift_right_arithmetic3A_38, %mul3A_40 : vector<16xi32>
    %add3A_42 = vector.broadcast %arg0 : i32 to vector<16xi32>
    %add3A_43 = arith.addi %mul3A_41, %add3A_42 : vector<16xi32>
    %swap3A_44 = arith.constant 0 : i32
    %swap3A_45 = arith.index_cast %swap3A_44 : i32 to index
    %swap3A_46 = arith.constant 16 : index
    %swap3A_47 = tpu.vector_load %arg6[%swap3A_45, %swap3A_46] {strides = array<i32>} : memref<4x80xi32, #tpu.memory_space<vmem>>, vector<16xi32>,
    tpu.vector_store %arg6[%swap3A_45, %swap3A_46], %add3A_43 {strides = array<i32>} : memref<4x80xi32, #tpu.memory_space<vmem>>, vector<16xi32>,
    %and3A_48 = arith.constant 16383 : i32
    %and3A_49 = vector.broadcast %and3A_48 : i32 to vector<16xi32>
    %and3A_50 = arith.andi %get3A_35, %and3A_49 : vector<16xi32>
    %swap3A_51 = arith.constant 0 : i32
    %swap3A_52 = arith.index_cast %swap3A_51 : i32 to index
    %swap3A_53 = arith.constant 16 : index
    %swap3A_54 = tpu.vector_load %arg7[%swap3A_52, %swap3A_53] {strides = array<i32>} : memref<4x80xi32, #tpu.memory_space<vmem>>, vector<16xi32>,
    tpu.vector_store %arg7[%swap3A_52, %swap3A_53], %and3A_50 {strides = array<i32>} : memref<4x80xi32, #tpu.memory_space<vmem>>, vector<16xi32>,
    %get3A_55 = arith.constant 0 : i32
    %get3A_56 = arith.constant 0 : i32
    %get3A_57 = arith.index_cast %get3A_55 : i32 to index
    %get3A_58 = arith.index_cast %get3A_56 : i32 to index
    %get3A_59 = arith.constant 32 : index
    %get3A_60 = tpu.vector_load %arg5[%get3A_57, %get3A_58, %get3A_59] {strides = array<i32>} : memref<2x2x80xi32, #tpu.memory_space<vmem>>, vector<16xi32>,
    %shift_right_arithmetic3A_61 = arith.constant 14 : i32
    %shift_right_arithmetic3A_62 = vector.broadcast %shift_right_arithmetic3A_61 : i32 to vector<16xi32>
    %shift_right_arithmetic3A_63 = arith.shrsi %get3A_60, %shift_right_arithmetic3A_62 : vector<16xi32>
    %mul3A_64 = arith.constant 2 : i32
    %mul3A_65 = vector.broadcast %mul3A_64 : i32 to vector<16xi32>
    %mul3A_66 = arith.muli %shift_right_arithmetic3A_63, %mul3A_65 : vector<16xi32>
    %add3A_67 = vector.broadcast %arg0 : i32 to vector<16xi32>
    %add3A_68 = arith.addi %mul3A_66, %add3A_67 : vector<16xi32>
    %swap3A_69 = arith.constant 0 : i32
    %swap3A_70 = arith.index_cast %swap3A_69 : i32 to index
    %swap3A_71 = arith.constant 32 : index
    %swap3A_72 = tpu.vector_load %arg6[%swap3A_70, %swap3A_71] {strides = array<i32>} : memref<4x80xi32, #tpu.memory_space<vmem>>, vector<16xi32>,
    tpu.vector_store %arg6[%swap3A_70, %swap3A_71], %add3A_68 {strides = array<i32>} : memref<4x80xi32, #tpu.memory_space<vmem>>, vector<16xi32>,
    %and3A_73 = arith.constant 16383 : i32
    %and3A_74 = vector.broadcast %and3A_73 : i32 to vector<16xi32>
    %and3A_75 = arith.andi %get3A_60, %and3A_74 : vector<16xi32>
    %swap3A_76 = arith.constant 0 : i32
    %swap3A_77 = arith.index_cast %swap3A_76 : i32 to index
    %swap3A_78 = arith.constant 32 : index
    %swap3A_79 = tpu.vector_load %arg7[%swap3A_77, %swap3A_78] {strides = array<i32>} : memref<4x80xi32, #tpu.memory_space<vmem>>, vector<16xi32>,
    tpu.vector_store %arg7[%swap3A_77, %swap3A_78], %and3A_75 {strides = array<i32>} : memref<4x80xi32, #tpu.memory_space<vmem>>, vector<16xi32>,
    %get3A_80 = arith.constant 0 : i32
    %get3A_81 = arith.constant 0 : i32
    %get3A_82 = arith.index_cast %get3A_80 : i32 to index
    %get3A_83 = arith.index_cast %get3A_81 : i32 to index
    %get3A_84 = arith.constant 48 : index
    %get3A_85 = tpu.vector_load %arg5[%get3A_82, %get3A_83, %get3A_84] {strides = array<i32>} : memref<2x2x80xi32, #tpu.memory_space<vmem>>, vector<16xi32>,
    %shift_right_arithmetic3A_86 = arith.constant 14 : i32
    %shift_right_arithmetic3A_87 = vector.broadcast %shift_right_arithmetic3A_86 : i32 to vector<16xi32>
    %shift_right_arithmetic3A_88 = arith.shrsi %get3A_85, %shift_right_arithmetic3A_87 : vector<16xi32>
    %mul3A_89 = arith.constant 2 : i32
    %mul3A_90 = vector.broadcast %mul3A_89 : i32 to vector<16xi32>
    %mul3A_91 = arith.muli %shift_right_arithmetic3A_88, %mul3A_90 : vector<16xi32>
    %add3A_92 = vector.broadcast %arg0 : i32 to vector<16xi32>
    %add3A_93 = arith.addi %mul3A_91, %add3A_92 : vector<16xi32>
    %swap3A_94 = arith.constant 0 : i32
    %swap3A_95 = arith.index_cast %swap3A_94 : i32 to index
    %swap3A_96 = arith.constant 48 : index
    %swap3A_97 = tpu.vector_load %arg6[%swap3A_95, %swap3A_96] {strides = array<i32>} : memref<4x80xi32, #tpu.memory_space<vmem>>, vector<16xi32>,
    tpu.vector_store %arg6[%swap3A_95, %swap3A_96], %add3A_93 {strides = array<i32>} : memref<4x80xi32, #tpu.memory_space<vmem>>, vector<16xi32>,
    %and3A_98 = arith.constant 16383 : i32
    %and3A_99 = vector.broadcast %and3A_98 : i32 to vector<16xi32>
    %and3A_100 = arith.andi %get3A_85, %and3A_99 : vector<16xi32>
    %swap3A_101 = arith.constant 0 : i32
    %swap3A_102 = arith.index_cast %swap3A_101 : i32 to index
    %swap3A_103 = arith.constant 48 : index
    %swap3A_104 = tpu.vector_load %arg7[%swap3A_102, %swap3A_103] {strides = array<i32>} : memref<4x80xi32, #tpu.memory_space<vmem>>, vector<16xi32>,
    tpu.vector_store %arg7[%swap3A_102, %swap3A_103], %and3A_100 {strides = array<i32>} : memref<4x80xi32, #tpu.memory_space<vmem>>, vector<16xi32>,
    %get3A_105 = arith.constant 0 : i32
    %get3A_106 = arith.constant 0 : i32
    %get3A_107 = arith.index_cast %get3A_105 : i32 to index
    %get3A_108 = arith.index_cast %get3A_106 : i32 to index
    %get3A_109 = arith.constant 64 : index
    %get3A_110 = tpu.vector_load %arg5[%get3A_107, %get3A_108, %get3A_109] {strides = array<i32>} : memref<2x2x80xi32, #tpu.memory_space<vmem>>, vector<16xi32>,
    %shift_right_arithmetic3A_111 = arith.constant 14 : i32
    %shift_right_arithmetic3A_112 = vector.broadcast %shift_right_arithmetic3A_111 : i32 to vector<16xi32>
    %shift_right_arithmetic3A_113 = arith.shrsi %get3A_110, %shift_right_arithmetic3A_112 : vector<16xi32>
    %mul3A_114 = arith.constant 2 : i32
    %mul3A_115 = vector.broadcast %mul3A_114 : i32 to vector<16xi32>
    %mul3A_116 = arith.muli %shift_right_arithmetic3A_113, %mul3A_115 : vector<16xi32>
    %add3A_117 = vector.broadcast %arg0 : i32 to vector<16xi32>
    %add3A_118 = arith.addi %mul3A_116, %add3A_117 : vector<16xi32>
    %swap3A_119 = arith.constant 0 : i32
    %swap3A_120 = arith.index_cast %swap3A_119 : i32 to index
    %swap3A_121 = arith.constant 64 : index
    %swap3A_122 = tpu.vector_load %arg6[%swap3A_120, %swap3A_121] {strides = array<i32>} : memref<4x80xi32, #tpu.memory_space<vmem>>, vector<16xi32>,
    tpu.vector_store %arg6[%swap3A_120, %swap3A_121], %add3A_118 {strides = array<i32>} : memref<4x80xi32, #tpu.memory_space<vmem>>, vector<16xi32>,
    %and3A_123 = arith.constant 16383 : i32
    %and3A_124 = vector.broadcast %and3A_123 : i32 to vector<16xi32>
    %and3A_125 = arith.andi %get3A_110, %and3A_124 : vector<16xi32>
    %swap3A_126 = arith.constant 0 : i32
    %swap3A_127 = arith.index_cast %swap3A_126 : i32 to index
    %swap3A_128 = arith.constant 64 : index
    %swap3A_129 = tpu.vector_load %arg7[%swap3A_127, %swap3A_128] {strides = array<i32>} : memref<4x80xi32, #tpu.memory_space<vmem>>, vector<16xi32>,
    tpu.vector_store %arg7[%swap3A_127, %swap3A_128], %and3A_125 {strides = array<i32>} : memref<4x80xi32, #tpu.memory_space<vmem>>, vector<16xi32>,
    %get3A_130 = arith.constant 0 : i32
    %get3A_131 = arith.constant 1 : i32
    %get3A_132 = arith.index_cast %get3A_130 : i32 to index
    %get3A_133 = arith.index_cast %get3A_131 : i32 to index
    %get3A_134 = arith.constant 0 : index
    %get3A_135 = tpu.vector_load %arg5[%get3A_132, %get3A_133, %get3A_134] {strides = array<i32>} : memref<2x2x80xi32, #tpu.memory_space<vmem>>, vector<16xi32>,
    %shift_right_arithmetic3A_136 = arith.constant 14 : i32
    %shift_right_arithmetic3A_137 = vector.broadcast %shift_right_arithmetic3A_136 : i32 to vector<16xi32>
    %shift_right_arithmetic3A_138 = arith.shrsi %get3A_135, %shift_right_arithmetic3A_137 : vector<16xi32>
    %mul3A_139 = arith.constant 2 : i32
    %mul3A_140 = vector.broadcast %mul3A_139 : i32 to vector<16xi32>
    %mul3A_141 = arith.muli %shift_right_arithmetic3A_138, %mul3A_140 : vector<16xi32>
    %add3A_142 = vector.broadcast %arg0 : i32 to vector<16xi32>
    %add3A_143 = arith.addi %mul3A_141, %add3A_142 : vector<16xi32>
    %swap3A_144 = arith.constant 1 : i32
    %swap3A_145 = arith.index_cast %swap3A_144 : i32 to index
    %swap3A_146 = arith.constant 0 : index
    %swap3A_147 = tpu.vector_load %arg6[%swap3A_145, %swap3A_146] {strides = array<i32>} : memref<4x80xi32, #tpu.memory_space<vmem>>, vector<16xi32>,
    tpu.vector_store %arg6[%swap3A_145, %swap3A_146], %add3A_143 {strides = array<i32>} : memref<4x80xi32, #tpu.memory_space<vmem>>, vector<16xi32>,
    %and3A_148 = arith.constant 16383 : i32
    %and3A_149 = vector.broadcast %and3A_148 : i32 to vector<16xi32>
    %and3A_150 = arith.andi %get3A_135, %and3A_149 : vector<16xi32>
    %swap3A_151 = arith.constant 1 : i32
    %swap3A_152 = arith.index_cast %swap3A_151 : i32 to index
    %swap3A_153 = arith.constant 0 : index
    %swap3A_154 = tpu.vector_load %arg7[%swap3A_152, %swap3A_153] {strides = array<i32>} : memref<4x80xi32, #tpu.memory_space<vmem>>, vector<16xi32>,
    tpu.vector_store %arg7[%swap3A_152, %swap3A_153], %and3A_150 {strides = array<i32>} : memref<4x80xi32, #tpu.memory_space<vmem>>, vector<16xi32>,
    %get3A_155 = arith.constant 0 : i32
    %get3A_156 = arith.constant 1 : i32
    %get3A_157 = arith.index_cast %get3A_155 : i32 to index
    %get3A_158 = arith.index_cast %get3A_156 : i32 to index
    %get3A_159 = arith.constant 16 : index
    %get3A_160 = tpu.vector_load %arg5[%get3A_157, %get3A_158, %get3A_159] {strides = array<i32>} : memref<2x2x80xi32, #tpu.memory_space<vmem>>, vector<16xi32>,
    %shift_right_arithmetic3A_161 = arith.constant 14 : i32
    %shift_right_arithmetic3A_162 = vector.broadcast %shift_right_arithmetic3A_161 : i32 to vector<16xi32>
    %shift_right_arithmetic3A_163 = arith.shrsi %get3A_160, %shift_right_arithmetic3A_162 : vector<16xi32>
    %mul3A_164 = arith.constant 2 : i32
    %mul3A_165 = vector.broadcast %mul3A_164 : i32 to vector<16xi32>
    %mul3A_166 = arith.muli %shift_right_arithmetic3A_163, %mul3A_165 : vector<16xi32>
    %add3A_167 = vector.broadcast %arg0 : i32 to vector<16xi32>
    %add3A_168 = arith.addi %mul3A_166, %add3A_167 : vector<16xi32>
    %swap3A_169 = arith.constant 1 : i32
    %swap3A_170 = arith.index_cast %swap3A_169 : i32 to index
    %swap3A_171 = arith.constant 16 : index
    %swap3A_172 = tpu.vector_load %arg6[%swap3A_170, %swap3A_171] {strides = array<i32>} : memref<4x80xi32, #tpu.memory_space<vmem>>, vector<16xi32>,
    tpu.vector_store %arg6[%swap3A_170, %swap3A_171], %add3A_168 {strides = array<i32>} : memref<4x80xi32, #tpu.memory_space<vmem>>, vector<16xi32>,
    %and3A_173 = arith.constant 16383 : i32
    %and3A_174 = vector.broadcast %and3A_173 : i32 to vector<16xi32>
    %and3A_175 = arith.andi %get3A_160, %and3A_174 : vector<16xi32>
    %swap3A_176 = arith.constant 1 : i32
    %swap3A_177 = arith.index_cast %swap3A_176 : i32 to index
    %swap3A_178 = arith.constant 16 : index
    %swap3A_179 = tpu.vector_load %arg7[%swap3A_177, %swap3A_178] {strides = array<i32>} : memref<4x80xi32, #tpu.memory_space<vmem>>, vector<16xi32>,
    tpu.vector_store %arg7[%swap3A_177, %swap3A_178], %and3A_175 {strides = array<i32>} : memref<4x80xi32, #tpu.memory_space<vmem>>, vector<16xi32>,
    %get3A_180 = arith.constant 0 : i32
    %get3A_181 = arith.constant 1 : i32
    %get3A_182 = arith.index_cast %get3A_180 : i32 to index
    %get3A_183 = arith.index_cast %get3A_181 : i32 to index
    %get3A_184 = arith.constant 32 : index
    %get3A_185 = tpu.vector_load %arg5[%get3A_182, %get3A_183, %get3A_184] {strides = array<i32>} : memref<2x2x80xi32, #tpu.memory_space<vmem>>, vector<16xi32>,
    %shift_right_arithmetic3A_186 = arith.constant 14 : i32
    %shift_right_arithmetic3A_187 = vector.broadcast %shift_right_arithmetic3A_186 : i32 to vector<16xi32>
    %shift_right_arithmetic3A_188 = arith.shrsi %get3A_185, %shift_right_arithmetic3A_187 : vector<16xi32>
    %mul3A_189 = arith.constant 2 : i32
    %mul3A_190 = vector.broadcast %mul3A_189 : i32 to vector<16xi32>
    %mul3A_191 = arith.muli %shift_right_arithmetic3A_188, %mul3A_190 : vector<16xi32>
    %add3A_192 = vector.broadcast %arg0 : i32 to vector<16xi32>
    %add3A_193 = arith.addi %mul3A_191, %add3A_192 : vector<16xi32>
    %swap3A_194 = arith.constant 1 : i32
    %swap3A_195 = arith.index_cast %swap3A_194 : i32 to index
    %swap3A_196 = arith.constant 32 : index
    %swap3A_197 = tpu.vector_load %arg6[%swap3A_195, %swap3A_196] {strides = array<i32>} : memref<4x80xi32, #tpu.memory_space<vmem>>, vector<16xi32>,
    tpu.vector_store %arg6[%swap3A_195, %swap3A_196], %add3A_193 {strides = array<i32>} : memref<4x80xi32, #tpu.memory_space<vmem>>, vector<16xi32>,
    %and3A_198 = arith.constant 16383 : i32
    %and3A_199 = vector.broadcast %and3A_198 : i32 to vector<16xi32>
    %and3A_200 = arith.andi %get3A_185, %and3A_199 : vector<16xi32>
    %swap3A_201 = arith.constant 1 : i32
    %swap3A_202 = arith.index_cast %swap3A_201 : i32 to index
    %swap3A_203 = arith.constant 32 : index
    %swap3A_204 = tpu.vector_load %arg7[%swap3A_202, %swap3A_203] {strides = array<i32>} : memref<4x80xi32, #tpu.memory_space<vmem>>, vector<16xi32>,
    tpu.vector_store %arg7[%swap3A_202, %swap3A_203], %and3A_200 {strides = array<i32>} : memref<4x80xi32, #tpu.memory_space<vmem>>, vector<16xi32>,
    %get3A_205 = arith.constant 0 : i32
    %get3A_206 = arith.constant 1 : i32
    %get3A_207 = arith.index_cast %get3A_205 : i32 to index
    %get3A_208 = arith.index_cast %get3A_206 : i32 to index
    %get3A_209 = arith.constant 48 : index
    %get3A_210 = tpu.vector_load %arg5[%get3A_207, %get3A_208, %get3A_209] {strides = array<i32>} : memref<2x2x80xi32, #tpu.memory_space<vmem>>, vector<16xi32>,
    %shift_right_arithmetic3A_211 = arith.constant 14 : i32
    %shift_right_arithmetic3A_212 = vector.broadcast %shift_right_arithmetic3A_211 : i32 to vector<16xi32>
    %shift_right_arithmetic3A_213 = arith.shrsi %get3A_210, %shift_right_arithmetic3A_212 : vector<16xi32>
    %mul3A_214 = arith.constant 2 : i32
    %mul3A_215 = vector.broadcast %mul3A_214 : i32 to vector<16xi32>
    %mul3A_216 = arith.muli %shift_right_arithmetic3A_213, %mul3A_215 : vector<16xi32>
    %add3A_217 = vector.broadcast %arg0 : i32 to vector<16xi32>
    %add3A_218 = arith.addi %mul3A_216, %add3A_217 : vector<16xi32>
    %swap3A_219 = arith.constant 1 : i32
    %swap3A_220 = arith.index_cast %swap3A_219 : i32 to index
    %swap3A_221 = arith.constant 48 : index
    %swap3A_222 = tpu.vector_load %arg6[%swap3A_220, %swap3A_221] {strides = array<i32>} : memref<4x80xi32, #tpu.memory_space<vmem>>, vector<16xi32>,
    tpu.vector_store %arg6[%swap3A_220, %swap3A_221], %add3A_218 {strides = array<i32>} : memref<4x80xi32, #tpu.memory_space<vmem>>, vector<16xi32>,
    %and3A_223 = arith.constant 16383 : i32
    %and3A_224 = vector.broadcast %and3A_223 : i32 to vector<16xi32>
    %and3A_225 = arith.andi %get3A_210, %and3A_224 : vector<16xi32>
    %swap3A_226 = arith.constant 1 : i32
    %swap3A_227 = arith.index_cast %swap3A_226 : i32 to index
    %swap3A_228 = arith.constant 48 : index
    %swap3A_229 = tpu.vector_load %arg7[%swap3A_227, %swap3A_228] {strides = array<i32>} : memref<4x80xi32, #tpu.memory_space<vmem>>, vector<16xi32>,
    tpu.vector_store %arg7[%swap3A_227, %swap3A_228], %and3A_225 {strides = array<i32>} : memref<4x80xi32, #tpu.memory_space<vmem>>, vector<16xi32>,
    %get3A_230 = arith.constant 0 : i32
    %get3A_231 = arith.constant 1 : i32
    %get3A_232 = arith.index_cast %get3A_230 : i32 to index
    %get3A_233 = arith.index_cast %get3A_231 : i32 to index
    %get3A_234 = arith.constant 64 : index
    %get3A_235 = tpu.vector_load %arg5[%get3A_232, %get3A_233, %get3A_234] {strides = array<i32>} : memref<2x2x80xi32, #tpu.memory_space<vmem>>, vector<16xi32>,
    %shift_right_arithmetic3A_236 = arith.constant 14 : i32
    %shift_right_arithmetic3A_237 = vector.broadcast %shift_right_arithmetic3A_236 : i32 to vector<16xi32>
    %shift_right_arithmetic3A_238 = arith.shrsi %get3A_235, %shift_right_arithmetic3A_237 : vector<16xi32>
    %mul3A_239 = arith.constant 2 : i32
    %mul3A_240 = vector.broadcast %mul3A_239 : i32 to vector<16xi32>
    %mul3A_241 = arith.muli %shift_right_arithmetic3A_238, %mul3A_240 : vector<16xi32>
    %add3A_242 = vector.broadcast %arg0 : i32 to vector<16xi32>
    %add3A_243 = arith.addi %mul3A_241, %add3A_242 : vector<16xi32>
    %swap3A_244 = arith.constant 1 : i32
    %swap3A_245 = arith.index_cast %swap3A_244 : i32 to index
    %swap3A_246 = arith.constant 64 : index
    %swap3A_247 = tpu.vector_load %arg6[%swap3A_245, %swap3A_246] {strides = array<i32>} : memref<4x80xi32, #tpu.memory_space<vmem>>, vector<16xi32>,
    tpu.vector_store %arg6[%swap3A_245, %swap3A_246], %add3A_243 {strides = array<i32>} : memref<4x80xi32, #tpu.memory_space<vmem>>, vector<16xi32>,
    %and3A_248 = arith.constant 16383 : i32
    %and3A_249 = vector.broadcast %and3A_248 : i32 to vector<16xi32>
    %and3A_250 = arith.andi %get3A_235, %and3A_249 : vector<16xi32>
    %swap3A_251 = arith.constant 1 : i32
    %swap3A_252 = arith.index_cast %swap3A_251 : i32 to index
    %swap3A_253 = arith.constant 64 : index
    %swap3A_254 = tpu.vector_load %arg7[%swap3A_252, %swap3A_253] {strides = array<i32>} : memref<4x80xi32, #tpu.memory_space<vmem>>, vector<16xi32>,
    tpu.vector_store %arg7[%swap3A_252, %swap3A_253], %and3A_250 {strides = array<i32>} : memref<4x80xi32, #tpu.memory_space<vmem>>, vector<16xi32>,
    %add3A_255 = arith.constant 2 : i32
    %add3A_256 = arith.addi %mul3A_0, %add3A_255 : i32
    %dma_start3A = arith.constant 1 : i32
    %dma_start3A_257 = arith.constant 0 : i32
    %dma_start3A_258 = arith.constant 0 : i32
    %dma_start3A_259 = tpu.memref_slice %arg5[%dma_start3A, %dma_start3A_257, %dma_start3A_258] : memref<2x2x80xi32, #tpu.memory_space<vmem>> -> memref<1x2x80xi32, #tpu.memory_space<vmem>>
    %dma_start3A_260 = tpu.memref_squeeze %dma_start3A_259 : memref<1x2x80xi32, #tpu.memory_space<vmem>> -> memref<2x80xi32, #tpu.memory_space<vmem>>
    %dma_start3A_261 = arith.constant 0 : i32
    %dma_start3A_262 = tpu.memref_slice %arg3[%add3A_256, %dma_start3A_261] : memref<2048x80xi32, #tpu.memory_space<hbm>> -> memref<2x80xi32, #tpu.memory_space<hbm>>
    %dma_start3A_263 = arith.constant 0 : i32
    %dma_start3A_264 = arith.constant 0 : i32
    %dma_start3A_265 = tpu.memref_slice %arg5[%dma_start3A, %dma_start3A_263, %dma_start3A_264] : memref<2x2x80xi32, #tpu.memory_space<vmem>> -> memref<1x2x80xi32, #tpu.memory_space<vmem>>
    %dma_start3A_266 = tpu.memref_squeeze %dma_start3A_265 : memref<1x2x80xi32, #tpu.memory_space<vmem>> -> memref<2x80xi32, #tpu.memory_space<vmem>>
    %dma_start3A_267 = arith.constant 0 : i32
    %dma_start3A_268 = tpu.memref_slice %arg3[%add3A_256, %dma_start3A_267] : memref<2048x80xi32, #tpu.memory_space<hbm>> -> memref<2x80xi32, #tpu.memory_space<hbm>>
    tpu.enqueue_dma source(%dma_start3A_268 : memref<2x80xi32, #tpu.memory_space<hbm>>) target(%dma_start3A_266 : memref<2x80xi32, #tpu.memory_space<vmem>>) target_semaphore(%arg16 : memref<!tpu.dma_semaphore, #tpu.memory_space<semaphore_mem>>)
    %dma_start3A_269 = arith.constant 0 : i32
    %dma_start3A_270 = arith.constant 0 : i32
    %dma_start3A_271 = tpu.memref_slice %arg6[%dma_start3A_269, %dma_start3A_270] : memref<4x80xi32, #tpu.memory_space<vmem>> -> memref<1x80xi32, #tpu.memory_space<vmem>>
    %dma_start3A_272 = tpu.memref_squeeze %dma_start3A_271 : memref<1x80xi32, #tpu.memory_space<vmem>> -> memref<80xi32, #tpu.memory_space<vmem>>
    %dma_start3A_273 = arith.constant 0 : i32
    %dma_start3A_274 = arith.constant 0 : i32
    %dma_start3A_275 = tpu.memref_slice %arg2[%dma_start3A_273, %dma_start3A_274] : memref<20000x128xf32, #tpu.memory_space<hbm>> -> memref<20000x128xf32, #tpu.memory_space<hbm>>
    tpu.enqueue_indirect_dma source(%dma_start3A_275 : memref<20000x128xf32, #tpu.memory_space<hbm>>) target(%arg8 : memref<80x128xf32, #tpu.memory_space<vmem>>) offsets(%dma_start3A_272 : memref<80xi32, #tpu.memory_space<vmem>>) semaphore(%arg11 : memref<!tpu.dma_semaphore, #tpu.memory_space<semaphore_mem>>)
    %dma_start3A_276 = arith.constant 1 : i32
    %dma_start3A_277 = arith.constant 0 : i32
    %dma_start3A_278 = tpu.memref_slice %arg6[%dma_start3A_276, %dma_start3A_277] : memref<4x80xi32, #tpu.memory_space<vmem>> -> memref<1x80xi32, #tpu.memory_space<vmem>>
    %dma_start3A_279 = tpu.memref_squeeze %dma_start3A_278 : memref<1x80xi32, #tpu.memory_space<vmem>> -> memref<80xi32, #tpu.memory_space<vmem>>
    %dma_start3A_280 = arith.constant 0 : i32
    %dma_start3A_281 = arith.constant 0 : i32
    %dma_start3A_282 = tpu.memref_slice %arg2[%dma_start3A_280, %dma_start3A_281] : memref<20000x128xf32, #tpu.memory_space<hbm>> -> memref<20000x128xf32, #tpu.memory_space<hbm>>
    tpu.enqueue_indirect_dma source(%dma_start3A_282 : memref<20000x128xf32, #tpu.memory_space<hbm>>) target(%arg9 : memref<80x128xf32, #tpu.memory_space<vmem>>) offsets(%dma_start3A_279 : memref<80xi32, #tpu.memory_space<vmem>>) semaphore(%arg12 : memref<!tpu.dma_semaphore, #tpu.memory_space<semaphore_mem>>)
    %barrier3A = arith.constant 0 : index
    tpu.barrier barrier_id(%barrier3A)
    %scan3A_283 = arith.constant 0 : i32
    %scan3A_284 = arith.constant 31 : i32
    %scan3A_285 = arith.addi %scan3A_283, %scan3A_284 : i32
    %scan3A_286 = arith.constant 1 : i32
    scf.for %scan3A_653 = %scan3A_283 to %scan3A_285 step %scan3A_286  : i32 {
      %mul3A_654 = arith.constant 1 : i32
      %mul3A_655 = arith.muli %scan3A_653, %mul3A_654 : i32
      %add3A_656 = arith.constant 0 : i32
      %add3A_657 = arith.addi %add3A_656, %mul3A_655 : i32
      %mul3A_658 = arith.constant 2 : i32
      %mul3A_659 = arith.muli %mul3A_658, %add3A_657 : i32
      %mul3A_660 = arith.constant 2 : i32
      %mul3A_661 = arith.muli %mul3A_660, %mul3A_659 : i32
      %add3A_662 = arith.addi %mul3A_0, %mul3A_661 : i32
      %add3A_663 = arith.constant 4 : i32
      %add3A_664 = arith.addi %add3A_662, %add3A_663 : i32
      %dma_start3A_665 = arith.constant 0 : i32
      %dma_start3A_666 = arith.constant 0 : i32
      %dma_start3A_667 = arith.constant 0 : i32
      %dma_start3A_668 = tpu.memref_slice %arg5[%dma_start3A_665, %dma_start3A_666, %dma_start3A_667] : memref<2x2x80xi32, #tpu.memory_space<vmem>> -> memref<1x2x80xi32, #tpu.memory_space<vmem>>
      %dma_start3A_669 = tpu.memref_squeeze %dma_start3A_668 : memref<1x2x80xi32, #tpu.memory_space<vmem>> -> memref<2x80xi32, #tpu.memory_space<vmem>>
      %dma_start3A_670 = arith.constant 0 : i32
      %dma_start3A_671 = tpu.memref_slice %arg3[%add3A_664, %dma_start3A_670] : memref<2048x80xi32, #tpu.memory_space<hbm>> -> memref<2x80xi32, #tpu.memory_space<hbm>>
      %dma_start3A_672 = arith.constant 0 : i32
      %dma_start3A_673 = arith.constant 0 : i32
      %dma_start3A_674 = tpu.memref_slice %arg5[%dma_start3A_665, %dma_start3A_672, %dma_start3A_673] : memref<2x2x80xi32, #tpu.memory_space<vmem>> -> memref<1x2x80xi32, #tpu.memory_space<vmem>>
      %dma_start3A_675 = tpu.memref_squeeze %dma_start3A_674 : memref<1x2x80xi32, #tpu.memory_space<vmem>> -> memref<2x80xi32, #tpu.memory_space<vmem>>
      %dma_start3A_676 = arith.constant 0 : i32
      %dma_start3A_677 = tpu.memref_slice %arg3[%add3A_664, %dma_start3A_676] : memref<2048x80xi32, #tpu.memory_space<hbm>> -> memref<2x80xi32, #tpu.memory_space<hbm>>
      tpu.enqueue_dma source(%dma_start3A_677 : memref<2x80xi32, #tpu.memory_space<hbm>>) target(%dma_start3A_675 : memref<2x80xi32, #tpu.memory_space<vmem>>) target_semaphore(%arg15 : memref<!tpu.dma_semaphore, #tpu.memory_space<semaphore_mem>>)
      %dma_wait3A_678 = arith.constant 0 : i32
      %dma_wait3A_679 = arith.constant 0 : i32
      %dma_wait3A_680 = tpu.memref_slice %arg6[%dma_wait3A_678, %dma_wait3A_679] : memref<4x80xi32, #tpu.memory_space<vmem>> -> memref<1x80xi32, #tpu.memory_space<vmem>>
      %dma_wait3A_681 = tpu.memref_squeeze %dma_wait3A_680 : memref<1x80xi32, #tpu.memory_space<vmem>> -> memref<80xi32, #tpu.memory_space<vmem>>
      %dma_wait3A_682 = arith.constant 0 : i32
      %dma_wait3A_683 = arith.constant 0 : i32
      %dma_wait3A_684 = tpu.memref_slice %arg2[%dma_wait3A_682, %dma_wait3A_683] : memref<20000x128xf32, #tpu.memory_space<hbm>> -> memref<20000x128xf32, #tpu.memory_space<hbm>>
      tpu.wait_indirect_dma semaphore(%arg11 : memref<!tpu.dma_semaphore, #tpu.memory_space<semaphore_mem>>) src(%dma_wait3A_684 : memref<20000x128xf32, #tpu.memory_space<hbm>>) dst(%arg8 : memref<80x128xf32, #tpu.memory_space<vmem>>)
      %dma_start3A_685 = arith.constant 0 : i32
      %dma_start3A_686 = arith.constant 0 : i32
      %dma_start3A_687 = tpu.memref_slice %arg7[%dma_start3A_685, %dma_start3A_686] : memref<4x80xi32, #tpu.memory_space<vmem>> -> memref<1x80xi32, #tpu.memory_space<vmem>>
      %dma_start3A_688 = tpu.memref_squeeze %dma_start3A_687 : memref<1x80xi32, #tpu.memory_space<vmem>> -> memref<80xi32, #tpu.memory_space<vmem>>
      %dma_start3A_689 = arith.constant 0 : i32
      %dma_start3A_690 = arith.constant 0 : i32
      %dma_start3A_691 = tpu.memref_slice %arg10[%dma_start3A_689, %dma_start3A_690] : memref<10240x128xf32, #tpu.memory_space<vmem_shared>> -> memref<10240x128xf32, #tpu.memory_space<vmem_shared>>
      tpu.enqueue_indirect_dma source(%arg8 : memref<80x128xf32, #tpu.memory_space<vmem>>) target(%dma_start3A_691 : memref<10240x128xf32, #tpu.memory_space<vmem_shared>>) offsets(%dma_start3A_688 : memref<80xi32, #tpu.memory_space<vmem>>) semaphore(%arg13 : memref<!tpu.dma_semaphore, #tpu.memory_space<semaphore_mem>>) {add = true}
      %dma_wait3A_692 = arith.constant 1 : i32
      %dma_wait3A_693 = arith.constant 0 : i32
      %dma_wait3A_694 = tpu.memref_slice %arg6[%dma_wait3A_692, %dma_wait3A_693] : memref<4x80xi32, #tpu.memory_space<vmem>> -> memref<1x80xi32, #tpu.memory_space<vmem>>
      %dma_wait3A_695 = tpu.memref_squeeze %dma_wait3A_694 : memref<1x80xi32, #tpu.memory_space<vmem>> -> memref<80xi32, #tpu.memory_space<vmem>>
      %dma_wait3A_696 = arith.constant 0 : i32
      %dma_wait3A_697 = arith.constant 0 : i32
      %dma_wait3A_698 = tpu.memref_slice %arg2[%dma_wait3A_696, %dma_wait3A_697] : memref<20000x128xf32, #tpu.memory_space<hbm>> -> memref<20000x128xf32, #tpu.memory_space<hbm>>
      tpu.wait_indirect_dma semaphore(%arg12 : memref<!tpu.dma_semaphore, #tpu.memory_space<semaphore_mem>>) src(%dma_wait3A_698 : memref<20000x128xf32, #tpu.memory_space<hbm>>) dst(%arg9 : memref<80x128xf32, #tpu.memory_space<vmem>>)
      %dma_start3A_699 = arith.constant 1 : i32
      %dma_start3A_700 = arith.constant 0 : i32
      %dma_start3A_701 = tpu.memref_slice %arg7[%dma_start3A_699, %dma_start3A_700] : memref<4x80xi32, #tpu.memory_space<vmem>> -> memref<1x80xi32, #tpu.memory_space<vmem>>
      %dma_start3A_702 = tpu.memref_squeeze %dma_start3A_701 : memref<1x80xi32, #tpu.memory_space<vmem>> -> memref<80xi32, #tpu.memory_space<vmem>>
      %dma_start3A_703 = arith.constant 0 : i32
      %dma_start3A_704 = arith.constant 0 : i32
      %dma_start3A_705 = tpu.memref_slice %arg10[%dma_start3A_703, %dma_start3A_704] : memref<10240x128xf32, #tpu.memory_space<vmem_shared>> -> memref<10240x128xf32, #tpu.memory_space<vmem_shared>>
      tpu.enqueue_indirect_dma source(%arg9 : memref<80x128xf32, #tpu.memory_space<vmem>>) target(%dma_start3A_705 : memref<10240x128xf32, #tpu.memory_space<vmem_shared>>) offsets(%dma_start3A_702 : memref<80xi32, #tpu.memory_space<vmem>>) semaphore(%arg14 : memref<!tpu.dma_semaphore, #tpu.memory_space<semaphore_mem>>) {add = true}
      %dma_wait3A_706 = arith.constant 1 : i32
      %dma_wait3A_707 = arith.constant 0 : i32
      %dma_wait3A_708 = arith.constant 0 : i32
      %dma_wait3A_709 = tpu.memref_slice %arg5[%dma_wait3A_706, %dma_wait3A_707, %dma_wait3A_708] : memref<2x2x80xi32, #tpu.memory_space<vmem>> -> memref<1x2x80xi32, #tpu.memory_space<vmem>>
      %dma_wait3A_710 = tpu.memref_squeeze %dma_wait3A_709 : memref<1x2x80xi32, #tpu.memory_space<vmem>> -> memref<2x80xi32, #tpu.memory_space<vmem>>
      %dma_wait3A_711 = arith.constant 0 : i32
      %dma_wait3A_712 = tpu.memref_slice %arg3[%mul3A_0, %dma_wait3A_711] : memref<2048x80xi32, #tpu.memory_space<hbm>> -> memref<2x80xi32, #tpu.memory_space<hbm>>
      %dma_wait3A_713 = arith.constant 0 : i32
      %dma_wait3A_714 = arith.constant 0 : i32
      %dma_wait3A_715 = tpu.memref_slice %arg5[%dma_wait3A_706, %dma_wait3A_713, %dma_wait3A_714] : memref<2x2x80xi32, #tpu.memory_space<vmem>> -> memref<1x2x80xi32, #tpu.memory_space<vmem>>
      %dma_wait3A_716 = tpu.memref_squeeze %dma_wait3A_715 : memref<1x2x80xi32, #tpu.memory_space<vmem>> -> memref<2x80xi32, #tpu.memory_space<vmem>>
      %dma_wait3A_717 = arith.constant 0 : i32
      %dma_wait3A_718 = tpu.memref_slice %arg3[%mul3A_0, %dma_wait3A_717] : memref<2048x80xi32, #tpu.memory_space<hbm>> -> memref<2x80xi32, #tpu.memory_space<hbm>>
      tpu.wait_dma2 semaphore(%arg16 : memref<!tpu.dma_semaphore, #tpu.memory_space<semaphore_mem>>) src(%dma_wait3A_718 : memref<2x80xi32, #tpu.memory_space<hbm>>) dst(%dma_wait3A_716 : memref<2x80xi32, #tpu.memory_space<vmem>>)
      %get3A_719 = arith.constant 1 : i32
      %get3A_720 = arith.constant 0 : i32
      %get3A_721 = arith.index_cast %get3A_719 : i32 to index
      %get3A_722 = arith.index_cast %get3A_720 : i32 to index
      %get3A_723 = arith.constant 0 : index
      %get3A_724 = tpu.vector_load %arg5[%get3A_721, %get3A_722, %get3A_723] {strides = array<i32>} : memref<2x2x80xi32, #tpu.memory_space<vmem>>, vector<16xi32>,
      %shift_right_arithmetic3A_725 = arith.constant 14 : i32
      %shift_right_arithmetic3A_726 = vector.broadcast %shift_right_arithmetic3A_725 : i32 to vector<16xi32>
      %shift_right_arithmetic3A_727 = arith.shrsi %get3A_724, %shift_right_arithmetic3A_726 : vector<16xi32>
      %mul3A_728 = arith.constant 2 : i32
      %mul3A_729 = vector.broadcast %mul3A_728 : i32 to vector<16xi32>
      %mul3A_730 = arith.muli %shift_right_arithmetic3A_727, %mul3A_729 : vector<16xi32>
      %add3A_731 = vector.broadcast %arg0 : i32 to vector<16xi32>
      %add3A_732 = arith.addi %mul3A_730, %add3A_731 : vector<16xi32>
      %swap3A_733 = arith.constant 2 : i32
      %swap3A_734 = arith.index_cast %swap3A_733 : i32 to index
      %swap3A_735 = arith.constant 0 : index
      %swap3A_736 = tpu.vector_load %arg6[%swap3A_734, %swap3A_735] {strides = array<i32>} : memref<4x80xi32, #tpu.memory_space<vmem>>, vector<16xi32>,
      tpu.vector_store %arg6[%swap3A_734, %swap3A_735], %add3A_732 {strides = array<i32>} : memref<4x80xi32, #tpu.memory_space<vmem>>, vector<16xi32>,
      %and3A_737 = arith.constant 16383 : i32
      %and3A_738 = vector.broadcast %and3A_737 : i32 to vector<16xi32>
      %and3A_739 = arith.andi %get3A_724, %and3A_738 : vector<16xi32>
      %swap3A_740 = arith.constant 2 : i32
      %swap3A_741 = arith.index_cast %swap3A_740 : i32 to index
      %swap3A_742 = arith.constant 0 : index
      %swap3A_743 = tpu.vector_load %arg7[%swap3A_741, %swap3A_742] {strides = array<i32>} : memref<4x80xi32, #tpu.memory_space<vmem>>, vector<16xi32>,
      tpu.vector_store %arg7[%swap3A_741, %swap3A_742], %and3A_739 {strides = array<i32>} : memref<4x80xi32, #tpu.memory_space<vmem>>, vector<16xi32>,
      %get3A_744 = arith.constant 1 : i32
      %get3A_745 = arith.constant 0 : i32
      %get3A_746 = arith.index_cast %get3A_744 : i32 to index
      %get3A_747 = arith.index_cast %get3A_745 : i32 to index
      %get3A_748 = arith.constant 16 : index
      %get3A_749 = tpu.vector_load %arg5[%get3A_746, %get3A_747, %get3A_748] {strides = array<i32>} : memref<2x2x80xi32, #tpu.memory_space<vmem>>, vector<16xi32>,
      %shift_right_arithmetic3A_750 = arith.constant 14 : i32
      %shift_right_arithmetic3A_751 = vector.broadcast %shift_right_arithmetic3A_750 : i32 to vector<16xi32>
      %shift_right_arithmetic3A_752 = arith.shrsi %get3A_749, %shift_right_arithmetic3A_751 : vector<16xi32>
      %mul3A_753 = arith.constant 2 : i32
      %mul3A_754 = vector.broadcast %mul3A_753 : i32 to vector<16xi32>
      %mul3A_755 = arith.muli %shift_right_arithmetic3A_752, %mul3A_754 : vector<16xi32>
      %add3A_756 = vector.broadcast %arg0 : i32 to vector<16xi32>
      %add3A_757 = arith.addi %mul3A_755, %add3A_756 : vector<16xi32>
      %swap3A_758 = arith.constant 2 : i32
      %swap3A_759 = arith.index_cast %swap3A_758 : i32 to index
      %swap3A_760 = arith.constant 16 : index
      %swap3A_761 = tpu.vector_load %arg6[%swap3A_759, %swap3A_760] {strides = array<i32>} : memref<4x80xi32, #tpu.memory_space<vmem>>, vector<16xi32>,
      tpu.vector_store %arg6[%swap3A_759, %swap3A_760], %add3A_757 {strides = array<i32>} : memref<4x80xi32, #tpu.memory_space<vmem>>, vector<16xi32>,
      %and3A_762 = arith.constant 16383 : i32
      %and3A_763 = vector.broadcast %and3A_762 : i32 to vector<16xi32>
      %and3A_764 = arith.andi %get3A_749, %and3A_763 : vector<16xi32>
      %swap3A_765 = arith.constant 2 : i32
      %swap3A_766 = arith.index_cast %swap3A_765 : i32 to index
      %swap3A_767 = arith.constant 16 : index
      %swap3A_768 = tpu.vector_load %arg7[%swap3A_766, %swap3A_767] {strides = array<i32>} : memref<4x80xi32, #tpu.memory_space<vmem>>, vector<16xi32>,
      tpu.vector_store %arg7[%swap3A_766, %swap3A_767], %and3A_764 {strides = array<i32>} : memref<4x80xi32, #tpu.memory_space<vmem>>, vector<16xi32>,
      %get3A_769 = arith.constant 1 : i32
      %get3A_770 = arith.constant 0 : i32
      %get3A_771 = arith.index_cast %get3A_769 : i32 to index
      %get3A_772 = arith.index_cast %get3A_770 : i32 to index
      %get3A_773 = arith.constant 32 : index
      %get3A_774 = tpu.vector_load %arg5[%get3A_771, %get3A_772, %get3A_773] {strides = array<i32>} : memref<2x2x80xi32, #tpu.memory_space<vmem>>, vector<16xi32>,
      %shift_right_arithmetic3A_775 = arith.constant 14 : i32
      %shift_right_arithmetic3A_776 = vector.broadcast %shift_right_arithmetic3A_775 : i32 to vector<16xi32>
      %shift_right_arithmetic3A_777 = arith.shrsi %get3A_774, %shift_right_arithmetic3A_776 : vector<16xi32>
      %mul3A_778 = arith.constant 2 : i32
      %mul3A_779 = vector.broadcast %mul3A_778 : i32 to vector<16xi32>
      %mul3A_780 = arith.muli %shift_right_arithmetic3A_777, %mul3A_779 : vector<16xi32>
      %add3A_781 = vector.broadcast %arg0 : i32 to vector<16xi32>
      %add3A_782 = arith.addi %mul3A_780, %add3A_781 : vector<16xi32>
      %swap3A_783 = arith.constant 2 : i32
      %swap3A_784 = arith.index_cast %swap3A_783 : i32 to index
      %swap3A_785 = arith.constant 32 : index
      %swap3A_786 = tpu.vector_load %arg6[%swap3A_784, %swap3A_785] {strides = array<i32>} : memref<4x80xi32, #tpu.memory_space<vmem>>, vector<16xi32>,
      tpu.vector_store %arg6[%swap3A_784, %swap3A_785], %add3A_782 {strides = array<i32>} : memref<4x80xi32, #tpu.memory_space<vmem>>, vector<16xi32>,
      %and3A_787 = arith.constant 16383 : i32
      %and3A_788 = vector.broadcast %and3A_787 : i32 to vector<16xi32>
      %and3A_789 = arith.andi %get3A_774, %and3A_788 : vector<16xi32>
      %swap3A_790 = arith.constant 2 : i32
      %swap3A_791 = arith.index_cast %swap3A_790 : i32 to index
      %swap3A_792 = arith.constant 32 : index
      %swap3A_793 = tpu.vector_load %arg7[%swap3A_791, %swap3A_792] {strides = array<i32>} : memref<4x80xi32, #tpu.memory_space<vmem>>, vector<16xi32>,
      tpu.vector_store %arg7[%swap3A_791, %swap3A_792], %and3A_789 {strides = array<i32>} : memref<4x80xi32, #tpu.memory_space<vmem>>, vector<16xi32>,
      %get3A_794 = arith.constant 1 : i32
      %get3A_795 = arith.constant 0 : i32
      %get3A_796 = arith.index_cast %get3A_794 : i32 to index
      %get3A_797 = arith.index_cast %get3A_795 : i32 to index
      %get3A_798 = arith.constant 48 : index
      %get3A_799 = tpu.vector_load %arg5[%get3A_796, %get3A_797, %get3A_798] {strides = array<i32>} : memref<2x2x80xi32, #tpu.memory_space<vmem>>, vector<16xi32>,
      %shift_right_arithmetic3A_800 = arith.constant 14 : i32
      %shift_right_arithmetic3A_801 = vector.broadcast %shift_right_arithmetic3A_800 : i32 to vector<16xi32>
      %shift_right_arithmetic3A_802 = arith.shrsi %get3A_799, %shift_right_arithmetic3A_801 : vector<16xi32>
      %mul3A_803 = arith.constant 2 : i32
      %mul3A_804 = vector.broadcast %mul3A_803 : i32 to vector<16xi32>
      %mul3A_805 = arith.muli %shift_right_arithmetic3A_802, %mul3A_804 : vector<16xi32>
      %add3A_806 = vector.broadcast %arg0 : i32 to vector<16xi32>
      %add3A_807 = arith.addi %mul3A_805, %add3A_806 : vector<16xi32>
      %swap3A_808 = arith.constant 2 : i32
      %swap3A_809 = arith.index_cast %swap3A_808 : i32 to index
      %swap3A_810 = arith.constant 48 : index
      %swap3A_811 = tpu.vector_load %arg6[%swap3A_809, %swap3A_810] {strides = array<i32>} : memref<4x80xi32, #tpu.memory_space<vmem>>, vector<16xi32>,
      tpu.vector_store %arg6[%swap3A_809, %swap3A_810], %add3A_807 {strides = array<i32>} : memref<4x80xi32, #tpu.memory_space<vmem>>, vector<16xi32>,
      %and3A_812 = arith.constant 16383 : i32
      %and3A_813 = vector.broadcast %and3A_812 : i32 to vector<16xi32>
      %and3A_814 = arith.andi %get3A_799, %and3A_813 : vector<16xi32>
      %swap3A_815 = arith.constant 2 : i32
      %swap3A_816 = arith.index_cast %swap3A_815 : i32 to index
      %swap3A_817 = arith.constant 48 : index
      %swap3A_818 = tpu.vector_load %arg7[%swap3A_816, %swap3A_817] {strides = array<i32>} : memref<4x80xi32, #tpu.memory_space<vmem>>, vector<16xi32>,
      tpu.vector_store %arg7[%swap3A_816, %swap3A_817], %and3A_814 {strides = array<i32>} : memref<4x80xi32, #tpu.memory_space<vmem>>, vector<16xi32>,
      %get3A_819 = arith.constant 1 : i32
      %get3A_820 = arith.constant 0 : i32
      %get3A_821 = arith.index_cast %get3A_819 : i32 to index
      %get3A_822 = arith.index_cast %get3A_820 : i32 to index
      %get3A_823 = arith.constant 64 : index
      %get3A_824 = tpu.vector_load %arg5[%get3A_821, %get3A_822, %get3A_823] {strides = array<i32>} : memref<2x2x80xi32, #tpu.memory_space<vmem>>, vector<16xi32>,
      %shift_right_arithmetic3A_825 = arith.constant 14 : i32
      %shift_right_arithmetic3A_826 = vector.broadcast %shift_right_arithmetic3A_825 : i32 to vector<16xi32>
      %shift_right_arithmetic3A_827 = arith.shrsi %get3A_824, %shift_right_arithmetic3A_826 : vector<16xi32>
      %mul3A_828 = arith.constant 2 : i32
      %mul3A_829 = vector.broadcast %mul3A_828 : i32 to vector<16xi32>
      %mul3A_830 = arith.muli %shift_right_arithmetic3A_827, %mul3A_829 : vector<16xi32>
      %add3A_831 = vector.broadcast %arg0 : i32 to vector<16xi32>
      %add3A_832 = arith.addi %mul3A_830, %add3A_831 : vector<16xi32>
      %swap3A_833 = arith.constant 2 : i32
      %swap3A_834 = arith.index_cast %swap3A_833 : i32 to index
      %swap3A_835 = arith.constant 64 : index
      %swap3A_836 = tpu.vector_load %arg6[%swap3A_834, %swap3A_835] {strides = array<i32>} : memref<4x80xi32, #tpu.memory_space<vmem>>, vector<16xi32>,
      tpu.vector_store %arg6[%swap3A_834, %swap3A_835], %add3A_832 {strides = array<i32>} : memref<4x80xi32, #tpu.memory_space<vmem>>, vector<16xi32>,
      %and3A_837 = arith.constant 16383 : i32
      %and3A_838 = vector.broadcast %and3A_837 : i32 to vector<16xi32>
      %and3A_839 = arith.andi %get3A_824, %and3A_838 : vector<16xi32>
      %swap3A_840 = arith.constant 2 : i32
      %swap3A_841 = arith.index_cast %swap3A_840 : i32 to index
      %swap3A_842 = arith.constant 64 : index
      %swap3A_843 = tpu.vector_load %arg7[%swap3A_841, %swap3A_842] {strides = array<i32>} : memref<4x80xi32, #tpu.memory_space<vmem>>, vector<16xi32>,
      tpu.vector_store %arg7[%swap3A_841, %swap3A_842], %and3A_839 {strides = array<i32>} : memref<4x80xi32, #tpu.memory_space<vmem>>, vector<16xi32>,
      %get3A_844 = arith.constant 1 : i32
      %get3A_845 = arith.constant 1 : i32
      %get3A_846 = arith.index_cast %get3A_844 : i32 to index
      %get3A_847 = arith.index_cast %get3A_845 : i32 to index
      %get3A_848 = arith.constant 0 : index
      %get3A_849 = tpu.vector_load %arg5[%get3A_846, %get3A_847, %get3A_848] {strides = array<i32>} : memref<2x2x80xi32, #tpu.memory_space<vmem>>, vector<16xi32>,
      %shift_right_arithmetic3A_850 = arith.constant 14 : i32
      %shift_right_arithmetic3A_851 = vector.broadcast %shift_right_arithmetic3A_850 : i32 to vector<16xi32>
      %shift_right_arithmetic3A_852 = arith.shrsi %get3A_849, %shift_right_arithmetic3A_851 : vector<16xi32>
      %mul3A_853 = arith.constant 2 : i32
      %mul3A_854 = vector.broadcast %mul3A_853 : i32 to vector<16xi32>
      %mul3A_855 = arith.muli %shift_right_arithmetic3A_852, %mul3A_854 : vector<16xi32>
      %add3A_856 = vector.broadcast %arg0 : i32 to vector<16xi32>
      %add3A_857 = arith.addi %mul3A_855, %add3A_856 : vector<16xi32>
      %swap3A_858 = arith.constant 3 : i32
      %swap3A_859 = arith.index_cast %swap3A_858 : i32 to index
      %swap3A_860 = arith.constant 0 : index
      %swap3A_861 = tpu.vector_load %arg6[%swap3A_859, %swap3A_860] {strides = array<i32>} : memref<4x80xi32, #tpu.memory_space<vmem>>, vector<16xi32>,
      tpu.vector_store %arg6[%swap3A_859, %swap3A_860], %add3A_857 {strides = array<i32>} : memref<4x80xi32, #tpu.memory_space<vmem>>, vector<16xi32>,
      %and3A_862 = arith.constant 16383 : i32
      %and3A_863 = vector.broadcast %and3A_862 : i32 to vector<16xi32>
      %and3A_864 = arith.andi %get3A_849, %and3A_863 : vector<16xi32>
      %swap3A_865 = arith.constant 3 : i32
      %swap3A_866 = arith.index_cast %swap3A_865 : i32 to index
      %swap3A_867 = arith.constant 0 : index
      %swap3A_868 = tpu.vector_load %arg7[%swap3A_866, %swap3A_867] {strides = array<i32>} : memref<4x80xi32, #tpu.memory_space<vmem>>, vector<16xi32>,
      tpu.vector_store %arg7[%swap3A_866, %swap3A_867], %and3A_864 {strides = array<i32>} : memref<4x80xi32, #tpu.memory_space<vmem>>, vector<16xi32>,
      %get3A_869 = arith.constant 1 : i32
      %get3A_870 = arith.constant 1 : i32
      %get3A_871 = arith.index_cast %get3A_869 : i32 to index
      %get3A_872 = arith.index_cast %get3A_870 : i32 to index
      %get3A_873 = arith.constant 16 : index
      %get3A_874 = tpu.vector_load %arg5[%get3A_871, %get3A_872, %get3A_873] {strides = array<i32>} : memref<2x2x80xi32, #tpu.memory_space<vmem>>, vector<16xi32>,
      %shift_right_arithmetic3A_875 = arith.constant 14 : i32
      %shift_right_arithmetic3A_876 = vector.broadcast %shift_right_arithmetic3A_875 : i32 to vector<16xi32>
      %shift_right_arithmetic3A_877 = arith.shrsi %get3A_874, %shift_right_arithmetic3A_876 : vector<16xi32>
      %mul3A_878 = arith.constant 2 : i32
      %mul3A_879 = vector.broadcast %mul3A_878 : i32 to vector<16xi32>
      %mul3A_880 = arith.muli %shift_right_arithmetic3A_877, %mul3A_879 : vector<16xi32>
      %add3A_881 = vector.broadcast %arg0 : i32 to vector<16xi32>
      %add3A_882 = arith.addi %mul3A_880, %add3A_881 : vector<16xi32>
      %swap3A_883 = arith.constant 3 : i32
      %swap3A_884 = arith.index_cast %swap3A_883 : i32 to index
      %swap3A_885 = arith.constant 16 : index
      %swap3A_886 = tpu.vector_load %arg6[%swap3A_884, %swap3A_885] {strides = array<i32>} : memref<4x80xi32, #tpu.memory_space<vmem>>, vector<16xi32>,
      tpu.vector_store %arg6[%swap3A_884, %swap3A_885], %add3A_882 {strides = array<i32>} : memref<4x80xi32, #tpu.memory_space<vmem>>, vector<16xi32>,
      %and3A_887 = arith.constant 16383 : i32
      %and3A_888 = vector.broadcast %and3A_887 : i32 to vector<16xi32>
      %and3A_889 = arith.andi %get3A_874, %and3A_888 : vector<16xi32>
      %swap3A_890 = arith.constant 3 : i32
      %swap3A_891 = arith.index_cast %swap3A_890 : i32 to index
      %swap3A_892 = arith.constant 16 : index
      %swap3A_893 = tpu.vector_load %arg7[%swap3A_891, %swap3A_892] {strides = array<i32>} : memref<4x80xi32, #tpu.memory_space<vmem>>, vector<16xi32>,
      tpu.vector_store %arg7[%swap3A_891, %swap3A_892], %and3A_889 {strides = array<i32>} : memref<4x80xi32, #tpu.memory_space<vmem>>, vector<16xi32>,
      %get3A_894 = arith.constant 1 : i32
      %get3A_895 = arith.constant 1 : i32
      %get3A_896 = arith.index_cast %get3A_894 : i32 to index
      %get3A_897 = arith.index_cast %get3A_895 : i32 to index
      %get3A_898 = arith.constant 32 : index
      %get3A_899 = tpu.vector_load %arg5[%get3A_896, %get3A_897, %get3A_898] {strides = array<i32>} : memref<2x2x80xi32, #tpu.memory_space<vmem>>, vector<16xi32>,
      %shift_right_arithmetic3A_900 = arith.constant 14 : i32
      %shift_right_arithmetic3A_901 = vector.broadcast %shift_right_arithmetic3A_900 : i32 to vector<16xi32>
      %shift_right_arithmetic3A_902 = arith.shrsi %get3A_899, %shift_right_arithmetic3A_901 : vector<16xi32>
      %mul3A_903 = arith.constant 2 : i32
      %mul3A_904 = vector.broadcast %mul3A_903 : i32 to vector<16xi32>
      %mul3A_905 = arith.muli %shift_right_arithmetic3A_902, %mul3A_904 : vector<16xi32>
      %add3A_906 = vector.broadcast %arg0 : i32 to vector<16xi32>
      %add3A_907 = arith.addi %mul3A_905, %add3A_906 : vector<16xi32>
      %swap3A_908 = arith.constant 3 : i32
      %swap3A_909 = arith.index_cast %swap3A_908 : i32 to index
      %swap3A_910 = arith.constant 32 : index
      %swap3A_911 = tpu.vector_load %arg6[%swap3A_909, %swap3A_910] {strides = array<i32>} : memref<4x80xi32, #tpu.memory_space<vmem>>, vector<16xi32>,
      tpu.vector_store %arg6[%swap3A_909, %swap3A_910], %add3A_907 {strides = array<i32>} : memref<4x80xi32, #tpu.memory_space<vmem>>, vector<16xi32>,
      %and3A_912 = arith.constant 16383 : i32
      %and3A_913 = vector.broadcast %and3A_912 : i32 to vector<16xi32>
      %and3A_914 = arith.andi %get3A_899, %and3A_913 : vector<16xi32>
      %swap3A_915 = arith.constant 3 : i32
      %swap3A_916 = arith.index_cast %swap3A_915 : i32 to index
      %swap3A_917 = arith.constant 32 : index
      %swap3A_918 = tpu.vector_load %arg7[%swap3A_916, %swap3A_917] {strides = array<i32>} : memref<4x80xi32, #tpu.memory_space<vmem>>, vector<16xi32>,
      tpu.vector_store %arg7[%swap3A_916, %swap3A_917], %and3A_914 {strides = array<i32>} : memref<4x80xi32, #tpu.memory_space<vmem>>, vector<16xi32>,
      %get3A_919 = arith.constant 1 : i32
      %get3A_920 = arith.constant 1 : i32
      %get3A_921 = arith.index_cast %get3A_919 : i32 to index
      %get3A_922 = arith.index_cast %get3A_920 : i32 to index
      %get3A_923 = arith.constant 48 : index
      %get3A_924 = tpu.vector_load %arg5[%get3A_921, %get3A_922, %get3A_923] {strides = array<i32>} : memref<2x2x80xi32, #tpu.memory_space<vmem>>, vector<16xi32>,
      %shift_right_arithmetic3A_925 = arith.constant 14 : i32
      %shift_right_arithmetic3A_926 = vector.broadcast %shift_right_arithmetic3A_925 : i32 to vector<16xi32>
      %shift_right_arithmetic3A_927 = arith.shrsi %get3A_924, %shift_right_arithmetic3A_926 : vector<16xi32>
      %mul3A_928 = arith.constant 2 : i32
      %mul3A_929 = vector.broadcast %mul3A_928 : i32 to vector<16xi32>
      %mul3A_930 = arith.muli %shift_right_arithmetic3A_927, %mul3A_929 : vector<16xi32>
      %add3A_931 = vector.broadcast %arg0 : i32 to vector<16xi32>
      %add3A_932 = arith.addi %mul3A_930, %add3A_931 : vector<16xi32>
      %swap3A_933 = arith.constant 3 : i32
      %swap3A_934 = arith.index_cast %swap3A_933 : i32 to index
      %swap3A_935 = arith.constant 48 : index
      %swap3A_936 = tpu.vector_load %arg6[%swap3A_934, %swap3A_935] {strides = array<i32>} : memref<4x80xi32, #tpu.memory_space<vmem>>, vector<16xi32>,
      tpu.vector_store %arg6[%swap3A_934, %swap3A_935], %add3A_932 {strides = array<i32>} : memref<4x80xi32, #tpu.memory_space<vmem>>, vector<16xi32>,
      %and3A_937 = arith.constant 16383 : i32
      %and3A_938 = vector.broadcast %and3A_937 : i32 to vector<16xi32>
      %and3A_939 = arith.andi %get3A_924, %and3A_938 : vector<16xi32>
      %swap3A_940 = arith.constant 3 : i32
      %swap3A_941 = arith.index_cast %swap3A_940 : i32 to index
      %swap3A_942 = arith.constant 48 : index
      %swap3A_943 = tpu.vector_load %arg7[%swap3A_941, %swap3A_942] {strides = array<i32>} : memref<4x80xi32, #tpu.memory_space<vmem>>, vector<16xi32>,
      tpu.vector_store %arg7[%swap3A_941, %swap3A_942], %and3A_939 {strides = array<i32>} : memref<4x80xi32, #tpu.memory_space<vmem>>, vector<16xi32>,
      %get3A_944 = arith.constant 1 : i32
      %get3A_945 = arith.constant 1 : i32
      %get3A_946 = arith.index_cast %get3A_944 : i32 to index
      %get3A_947 = arith.index_cast %get3A_945 : i32 to index
      %get3A_948 = arith.constant 64 : index
      %get3A_949 = tpu.vector_load %arg5[%get3A_946, %get3A_947, %get3A_948] {strides = array<i32>} : memref<2x2x80xi32, #tpu.memory_space<vmem>>, vector<16xi32>,
      %shift_right_arithmetic3A_950 = arith.constant 14 : i32
      %shift_right_arithmetic3A_951 = vector.broadcast %shift_right_arithmetic3A_950 : i32 to vector<16xi32>
      %shift_right_arithmetic3A_952 = arith.shrsi %get3A_949, %shift_right_arithmetic3A_951 : vector<16xi32>
      %mul3A_953 = arith.constant 2 : i32
      %mul3A_954 = vector.broadcast %mul3A_953 : i32 to vector<16xi32>
      %mul3A_955 = arith.muli %shift_right_arithmetic3A_952, %mul3A_954 : vector<16xi32>
      %add3A_956 = vector.broadcast %arg0 : i32 to vector<16xi32>
      %add3A_957 = arith.addi %mul3A_955, %add3A_956 : vector<16xi32>
      %swap3A_958 = arith.constant 3 : i32
      %swap3A_959 = arith.index_cast %swap3A_958 : i32 to index
      %swap3A_960 = arith.constant 64 : index
      %swap3A_961 = tpu.vector_load %arg6[%swap3A_959, %swap3A_960] {strides = array<i32>} : memref<4x80xi32, #tpu.memory_space<vmem>>, vector<16xi32>,
      tpu.vector_store %arg6[%swap3A_959, %swap3A_960], %add3A_957 {strides = array<i32>} : memref<4x80xi32, #tpu.memory_space<vmem>>, vector<16xi32>,
      %and3A_962 = arith.constant 16383 : i32
      %and3A_963 = vector.broadcast %and3A_962 : i32 to vector<16xi32>
      %and3A_964 = arith.andi %get3A_949, %and3A_963 : vector<16xi32>
      %swap3A_965 = arith.constant 3 : i32
      %swap3A_966 = arith.index_cast %swap3A_965 : i32 to index
      %swap3A_967 = arith.constant 64 : index
      %swap3A_968 = tpu.vector_load %arg7[%swap3A_966, %swap3A_967] {strides = array<i32>} : memref<4x80xi32, #tpu.memory_space<vmem>>, vector<16xi32>,
      tpu.vector_store %arg7[%swap3A_966, %swap3A_967], %and3A_964 {strides = array<i32>} : memref<4x80xi32, #tpu.memory_space<vmem>>, vector<16xi32>,
      %dma_wait3A_969 = arith.constant 0 : i32
      %dma_wait3A_970 = arith.constant 0 : i32
      %dma_wait3A_971 = tpu.memref_slice %arg7[%dma_wait3A_969, %dma_wait3A_970] : memref<4x80xi32, #tpu.memory_space<vmem>> -> memref<1x80xi32, #tpu.memory_space<vmem>>
      %dma_wait3A_972 = tpu.memref_squeeze %dma_wait3A_971 : memref<1x80xi32, #tpu.memory_space<vmem>> -> memref<80xi32, #tpu.memory_space<vmem>>
      %dma_wait3A_973 = arith.constant 0 : i32
      %dma_wait3A_974 = arith.constant 0 : i32
      %dma_wait3A_975 = tpu.memref_slice %arg10[%dma_wait3A_973, %dma_wait3A_974] : memref<10240x128xf32, #tpu.memory_space<vmem_shared>> -> memref<10240x128xf32, #tpu.memory_space<vmem_shared>>
      tpu.wait_indirect_dma semaphore(%arg13 : memref<!tpu.dma_semaphore, #tpu.memory_space<semaphore_mem>>) src(%arg8 : memref<80x128xf32, #tpu.memory_space<vmem>>) dst(%dma_wait3A_975 : memref<10240x128xf32, #tpu.memory_space<vmem_shared>>)
      %dma_start3A_976 = arith.constant 2 : i32
      %dma_start3A_977 = arith.constant 0 : i32
      %dma_start3A_978 = tpu.memref_slice %arg6[%dma_start3A_976, %dma_start3A_977] : memref<4x80xi32, #tpu.memory_space<vmem>> -> memref<1x80xi32, #tpu.memory_space<vmem>>
      %dma_start3A_979 = tpu.memref_squeeze %dma_start3A_978 : memref<1x80xi32, #tpu.memory_space<vmem>> -> memref<80xi32, #tpu.memory_space<vmem>>
      %dma_start3A_980 = arith.constant 0 : i32
      %dma_start3A_981 = arith.constant 0 : i32
      %dma_start3A_982 = tpu.memref_slice %arg2[%dma_start3A_980, %dma_start3A_981] : memref<20000x128xf32, #tpu.memory_space<hbm>> -> memref<20000x128xf32, #tpu.memory_space<hbm>>
      tpu.enqueue_indirect_dma source(%dma_start3A_982 : memref<20000x128xf32, #tpu.memory_space<hbm>>) target(%arg8 : memref<80x128xf32, #tpu.memory_space<vmem>>) offsets(%dma_start3A_979 : memref<80xi32, #tpu.memory_space<vmem>>) semaphore(%arg11 : memref<!tpu.dma_semaphore, #tpu.memory_space<semaphore_mem>>)
      %dma_wait3A_983 = arith.constant 1 : i32
      %dma_wait3A_984 = arith.constant 0 : i32
      %dma_wait3A_985 = tpu.memref_slice %arg7[%dma_wait3A_983, %dma_wait3A_984] : memref<4x80xi32, #tpu.memory_space<vmem>> -> memref<1x80xi32, #tpu.memory_space<vmem>>
      %dma_wait3A_986 = tpu.memref_squeeze %dma_wait3A_985 : memref<1x80xi32, #tpu.memory_space<vmem>> -> memref<80xi32, #tpu.memory_space<vmem>>
      %dma_wait3A_987 = arith.constant 0 : i32
      %dma_wait3A_988 = arith.constant 0 : i32
      %dma_wait3A_989 = tpu.memref_slice %arg10[%dma_wait3A_987, %dma_wait3A_988] : memref<10240x128xf32, #tpu.memory_space<vmem_shared>> -> memref<10240x128xf32, #tpu.memory_space<vmem_shared>>
      tpu.wait_indirect_dma semaphore(%arg14 : memref<!tpu.dma_semaphore, #tpu.memory_space<semaphore_mem>>) src(%arg9 : memref<80x128xf32, #tpu.memory_space<vmem>>) dst(%dma_wait3A_989 : memref<10240x128xf32, #tpu.memory_space<vmem_shared>>)
      %dma_start3A_990 = arith.constant 3 : i32
      %dma_start3A_991 = arith.constant 0 : i32
      %dma_start3A_992 = tpu.memref_slice %arg6[%dma_start3A_990, %dma_start3A_991] : memref<4x80xi32, #tpu.memory_space<vmem>> -> memref<1x80xi32, #tpu.memory_space<vmem>>
      %dma_start3A_993 = tpu.memref_squeeze %dma_start3A_992 : memref<1x80xi32, #tpu.memory_space<vmem>> -> memref<80xi32, #tpu.memory_space<vmem>>
      %dma_start3A_994 = arith.constant 0 : i32
      %dma_start3A_995 = arith.constant 0 : i32
      %dma_start3A_996 = tpu.memref_slice %arg2[%dma_start3A_994, %dma_start3A_995] : memref<20000x128xf32, #tpu.memory_space<hbm>> -> memref<20000x128xf32, #tpu.memory_space<hbm>>
      tpu.enqueue_indirect_dma source(%dma_start3A_996 : memref<20000x128xf32, #tpu.memory_space<hbm>>) target(%arg9 : memref<80x128xf32, #tpu.memory_space<vmem>>) offsets(%dma_start3A_993 : memref<80xi32, #tpu.memory_space<vmem>>) semaphore(%arg12 : memref<!tpu.dma_semaphore, #tpu.memory_space<semaphore_mem>>)
      %mul3A_997 = arith.constant 2 : i32
      %mul3A_998 = arith.muli %mul3A_997, %add3A_657 : i32
      %add3A_999 = arith.constant 1 : i32
      %add3A_1000 = arith.addi %mul3A_998, %add3A_999 : i32
      %mul3A_1001 = arith.constant 2 : i32
      %mul3A_1002 = arith.muli %mul3A_1001, %add3A_1000 : i32
      %add3A_1003 = arith.addi %mul3A_0, %mul3A_1002 : i32
      %add3A_1004 = arith.constant 4 : i32
      %add3A_1005 = arith.addi %add3A_1003, %add3A_1004 : i32
      %dma_start3A_1006 = arith.constant 1 : i32
      %dma_start3A_1007 = arith.constant 0 : i32
      %dma_start3A_1008 = arith.constant 0 : i32
      %dma_start3A_1009 = tpu.memref_slice %arg5[%dma_start3A_1006, %dma_start3A_1007, %dma_start3A_1008] : memref<2x2x80xi32, #tpu.memory_space<vmem>> -> memref<1x2x80xi32, #tpu.memory_space<vmem>>
      %dma_start3A_1010 = tpu.memref_squeeze %dma_start3A_1009 : memref<1x2x80xi32, #tpu.memory_space<vmem>> -> memref<2x80xi32, #tpu.memory_space<vmem>>
      %dma_start3A_1011 = arith.constant 0 : i32
      %dma_start3A_1012 = tpu.memref_slice %arg3[%add3A_1005, %dma_start3A_1011] : memref<2048x80xi32, #tpu.memory_space<hbm>> -> memref<2x80xi32, #tpu.memory_space<hbm>>
      %dma_start3A_1013 = arith.constant 0 : i32
      %dma_start3A_1014 = arith.constant 0 : i32
      %dma_start3A_1015 = tpu.memref_slice %arg5[%dma_start3A_1006, %dma_start3A_1013, %dma_start3A_1014] : memref<2x2x80xi32, #tpu.memory_space<vmem>> -> memref<1x2x80xi32, #tpu.memory_space<vmem>>
      %dma_start3A_1016 = tpu.memref_squeeze %dma_start3A_1015 : memref<1x2x80xi32, #tpu.memory_space<vmem>> -> memref<2x80xi32, #tpu.memory_space<vmem>>
      %dma_start3A_1017 = arith.constant 0 : i32
      %dma_start3A_1018 = tpu.memref_slice %arg3[%add3A_1005, %dma_start3A_1017] : memref<2048x80xi32, #tpu.memory_space<hbm>> -> memref<2x80xi32, #tpu.memory_space<hbm>>
      tpu.enqueue_dma source(%dma_start3A_1018 : memref<2x80xi32, #tpu.memory_space<hbm>>) target(%dma_start3A_1016 : memref<2x80xi32, #tpu.memory_space<vmem>>) target_semaphore(%arg16 : memref<!tpu.dma_semaphore, #tpu.memory_space<semaphore_mem>>)
      %dma_wait3A_1019 = arith.constant 2 : i32
      %dma_wait3A_1020 = arith.constant 0 : i32
      %dma_wait3A_1021 = tpu.memref_slice %arg6[%dma_wait3A_1019, %dma_wait3A_1020] : memref<4x80xi32, #tpu.memory_space<vmem>> -> memref<1x80xi32, #tpu.memory_space<vmem>>
      %dma_wait3A_1022 = tpu.memref_squeeze %dma_wait3A_1021 : memref<1x80xi32, #tpu.memory_space<vmem>> -> memref<80xi32, #tpu.memory_space<vmem>>
      %dma_wait3A_1023 = arith.constant 0 : i32
      %dma_wait3A_1024 = arith.constant 0 : i32
      %dma_wait3A_1025 = tpu.memref_slice %arg2[%dma_wait3A_1023, %dma_wait3A_1024] : memref<20000x128xf32, #tpu.memory_space<hbm>> -> memref<20000x128xf32, #tpu.memory_space<hbm>>
      tpu.wait_indirect_dma semaphore(%arg11 : memref<!tpu.dma_semaphore, #tpu.memory_space<semaphore_mem>>) src(%dma_wait3A_1025 : memref<20000x128xf32, #tpu.memory_space<hbm>>) dst(%arg8 : memref<80x128xf32, #tpu.memory_space<vmem>>)
      %dma_start3A_1026 = arith.constant 2 : i32
      %dma_start3A_1027 = arith.constant 0 : i32
      %dma_start3A_1028 = tpu.memref_slice %arg7[%dma_start3A_1026, %dma_start3A_1027] : memref<4x80xi32, #tpu.memory_space<vmem>> -> memref<1x80xi32, #tpu.memory_space<vmem>>
      %dma_start3A_1029 = tpu.memref_squeeze %dma_start3A_1028 : memref<1x80xi32, #tpu.memory_space<vmem>> -> memref<80xi32, #tpu.memory_space<vmem>>
      %dma_start3A_1030 = arith.constant 0 : i32
      %dma_start3A_1031 = arith.constant 0 : i32
      %dma_start3A_1032 = tpu.memref_slice %arg10[%dma_start3A_1030, %dma_start3A_1031] : memref<10240x128xf32, #tpu.memory_space<vmem_shared>> -> memref<10240x128xf32, #tpu.memory_space<vmem_shared>>
      tpu.enqueue_indirect_dma source(%arg8 : memref<80x128xf32, #tpu.memory_space<vmem>>) target(%dma_start3A_1032 : memref<10240x128xf32, #tpu.memory_space<vmem_shared>>) offsets(%dma_start3A_1029 : memref<80xi32, #tpu.memory_space<vmem>>) semaphore(%arg13 : memref<!tpu.dma_semaphore, #tpu.memory_space<semaphore_mem>>) {add = true}
      %dma_wait3A_1033 = arith.constant 3 : i32
      %dma_wait3A_1034 = arith.constant 0 : i32
      %dma_wait3A_1035 = tpu.memref_slice %arg6[%dma_wait3A_1033, %dma_wait3A_1034] : memref<4x80xi32, #tpu.memory_space<vmem>> -> memref<1x80xi32, #tpu.memory_space<vmem>>
      %dma_wait3A_1036 = tpu.memref_squeeze %dma_wait3A_1035 : memref<1x80xi32, #tpu.memory_space<vmem>> -> memref<80xi32, #tpu.memory_space<vmem>>
      %dma_wait3A_1037 = arith.constant 0 : i32
      %dma_wait3A_1038 = arith.constant 0 : i32
      %dma_wait3A_1039 = tpu.memref_slice %arg2[%dma_wait3A_1037, %dma_wait3A_1038] : memref<20000x128xf32, #tpu.memory_space<hbm>> -> memref<20000x128xf32, #tpu.memory_space<hbm>>
      tpu.wait_indirect_dma semaphore(%arg12 : memref<!tpu.dma_semaphore, #tpu.memory_space<semaphore_mem>>) src(%dma_wait3A_1039 : memref<20000x128xf32, #tpu.memory_space<hbm>>) dst(%arg9 : memref<80x128xf32, #tpu.memory_space<vmem>>)
      %dma_start3A_1040 = arith.constant 3 : i32
      %dma_start3A_1041 = arith.constant 0 : i32
      %dma_start3A_1042 = tpu.memref_slice %arg7[%dma_start3A_1040, %dma_start3A_1041] : memref<4x80xi32, #tpu.memory_space<vmem>> -> memref<1x80xi32, #tpu.memory_space<vmem>>
      %dma_start3A_1043 = tpu.memref_squeeze %dma_start3A_1042 : memref<1x80xi32, #tpu.memory_space<vmem>> -> memref<80xi32, #tpu.memory_space<vmem>>
      %dma_start3A_1044 = arith.constant 0 : i32
      %dma_start3A_1045 = arith.constant 0 : i32
      %dma_start3A_1046 = tpu.memref_slice %arg10[%dma_start3A_1044, %dma_start3A_1045] : memref<10240x128xf32, #tpu.memory_space<vmem_shared>> -> memref<10240x128xf32, #tpu.memory_space<vmem_shared>>
      tpu.enqueue_indirect_dma source(%arg9 : memref<80x128xf32, #tpu.memory_space<vmem>>) target(%dma_start3A_1046 : memref<10240x128xf32, #tpu.memory_space<vmem_shared>>) offsets(%dma_start3A_1043 : memref<80xi32, #tpu.memory_space<vmem>>) semaphore(%arg14 : memref<!tpu.dma_semaphore, #tpu.memory_space<semaphore_mem>>) {add = true}
      %dma_wait3A_1047 = arith.constant 0 : i32
      %dma_wait3A_1048 = arith.constant 0 : i32
      %dma_wait3A_1049 = arith.constant 0 : i32
      %dma_wait3A_1050 = tpu.memref_slice %arg5[%dma_wait3A_1047, %dma_wait3A_1048, %dma_wait3A_1049] : memref<2x2x80xi32, #tpu.memory_space<vmem>> -> memref<1x2x80xi32, #tpu.memory_space<vmem>>
      %dma_wait3A_1051 = tpu.memref_squeeze %dma_wait3A_1050 : memref<1x2x80xi32, #tpu.memory_space<vmem>> -> memref<2x80xi32, #tpu.memory_space<vmem>>
      %dma_wait3A_1052 = arith.constant 0 : i32
      %dma_wait3A_1053 = tpu.memref_slice %arg3[%mul3A_0, %dma_wait3A_1052] : memref<2048x80xi32, #tpu.memory_space<hbm>> -> memref<2x80xi32, #tpu.memory_space<hbm>>
      %dma_wait3A_1054 = arith.constant 0 : i32
      %dma_wait3A_1055 = arith.constant 0 : i32
      %dma_wait3A_1056 = tpu.memref_slice %arg5[%dma_wait3A_1047, %dma_wait3A_1054, %dma_wait3A_1055] : memref<2x2x80xi32, #tpu.memory_space<vmem>> -> memref<1x2x80xi32, #tpu.memory_space<vmem>>
      %dma_wait3A_1057 = tpu.memref_squeeze %dma_wait3A_1056 : memref<1x2x80xi32, #tpu.memory_space<vmem>> -> memref<2x80xi32, #tpu.memory_space<vmem>>
      %dma_wait3A_1058 = arith.constant 0 : i32
      %dma_wait3A_1059 = tpu.memref_slice %arg3[%mul3A_0, %dma_wait3A_1058] : memref<2048x80xi32, #tpu.memory_space<hbm>> -> memref<2x80xi32, #tpu.memory_space<hbm>>
      tpu.wait_dma2 semaphore(%arg15 : memref<!tpu.dma_semaphore, #tpu.memory_space<semaphore_mem>>) src(%dma_wait3A_1059 : memref<2x80xi32, #tpu.memory_space<hbm>>) dst(%dma_wait3A_1057 : memref<2x80xi32, #tpu.memory_space<vmem>>)
      %get3A_1060 = arith.constant 0 : i32
      %get3A_1061 = arith.constant 0 : i32
      %get3A_1062 = arith.index_cast %get3A_1060 : i32 to index
      %get3A_1063 = arith.index_cast %get3A_1061 : i32 to index
      %get3A_1064 = arith.constant 0 : index
      %get3A_1065 = tpu.vector_load %arg5[%get3A_1062, %get3A_1063, %get3A_1064] {strides = array<i32>} : memref<2x2x80xi32, #tpu.memory_space<vmem>>, vector<16xi32>,
      %shift_right_arithmetic3A_1066 = arith.constant 14 : i32
      %shift_right_arithmetic3A_1067 = vector.broadcast %shift_right_arithmetic3A_1066 : i32 to vector<16xi32>
      %shift_right_arithmetic3A_1068 = arith.shrsi %get3A_1065, %shift_right_arithmetic3A_1067 : vector<16xi32>
      %mul3A_1069 = arith.constant 2 : i32
      %mul3A_1070 = vector.broadcast %mul3A_1069 : i32 to vector<16xi32>
      %mul3A_1071 = arith.muli %shift_right_arithmetic3A_1068, %mul3A_1070 : vector<16xi32>
      %add3A_1072 = vector.broadcast %arg0 : i32 to vector<16xi32>
      %add3A_1073 = arith.addi %mul3A_1071, %add3A_1072 : vector<16xi32>
      %swap3A_1074 = arith.constant 0 : i32
      %swap3A_1075 = arith.index_cast %swap3A_1074 : i32 to index
      %swap3A_1076 = arith.constant 0 : index
      %swap3A_1077 = tpu.vector_load %arg6[%swap3A_1075, %swap3A_1076] {strides = array<i32>} : memref<4x80xi32, #tpu.memory_space<vmem>>, vector<16xi32>,
      tpu.vector_store %arg6[%swap3A_1075, %swap3A_1076], %add3A_1073 {strides = array<i32>} : memref<4x80xi32, #tpu.memory_space<vmem>>, vector<16xi32>,
      %and3A_1078 = arith.constant 16383 : i32
      %and3A_1079 = vector.broadcast %and3A_1078 : i32 to vector<16xi32>
      %and3A_1080 = arith.andi %get3A_1065, %and3A_1079 : vector<16xi32>
      %swap3A_1081 = arith.constant 0 : i32
      %swap3A_1082 = arith.index_cast %swap3A_1081 : i32 to index
      %swap3A_1083 = arith.constant 0 : index
      %swap3A_1084 = tpu.vector_load %arg7[%swap3A_1082, %swap3A_1083] {strides = array<i32>} : memref<4x80xi32, #tpu.memory_space<vmem>>, vector<16xi32>,
      tpu.vector_store %arg7[%swap3A_1082, %swap3A_1083], %and3A_1080 {strides = array<i32>} : memref<4x80xi32, #tpu.memory_space<vmem>>, vector<16xi32>,
      %get3A_1085 = arith.constant 0 : i32
      %get3A_1086 = arith.constant 0 : i32
      %get3A_1087 = arith.index_cast %get3A_1085 : i32 to index
      %get3A_1088 = arith.index_cast %get3A_1086 : i32 to index
      %get3A_1089 = arith.constant 16 : index
      %get3A_1090 = tpu.vector_load %arg5[%get3A_1087, %get3A_1088, %get3A_1089] {strides = array<i32>} : memref<2x2x80xi32, #tpu.memory_space<vmem>>, vector<16xi32>,
      %shift_right_arithmetic3A_1091 = arith.constant 14 : i32
      %shift_right_arithmetic3A_1092 = vector.broadcast %shift_right_arithmetic3A_1091 : i32 to vector<16xi32>
      %shift_right_arithmetic3A_1093 = arith.shrsi %get3A_1090, %shift_right_arithmetic3A_1092 : vector<16xi32>
      %mul3A_1094 = arith.constant 2 : i32
      %mul3A_1095 = vector.broadcast %mul3A_1094 : i32 to vector<16xi32>
      %mul3A_1096 = arith.muli %shift_right_arithmetic3A_1093, %mul3A_1095 : vector<16xi32>
      %add3A_1097 = vector.broadcast %arg0 : i32 to vector<16xi32>
      %add3A_1098 = arith.addi %mul3A_1096, %add3A_1097 : vector<16xi32>
      %swap3A_1099 = arith.constant 0 : i32
      %swap3A_1100 = arith.index_cast %swap3A_1099 : i32 to index
      %swap3A_1101 = arith.constant 16 : index
      %swap3A_1102 = tpu.vector_load %arg6[%swap3A_1100, %swap3A_1101] {strides = array<i32>} : memref<4x80xi32, #tpu.memory_space<vmem>>, vector<16xi32>,
      tpu.vector_store %arg6[%swap3A_1100, %swap3A_1101], %add3A_1098 {strides = array<i32>} : memref<4x80xi32, #tpu.memory_space<vmem>>, vector<16xi32>,
      %and3A_1103 = arith.constant 16383 : i32
      %and3A_1104 = vector.broadcast %and3A_1103 : i32 to vector<16xi32>
      %and3A_1105 = arith.andi %get3A_1090, %and3A_1104 : vector<16xi32>
      %swap3A_1106 = arith.constant 0 : i32
      %swap3A_1107 = arith.index_cast %swap3A_1106 : i32 to index
      %swap3A_1108 = arith.constant 16 : index
      %swap3A_1109 = tpu.vector_load %arg7[%swap3A_1107, %swap3A_1108] {strides = array<i32>} : memref<4x80xi32, #tpu.memory_space<vmem>>, vector<16xi32>,
      tpu.vector_store %arg7[%swap3A_1107, %swap3A_1108], %and3A_1105 {strides = array<i32>} : memref<4x80xi32, #tpu.memory_space<vmem>>, vector<16xi32>,
      %get3A_1110 = arith.constant 0 : i32
      %get3A_1111 = arith.constant 0 : i32
      %get3A_1112 = arith.index_cast %get3A_1110 : i32 to index
      %get3A_1113 = arith.index_cast %get3A_1111 : i32 to index
      %get3A_1114 = arith.constant 32 : index
      %get3A_1115 = tpu.vector_load %arg5[%get3A_1112, %get3A_1113, %get3A_1114] {strides = array<i32>} : memref<2x2x80xi32, #tpu.memory_space<vmem>>, vector<16xi32>,
      %shift_right_arithmetic3A_1116 = arith.constant 14 : i32
      %shift_right_arithmetic3A_1117 = vector.broadcast %shift_right_arithmetic3A_1116 : i32 to vector<16xi32>
      %shift_right_arithmetic3A_1118 = arith.shrsi %get3A_1115, %shift_right_arithmetic3A_1117 : vector<16xi32>
      %mul3A_1119 = arith.constant 2 : i32
      %mul3A_1120 = vector.broadcast %mul3A_1119 : i32 to vector<16xi32>
      %mul3A_1121 = arith.muli %shift_right_arithmetic3A_1118, %mul3A_1120 : vector<16xi32>
      %add3A_1122 = vector.broadcast %arg0 : i32 to vector<16xi32>
      %add3A_1123 = arith.addi %mul3A_1121, %add3A_1122 : vector<16xi32>
      %swap3A_1124 = arith.constant 0 : i32
      %swap3A_1125 = arith.index_cast %swap3A_1124 : i32 to index
      %swap3A_1126 = arith.constant 32 : index
      %swap3A_1127 = tpu.vector_load %arg6[%swap3A_1125, %swap3A_1126] {strides = array<i32>} : memref<4x80xi32, #tpu.memory_space<vmem>>, vector<16xi32>,
      tpu.vector_store %arg6[%swap3A_1125, %swap3A_1126], %add3A_1123 {strides = array<i32>} : memref<4x80xi32, #tpu.memory_space<vmem>>, vector<16xi32>,
      %and3A_1128 = arith.constant 16383 : i32
      %and3A_1129 = vector.broadcast %and3A_1128 : i32 to vector<16xi32>
      %and3A_1130 = arith.andi %get3A_1115, %and3A_1129 : vector<16xi32>
      %swap3A_1131 = arith.constant 0 : i32
      %swap3A_1132 = arith.index_cast %swap3A_1131 : i32 to index
      %swap3A_1133 = arith.constant 32 : index
      %swap3A_1134 = tpu.vector_load %arg7[%swap3A_1132, %swap3A_1133] {strides = array<i32>} : memref<4x80xi32, #tpu.memory_space<vmem>>, vector<16xi32>,
      tpu.vector_store %arg7[%swap3A_1132, %swap3A_1133], %and3A_1130 {strides = array<i32>} : memref<4x80xi32, #tpu.memory_space<vmem>>, vector<16xi32>,
      %get3A_1135 = arith.constant 0 : i32
      %get3A_1136 = arith.constant 0 : i32
      %get3A_1137 = arith.index_cast %get3A_1135 : i32 to index
      %get3A_1138 = arith.index_cast %get3A_1136 : i32 to index
      %get3A_1139 = arith.constant 48 : index
      %get3A_1140 = tpu.vector_load %arg5[%get3A_1137, %get3A_1138, %get3A_1139] {strides = array<i32>} : memref<2x2x80xi32, #tpu.memory_space<vmem>>, vector<16xi32>,
      %shift_right_arithmetic3A_1141 = arith.constant 14 : i32
      %shift_right_arithmetic3A_1142 = vector.broadcast %shift_right_arithmetic3A_1141 : i32 to vector<16xi32>
      %shift_right_arithmetic3A_1143 = arith.shrsi %get3A_1140, %shift_right_arithmetic3A_1142 : vector<16xi32>
      %mul3A_1144 = arith.constant 2 : i32
      %mul3A_1145 = vector.broadcast %mul3A_1144 : i32 to vector<16xi32>
      %mul3A_1146 = arith.muli %shift_right_arithmetic3A_1143, %mul3A_1145 : vector<16xi32>
      %add3A_1147 = vector.broadcast %arg0 : i32 to vector<16xi32>
      %add3A_1148 = arith.addi %mul3A_1146, %add3A_1147 : vector<16xi32>
      %swap3A_1149 = arith.constant 0 : i32
      %swap3A_1150 = arith.index_cast %swap3A_1149 : i32 to index
      %swap3A_1151 = arith.constant 48 : index
      %swap3A_1152 = tpu.vector_load %arg6[%swap3A_1150, %swap3A_1151] {strides = array<i32>} : memref<4x80xi32, #tpu.memory_space<vmem>>, vector<16xi32>,
      tpu.vector_store %arg6[%swap3A_1150, %swap3A_1151], %add3A_1148 {strides = array<i32>} : memref<4x80xi32, #tpu.memory_space<vmem>>, vector<16xi32>,
      %and3A_1153 = arith.constant 16383 : i32
      %and3A_1154 = vector.broadcast %and3A_1153 : i32 to vector<16xi32>
      %and3A_1155 = arith.andi %get3A_1140, %and3A_1154 : vector<16xi32>
      %swap3A_1156 = arith.constant 0 : i32
      %swap3A_1157 = arith.index_cast %swap3A_1156 : i32 to index
      %swap3A_1158 = arith.constant 48 : index
      %swap3A_1159 = tpu.vector_load %arg7[%swap3A_1157, %swap3A_1158] {strides = array<i32>} : memref<4x80xi32, #tpu.memory_space<vmem>>, vector<16xi32>,
      tpu.vector_store %arg7[%swap3A_1157, %swap3A_1158], %and3A_1155 {strides = array<i32>} : memref<4x80xi32, #tpu.memory_space<vmem>>, vector<16xi32>,
      %get3A_1160 = arith.constant 0 : i32
      %get3A_1161 = arith.constant 0 : i32
      %get3A_1162 = arith.index_cast %get3A_1160 : i32 to index
      %get3A_1163 = arith.index_cast %get3A_1161 : i32 to index
      %get3A_1164 = arith.constant 64 : index
      %get3A_1165 = tpu.vector_load %arg5[%get3A_1162, %get3A_1163, %get3A_1164] {strides = array<i32>} : memref<2x2x80xi32, #tpu.memory_space<vmem>>, vector<16xi32>,
      %shift_right_arithmetic3A_1166 = arith.constant 14 : i32
      %shift_right_arithmetic3A_1167 = vector.broadcast %shift_right_arithmetic3A_1166 : i32 to vector<16xi32>
      %shift_right_arithmetic3A_1168 = arith.shrsi %get3A_1165, %shift_right_arithmetic3A_1167 : vector<16xi32>
      %mul3A_1169 = arith.constant 2 : i32
      %mul3A_1170 = vector.broadcast %mul3A_1169 : i32 to vector<16xi32>
      %mul3A_1171 = arith.muli %shift_right_arithmetic3A_1168, %mul3A_1170 : vector<16xi32>
      %add3A_1172 = vector.broadcast %arg0 : i32 to vector<16xi32>
      %add3A_1173 = arith.addi %mul3A_1171, %add3A_1172 : vector<16xi32>
      %swap3A_1174 = arith.constant 0 : i32
      %swap3A_1175 = arith.index_cast %swap3A_1174 : i32 to index
      %swap3A_1176 = arith.constant 64 : index
      %swap3A_1177 = tpu.vector_load %arg6[%swap3A_1175, %swap3A_1176] {strides = array<i32>} : memref<4x80xi32, #tpu.memory_space<vmem>>, vector<16xi32>,
      tpu.vector_store %arg6[%swap3A_1175, %swap3A_1176], %add3A_1173 {strides = array<i32>} : memref<4x80xi32, #tpu.memory_space<vmem>>, vector<16xi32>,
      %and3A_1178 = arith.constant 16383 : i32
      %and3A_1179 = vector.broadcast %and3A_1178 : i32 to vector<16xi32>
      %and3A_1180 = arith.andi %get3A_1165, %and3A_1179 : vector<16xi32>
      %swap3A_1181 = arith.constant 0 : i32
      %swap3A_1182 = arith.index_cast %swap3A_1181 : i32 to index
      %swap3A_1183 = arith.constant 64 : index
      %swap3A_1184 = tpu.vector_load %arg7[%swap3A_1182, %swap3A_1183] {strides = array<i32>} : memref<4x80xi32, #tpu.memory_space<vmem>>, vector<16xi32>,
      tpu.vector_store %arg7[%swap3A_1182, %swap3A_1183], %and3A_1180 {strides = array<i32>} : memref<4x80xi32, #tpu.memory_space<vmem>>, vector<16xi32>,
      %get3A_1185 = arith.constant 0 : i32
      %get3A_1186 = arith.constant 1 : i32
      %get3A_1187 = arith.index_cast %get3A_1185 : i32 to index
      %get3A_1188 = arith.index_cast %get3A_1186 : i32 to index
      %get3A_1189 = arith.constant 0 : index
      %get3A_1190 = tpu.vector_load %arg5[%get3A_1187, %get3A_1188, %get3A_1189] {strides = array<i32>} : memref<2x2x80xi32, #tpu.memory_space<vmem>>, vector<16xi32>,
      %shift_right_arithmetic3A_1191 = arith.constant 14 : i32
      %shift_right_arithmetic3A_1192 = vector.broadcast %shift_right_arithmetic3A_1191 : i32 to vector<16xi32>
      %shift_right_arithmetic3A_1193 = arith.shrsi %get3A_1190, %shift_right_arithmetic3A_1192 : vector<16xi32>
      %mul3A_1194 = arith.constant 2 : i32
      %mul3A_1195 = vector.broadcast %mul3A_1194 : i32 to vector<16xi32>
      %mul3A_1196 = arith.muli %shift_right_arithmetic3A_1193, %mul3A_1195 : vector<16xi32>
      %add3A_1197 = vector.broadcast %arg0 : i32 to vector<16xi32>
      %add3A_1198 = arith.addi %mul3A_1196, %add3A_1197 : vector<16xi32>
      %swap3A_1199 = arith.constant 1 : i32
      %swap3A_1200 = arith.index_cast %swap3A_1199 : i32 to index
      %swap3A_1201 = arith.constant 0 : index
      %swap3A_1202 = tpu.vector_load %arg6[%swap3A_1200, %swap3A_1201] {strides = array<i32>} : memref<4x80xi32, #tpu.memory_space<vmem>>, vector<16xi32>,
      tpu.vector_store %arg6[%swap3A_1200, %swap3A_1201], %add3A_1198 {strides = array<i32>} : memref<4x80xi32, #tpu.memory_space<vmem>>, vector<16xi32>,
      %and3A_1203 = arith.constant 16383 : i32
      %and3A_1204 = vector.broadcast %and3A_1203 : i32 to vector<16xi32>
      %and3A_1205 = arith.andi %get3A_1190, %and3A_1204 : vector<16xi32>
      %swap3A_1206 = arith.constant 1 : i32
      %swap3A_1207 = arith.index_cast %swap3A_1206 : i32 to index
      %swap3A_1208 = arith.constant 0 : index
      %swap3A_1209 = tpu.vector_load %arg7[%swap3A_1207, %swap3A_1208] {strides = array<i32>} : memref<4x80xi32, #tpu.memory_space<vmem>>, vector<16xi32>,
      tpu.vector_store %arg7[%swap3A_1207, %swap3A_1208], %and3A_1205 {strides = array<i32>} : memref<4x80xi32, #tpu.memory_space<vmem>>, vector<16xi32>,
      %get3A_1210 = arith.constant 0 : i32
      %get3A_1211 = arith.constant 1 : i32
      %get3A_1212 = arith.index_cast %get3A_1210 : i32 to index
      %get3A_1213 = arith.index_cast %get3A_1211 : i32 to index
      %get3A_1214 = arith.constant 16 : index
      %get3A_1215 = tpu.vector_load %arg5[%get3A_1212, %get3A_1213, %get3A_1214] {strides = array<i32>} : memref<2x2x80xi32, #tpu.memory_space<vmem>>, vector<16xi32>,
      %shift_right_arithmetic3A_1216 = arith.constant 14 : i32
      %shift_right_arithmetic3A_1217 = vector.broadcast %shift_right_arithmetic3A_1216 : i32 to vector<16xi32>
      %shift_right_arithmetic3A_1218 = arith.shrsi %get3A_1215, %shift_right_arithmetic3A_1217 : vector<16xi32>
      %mul3A_1219 = arith.constant 2 : i32
      %mul3A_1220 = vector.broadcast %mul3A_1219 : i32 to vector<16xi32>
      %mul3A_1221 = arith.muli %shift_right_arithmetic3A_1218, %mul3A_1220 : vector<16xi32>
      %add3A_1222 = vector.broadcast %arg0 : i32 to vector<16xi32>
      %add3A_1223 = arith.addi %mul3A_1221, %add3A_1222 : vector<16xi32>
      %swap3A_1224 = arith.constant 1 : i32
      %swap3A_1225 = arith.index_cast %swap3A_1224 : i32 to index
      %swap3A_1226 = arith.constant 16 : index
      %swap3A_1227 = tpu.vector_load %arg6[%swap3A_1225, %swap3A_1226] {strides = array<i32>} : memref<4x80xi32, #tpu.memory_space<vmem>>, vector<16xi32>,
      tpu.vector_store %arg6[%swap3A_1225, %swap3A_1226], %add3A_1223 {strides = array<i32>} : memref<4x80xi32, #tpu.memory_space<vmem>>, vector<16xi32>,
      %and3A_1228 = arith.constant 16383 : i32
      %and3A_1229 = vector.broadcast %and3A_1228 : i32 to vector<16xi32>
      %and3A_1230 = arith.andi %get3A_1215, %and3A_1229 : vector<16xi32>
      %swap3A_1231 = arith.constant 1 : i32
      %swap3A_1232 = arith.index_cast %swap3A_1231 : i32 to index
      %swap3A_1233 = arith.constant 16 : index
      %swap3A_1234 = tpu.vector_load %arg7[%swap3A_1232, %swap3A_1233] {strides = array<i32>} : memref<4x80xi32, #tpu.memory_space<vmem>>, vector<16xi32>,
      tpu.vector_store %arg7[%swap3A_1232, %swap3A_1233], %and3A_1230 {strides = array<i32>} : memref<4x80xi32, #tpu.memory_space<vmem>>, vector<16xi32>,
      %get3A_1235 = arith.constant 0 : i32
      %get3A_1236 = arith.constant 1 : i32
      %get3A_1237 = arith.index_cast %get3A_1235 : i32 to index
      %get3A_1238 = arith.index_cast %get3A_1236 : i32 to index
      %get3A_1239 = arith.constant 32 : index
      %get3A_1240 = tpu.vector_load %arg5[%get3A_1237, %get3A_1238, %get3A_1239] {strides = array<i32>} : memref<2x2x80xi32, #tpu.memory_space<vmem>>, vector<16xi32>,
      %shift_right_arithmetic3A_1241 = arith.constant 14 : i32
      %shift_right_arithmetic3A_1242 = vector.broadcast %shift_right_arithmetic3A_1241 : i32 to vector<16xi32>
      %shift_right_arithmetic3A_1243 = arith.shrsi %get3A_1240, %shift_right_arithmetic3A_1242 : vector<16xi32>
      %mul3A_1244 = arith.constant 2 : i32
      %mul3A_1245 = vector.broadcast %mul3A_1244 : i32 to vector<16xi32>
      %mul3A_1246 = arith.muli %shift_right_arithmetic3A_1243, %mul3A_1245 : vector<16xi32>
      %add3A_1247 = vector.broadcast %arg0 : i32 to vector<16xi32>
      %add3A_1248 = arith.addi %mul3A_1246, %add3A_1247 : vector<16xi32>
      %swap3A_1249 = arith.constant 1 : i32
      %swap3A_1250 = arith.index_cast %swap3A_1249 : i32 to index
      %swap3A_1251 = arith.constant 32 : index
      %swap3A_1252 = tpu.vector_load %arg6[%swap3A_1250, %swap3A_1251] {strides = array<i32>} : memref<4x80xi32, #tpu.memory_space<vmem>>, vector<16xi32>,
      tpu.vector_store %arg6[%swap3A_1250, %swap3A_1251], %add3A_1248 {strides = array<i32>} : memref<4x80xi32, #tpu.memory_space<vmem>>, vector<16xi32>,
      %and3A_1253 = arith.constant 16383 : i32
      %and3A_1254 = vector.broadcast %and3A_1253 : i32 to vector<16xi32>
      %and3A_1255 = arith.andi %get3A_1240, %and3A_1254 : vector<16xi32>
      %swap3A_1256 = arith.constant 1 : i32
      %swap3A_1257 = arith.index_cast %swap3A_1256 : i32 to index
      %swap3A_1258 = arith.constant 32 : index
      %swap3A_1259 = tpu.vector_load %arg7[%swap3A_1257, %swap3A_1258] {strides = array<i32>} : memref<4x80xi32, #tpu.memory_space<vmem>>, vector<16xi32>,
      tpu.vector_store %arg7[%swap3A_1257, %swap3A_1258], %and3A_1255 {strides = array<i32>} : memref<4x80xi32, #tpu.memory_space<vmem>>, vector<16xi32>,
      %get3A_1260 = arith.constant 0 : i32
      %get3A_1261 = arith.constant 1 : i32
      %get3A_1262 = arith.index_cast %get3A_1260 : i32 to index
      %get3A_1263 = arith.index_cast %get3A_1261 : i32 to index
      %get3A_1264 = arith.constant 48 : index
      %get3A_1265 = tpu.vector_load %arg5[%get3A_1262, %get3A_1263, %get3A_1264] {strides = array<i32>} : memref<2x2x80xi32, #tpu.memory_space<vmem>>, vector<16xi32>,
      %shift_right_arithmetic3A_1266 = arith.constant 14 : i32
      %shift_right_arithmetic3A_1267 = vector.broadcast %shift_right_arithmetic3A_1266 : i32 to vector<16xi32>
      %shift_right_arithmetic3A_1268 = arith.shrsi %get3A_1265, %shift_right_arithmetic3A_1267 : vector<16xi32>
      %mul3A_1269 = arith.constant 2 : i32
      %mul3A_1270 = vector.broadcast %mul3A_1269 : i32 to vector<16xi32>
      %mul3A_1271 = arith.muli %shift_right_arithmetic3A_1268, %mul3A_1270 : vector<16xi32>
      %add3A_1272 = vector.broadcast %arg0 : i32 to vector<16xi32>
      %add3A_1273 = arith.addi %mul3A_1271, %add3A_1272 : vector<16xi32>
      %swap3A_1274 = arith.constant 1 : i32
      %swap3A_1275 = arith.index_cast %swap3A_1274 : i32 to index
      %swap3A_1276 = arith.constant 48 : index
      %swap3A_1277 = tpu.vector_load %arg6[%swap3A_1275, %swap3A_1276] {strides = array<i32>} : memref<4x80xi32, #tpu.memory_space<vmem>>, vector<16xi32>,
      tpu.vector_store %arg6[%swap3A_1275, %swap3A_1276], %add3A_1273 {strides = array<i32>} : memref<4x80xi32, #tpu.memory_space<vmem>>, vector<16xi32>,
      %and3A_1278 = arith.constant 16383 : i32
      %and3A_1279 = vector.broadcast %and3A_1278 : i32 to vector<16xi32>
      %and3A_1280 = arith.andi %get3A_1265, %and3A_1279 : vector<16xi32>
      %swap3A_1281 = arith.constant 1 : i32
      %swap3A_1282 = arith.index_cast %swap3A_1281 : i32 to index
      %swap3A_1283 = arith.constant 48 : index
      %swap3A_1284 = tpu.vector_load %arg7[%swap3A_1282, %swap3A_1283] {strides = array<i32>} : memref<4x80xi32, #tpu.memory_space<vmem>>, vector<16xi32>,
      tpu.vector_store %arg7[%swap3A_1282, %swap3A_1283], %and3A_1280 {strides = array<i32>} : memref<4x80xi32, #tpu.memory_space<vmem>>, vector<16xi32>,
      %get3A_1285 = arith.constant 0 : i32
      %get3A_1286 = arith.constant 1 : i32
      %get3A_1287 = arith.index_cast %get3A_1285 : i32 to index
      %get3A_1288 = arith.index_cast %get3A_1286 : i32 to index
      %get3A_1289 = arith.constant 64 : index
      %get3A_1290 = tpu.vector_load %arg5[%get3A_1287, %get3A_1288, %get3A_1289] {strides = array<i32>} : memref<2x2x80xi32, #tpu.memory_space<vmem>>, vector<16xi32>,
      %shift_right_arithmetic3A_1291 = arith.constant 14 : i32
      %shift_right_arithmetic3A_1292 = vector.broadcast %shift_right_arithmetic3A_1291 : i32 to vector<16xi32>
      %shift_right_arithmetic3A_1293 = arith.shrsi %get3A_1290, %shift_right_arithmetic3A_1292 : vector<16xi32>
      %mul3A_1294 = arith.constant 2 : i32
      %mul3A_1295 = vector.broadcast %mul3A_1294 : i32 to vector<16xi32>
      %mul3A_1296 = arith.muli %shift_right_arithmetic3A_1293, %mul3A_1295 : vector<16xi32>
      %add3A_1297 = vector.broadcast %arg0 : i32 to vector<16xi32>
      %add3A_1298 = arith.addi %mul3A_1296, %add3A_1297 : vector<16xi32>
      %swap3A_1299 = arith.constant 1 : i32
      %swap3A_1300 = arith.index_cast %swap3A_1299 : i32 to index
      %swap3A_1301 = arith.constant 64 : index
      %swap3A_1302 = tpu.vector_load %arg6[%swap3A_1300, %swap3A_1301] {strides = array<i32>} : memref<4x80xi32, #tpu.memory_space<vmem>>, vector<16xi32>,
      tpu.vector_store %arg6[%swap3A_1300, %swap3A_1301], %add3A_1298 {strides = array<i32>} : memref<4x80xi32, #tpu.memory_space<vmem>>, vector<16xi32>,
      %and3A_1303 = arith.constant 16383 : i32
      %and3A_1304 = vector.broadcast %and3A_1303 : i32 to vector<16xi32>
      %and3A_1305 = arith.andi %get3A_1290, %and3A_1304 : vector<16xi32>
      %swap3A_1306 = arith.constant 1 : i32
      %swap3A_1307 = arith.index_cast %swap3A_1306 : i32 to index
      %swap3A_1308 = arith.constant 64 : index
      %swap3A_1309 = tpu.vector_load %arg7[%swap3A_1307, %swap3A_1308] {strides = array<i32>} : memref<4x80xi32, #tpu.memory_space<vmem>>, vector<16xi32>,
      tpu.vector_store %arg7[%swap3A_1307, %swap3A_1308], %and3A_1305 {strides = array<i32>} : memref<4x80xi32, #tpu.memory_space<vmem>>, vector<16xi32>,
      %dma_wait3A_1310 = arith.constant 2 : i32
      %dma_wait3A_1311 = arith.constant 0 : i32
      %dma_wait3A_1312 = tpu.memref_slice %arg7[%dma_wait3A_1310, %dma_wait3A_1311] : memref<4x80xi32, #tpu.memory_space<vmem>> -> memref<1x80xi32, #tpu.memory_space<vmem>>
      %dma_wait3A_1313 = tpu.memref_squeeze %dma_wait3A_1312 : memref<1x80xi32, #tpu.memory_space<vmem>> -> memref<80xi32, #tpu.memory_space<vmem>>
      %dma_wait3A_1314 = arith.constant 0 : i32
      %dma_wait3A_1315 = arith.constant 0 : i32
      %dma_wait3A_1316 = tpu.memref_slice %arg10[%dma_wait3A_1314, %dma_wait3A_1315] : memref<10240x128xf32, #tpu.memory_space<vmem_shared>> -> memref<10240x128xf32, #tpu.memory_space<vmem_shared>>
      tpu.wait_indirect_dma semaphore(%arg13 : memref<!tpu.dma_semaphore, #tpu.memory_space<semaphore_mem>>) src(%arg8 : memref<80x128xf32, #tpu.memory_space<vmem>>) dst(%dma_wait3A_1316 : memref<10240x128xf32, #tpu.memory_space<vmem_shared>>)
      %dma_start3A_1317 = arith.constant 0 : i32
      %dma_start3A_1318 = arith.constant 0 : i32
      %dma_start3A_1319 = tpu.memref_slice %arg6[%dma_start3A_1317, %dma_start3A_1318] : memref<4x80xi32, #tpu.memory_space<vmem>> -> memref<1x80xi32, #tpu.memory_space<vmem>>
      %dma_start3A_1320 = tpu.memref_squeeze %dma_start3A_1319 : memref<1x80xi32, #tpu.memory_space<vmem>> -> memref<80xi32, #tpu.memory_space<vmem>>
      %dma_start3A_1321 = arith.constant 0 : i32
      %dma_start3A_1322 = arith.constant 0 : i32
      %dma_start3A_1323 = tpu.memref_slice %arg2[%dma_start3A_1321, %dma_start3A_1322] : memref<20000x128xf32, #tpu.memory_space<hbm>> -> memref<20000x128xf32, #tpu.memory_space<hbm>>
      tpu.enqueue_indirect_dma source(%dma_start3A_1323 : memref<20000x128xf32, #tpu.memory_space<hbm>>) target(%arg8 : memref<80x128xf32, #tpu.memory_space<vmem>>) offsets(%dma_start3A_1320 : memref<80xi32, #tpu.memory_space<vmem>>) semaphore(%arg11 : memref<!tpu.dma_semaphore, #tpu.memory_space<semaphore_mem>>)
      %dma_wait3A_1324 = arith.constant 3 : i32
      %dma_wait3A_1325 = arith.constant 0 : i32
      %dma_wait3A_1326 = tpu.memref_slice %arg7[%dma_wait3A_1324, %dma_wait3A_1325] : memref<4x80xi32, #tpu.memory_space<vmem>> -> memref<1x80xi32, #tpu.memory_space<vmem>>
      %dma_wait3A_1327 = tpu.memref_squeeze %dma_wait3A_1326 : memref<1x80xi32, #tpu.memory_space<vmem>> -> memref<80xi32, #tpu.memory_space<vmem>>
      %dma_wait3A_1328 = arith.constant 0 : i32
      %dma_wait3A_1329 = arith.constant 0 : i32
      %dma_wait3A_1330 = tpu.memref_slice %arg10[%dma_wait3A_1328, %dma_wait3A_1329] : memref<10240x128xf32, #tpu.memory_space<vmem_shared>> -> memref<10240x128xf32, #tpu.memory_space<vmem_shared>>
      tpu.wait_indirect_dma semaphore(%arg14 : memref<!tpu.dma_semaphore, #tpu.memory_space<semaphore_mem>>) src(%arg9 : memref<80x128xf32, #tpu.memory_space<vmem>>) dst(%dma_wait3A_1330 : memref<10240x128xf32, #tpu.memory_space<vmem_shared>>)
      %dma_start3A_1331 = arith.constant 1 : i32
      %dma_start3A_1332 = arith.constant 0 : i32
      %dma_start3A_1333 = tpu.memref_slice %arg6[%dma_start3A_1331, %dma_start3A_1332] : memref<4x80xi32, #tpu.memory_space<vmem>> -> memref<1x80xi32, #tpu.memory_space<vmem>>
      %dma_start3A_1334 = tpu.memref_squeeze %dma_start3A_1333 : memref<1x80xi32, #tpu.memory_space<vmem>> -> memref<80xi32, #tpu.memory_space<vmem>>
      %dma_start3A_1335 = arith.constant 0 : i32
      %dma_start3A_1336 = arith.constant 0 : i32
      %dma_start3A_1337 = tpu.memref_slice %arg2[%dma_start3A_1335, %dma_start3A_1336] : memref<20000x128xf32, #tpu.memory_space<hbm>> -> memref<20000x128xf32, #tpu.memory_space<hbm>>
      tpu.enqueue_indirect_dma source(%dma_start3A_1337 : memref<20000x128xf32, #tpu.memory_space<hbm>>) target(%arg9 : memref<80x128xf32, #tpu.memory_space<vmem>>) offsets(%dma_start3A_1334 : memref<80xi32, #tpu.memory_space<vmem>>) semaphore(%arg12 : memref<!tpu.dma_semaphore, #tpu.memory_space<semaphore_mem>>)
    }
    %scan3A_287 = arith.constant 31 : i32
    %dma_wait3A = arith.constant 0 : i32
    %dma_wait3A_288 = arith.constant 0 : i32
    %dma_wait3A_289 = tpu.memref_slice %arg6[%dma_wait3A, %dma_wait3A_288] : memref<4x80xi32, #tpu.memory_space<vmem>> -> memref<1x80xi32, #tpu.memory_space<vmem>>
    %dma_wait3A_290 = tpu.memref_squeeze %dma_wait3A_289 : memref<1x80xi32, #tpu.memory_space<vmem>> -> memref<80xi32, #tpu.memory_space<vmem>>
    %dma_wait3A_291 = arith.constant 0 : i32
    %dma_wait3A_292 = arith.constant 0 : i32
    %dma_wait3A_293 = tpu.memref_slice %arg2[%dma_wait3A_291, %dma_wait3A_292] : memref<20000x128xf32, #tpu.memory_space<hbm>> -> memref<20000x128xf32, #tpu.memory_space<hbm>>
    tpu.wait_indirect_dma semaphore(%arg11 : memref<!tpu.dma_semaphore, #tpu.memory_space<semaphore_mem>>) src(%dma_wait3A_293 : memref<20000x128xf32, #tpu.memory_space<hbm>>) dst(%arg8 : memref<80x128xf32, #tpu.memory_space<vmem>>)
    %dma_start3A_294 = arith.constant 0 : i32
    %dma_start3A_295 = arith.constant 0 : i32
    %dma_start3A_296 = tpu.memref_slice %arg7[%dma_start3A_294, %dma_start3A_295] : memref<4x80xi32, #tpu.memory_space<vmem>> -> memref<1x80xi32, #tpu.memory_space<vmem>>
    %dma_start3A_297 = tpu.memref_squeeze %dma_start3A_296 : memref<1x80xi32, #tpu.memory_space<vmem>> -> memref<80xi32, #tpu.memory_space<vmem>>
    %dma_start3A_298 = arith.constant 0 : i32
    %dma_start3A_299 = arith.constant 0 : i32
    %dma_start3A_300 = tpu.memref_slice %arg10[%dma_start3A_298, %dma_start3A_299] : memref<10240x128xf32, #tpu.memory_space<vmem_shared>> -> memref<10240x128xf32, #tpu.memory_space<vmem_shared>>
    tpu.enqueue_indirect_dma source(%arg8 : memref<80x128xf32, #tpu.memory_space<vmem>>) target(%dma_start3A_300 : memref<10240x128xf32, #tpu.memory_space<vmem_shared>>) offsets(%dma_start3A_297 : memref<80xi32, #tpu.memory_space<vmem>>) semaphore(%arg13 : memref<!tpu.dma_semaphore, #tpu.memory_space<semaphore_mem>>) {add = true}
    %dma_wait3A_301 = arith.constant 1 : i32
    %dma_wait3A_302 = arith.constant 0 : i32
    %dma_wait3A_303 = tpu.memref_slice %arg6[%dma_wait3A_301, %dma_wait3A_302] : memref<4x80xi32, #tpu.memory_space<vmem>> -> memref<1x80xi32, #tpu.memory_space<vmem>>
    %dma_wait3A_304 = tpu.memref_squeeze %dma_wait3A_303 : memref<1x80xi32, #tpu.memory_space<vmem>> -> memref<80xi32, #tpu.memory_space<vmem>>
    %dma_wait3A_305 = arith.constant 0 : i32
    %dma_wait3A_306 = arith.constant 0 : i32
    %dma_wait3A_307 = tpu.memref_slice %arg2[%dma_wait3A_305, %dma_wait3A_306] : memref<20000x128xf32, #tpu.memory_space<hbm>> -> memref<20000x128xf32, #tpu.memory_space<hbm>>
    tpu.wait_indirect_dma semaphore(%arg12 : memref<!tpu.dma_semaphore, #tpu.memory_space<semaphore_mem>>) src(%dma_wait3A_307 : memref<20000x128xf32, #tpu.memory_space<hbm>>) dst(%arg9 : memref<80x128xf32, #tpu.memory_space<vmem>>)
    %dma_start3A_308 = arith.constant 1 : i32
    %dma_start3A_309 = arith.constant 0 : i32
    %dma_start3A_310 = tpu.memref_slice %arg7[%dma_start3A_308, %dma_start3A_309] : memref<4x80xi32, #tpu.memory_space<vmem>> -> memref<1x80xi32, #tpu.memory_space<vmem>>
    %dma_start3A_311 = tpu.memref_squeeze %dma_start3A_310 : memref<1x80xi32, #tpu.memory_space<vmem>> -> memref<80xi32, #tpu.memory_space<vmem>>
    %dma_start3A_312 = arith.constant 0 : i32
    %dma_start3A_313 = arith.constant 0 : i32
    %dma_start3A_314 = tpu.memref_slice %arg10[%dma_start3A_312, %dma_start3A_313] : memref<10240x128xf32, #tpu.memory_space<vmem_shared>> -> memref<10240x128xf32, #tpu.memory_space<vmem_shared>>
    tpu.enqueue_indirect_dma source(%arg9 : memref<80x128xf32, #tpu.memory_space<vmem>>) target(%dma_start3A_314 : memref<10240x128xf32, #tpu.memory_space<vmem_shared>>) offsets(%dma_start3A_311 : memref<80xi32, #tpu.memory_space<vmem>>) semaphore(%arg14 : memref<!tpu.dma_semaphore, #tpu.memory_space<semaphore_mem>>) {add = true}
    %dma_wait3A_315 = arith.constant 1 : i32
    %dma_wait3A_316 = arith.constant 0 : i32
    %dma_wait3A_317 = arith.constant 0 : i32
    %dma_wait3A_318 = tpu.memref_slice %arg5[%dma_wait3A_315, %dma_wait3A_316, %dma_wait3A_317] : memref<2x2x80xi32, #tpu.memory_space<vmem>> -> memref<1x2x80xi32, #tpu.memory_space<vmem>>
    %dma_wait3A_319 = tpu.memref_squeeze %dma_wait3A_318 : memref<1x2x80xi32, #tpu.memory_space<vmem>> -> memref<2x80xi32, #tpu.memory_space<vmem>>
    %dma_wait3A_320 = arith.constant 0 : i32
    %dma_wait3A_321 = tpu.memref_slice %arg3[%mul3A_0, %dma_wait3A_320] : memref<2048x80xi32, #tpu.memory_space<hbm>> -> memref<2x80xi32, #tpu.memory_space<hbm>>
    %dma_wait3A_322 = arith.constant 0 : i32
    %dma_wait3A_323 = arith.constant 0 : i32
    %dma_wait3A_324 = tpu.memref_slice %arg5[%dma_wait3A_315, %dma_wait3A_322, %dma_wait3A_323] : memref<2x2x80xi32, #tpu.memory_space<vmem>> -> memref<1x2x80xi32, #tpu.memory_space<vmem>>
    %dma_wait3A_325 = tpu.memref_squeeze %dma_wait3A_324 : memref<1x2x80xi32, #tpu.memory_space<vmem>> -> memref<2x80xi32, #tpu.memory_space<vmem>>
    %dma_wait3A_326 = arith.constant 0 : i32
    %dma_wait3A_327 = tpu.memref_slice %arg3[%mul3A_0, %dma_wait3A_326] : memref<2048x80xi32, #tpu.memory_space<hbm>> -> memref<2x80xi32, #tpu.memory_space<hbm>>
    tpu.wait_dma2 semaphore(%arg16 : memref<!tpu.dma_semaphore, #tpu.memory_space<semaphore_mem>>) src(%dma_wait3A_327 : memref<2x80xi32, #tpu.memory_space<hbm>>) dst(%dma_wait3A_325 : memref<2x80xi32, #tpu.memory_space<vmem>>)
    %get3A_328 = arith.constant 1 : i32
    %get3A_329 = arith.constant 0 : i32
    %get3A_330 = arith.index_cast %get3A_328 : i32 to index
    %get3A_331 = arith.index_cast %get3A_329 : i32 to index
    %get3A_332 = arith.constant 0 : index
    %get3A_333 = tpu.vector_load %arg5[%get3A_330, %get3A_331, %get3A_332] {strides = array<i32>} : memref<2x2x80xi32, #tpu.memory_space<vmem>>, vector<16xi32>,
    %shift_right_arithmetic3A_334 = arith.constant 14 : i32
    %shift_right_arithmetic3A_335 = vector.broadcast %shift_right_arithmetic3A_334 : i32 to vector<16xi32>
    %shift_right_arithmetic3A_336 = arith.shrsi %get3A_333, %shift_right_arithmetic3A_335 : vector<16xi32>
    %mul3A_337 = arith.constant 2 : i32
    %mul3A_338 = vector.broadcast %mul3A_337 : i32 to vector<16xi32>
    %mul3A_339 = arith.muli %shift_right_arithmetic3A_336, %mul3A_338 : vector<16xi32>
    %add3A_340 = vector.broadcast %arg0 : i32 to vector<16xi32>
    %add3A_341 = arith.addi %mul3A_339, %add3A_340 : vector<16xi32>
    %swap3A_342 = arith.constant 2 : i32
    %swap3A_343 = arith.index_cast %swap3A_342 : i32 to index
    %swap3A_344 = arith.constant 0 : index
    %swap3A_345 = tpu.vector_load %arg6[%swap3A_343, %swap3A_344] {strides = array<i32>} : memref<4x80xi32, #tpu.memory_space<vmem>>, vector<16xi32>,
    tpu.vector_store %arg6[%swap3A_343, %swap3A_344], %add3A_341 {strides = array<i32>} : memref<4x80xi32, #tpu.memory_space<vmem>>, vector<16xi32>,
    %and3A_346 = arith.constant 16383 : i32
    %and3A_347 = vector.broadcast %and3A_346 : i32 to vector<16xi32>
    %and3A_348 = arith.andi %get3A_333, %and3A_347 : vector<16xi32>
    %swap3A_349 = arith.constant 2 : i32
    %swap3A_350 = arith.index_cast %swap3A_349 : i32 to index
    %swap3A_351 = arith.constant 0 : index
    %swap3A_352 = tpu.vector_load %arg7[%swap3A_350, %swap3A_351] {strides = array<i32>} : memref<4x80xi32, #tpu.memory_space<vmem>>, vector<16xi32>,
    tpu.vector_store %arg7[%swap3A_350, %swap3A_351], %and3A_348 {strides = array<i32>} : memref<4x80xi32, #tpu.memory_space<vmem>>, vector<16xi32>,
    %get3A_353 = arith.constant 1 : i32
    %get3A_354 = arith.constant 0 : i32
    %get3A_355 = arith.index_cast %get3A_353 : i32 to index
    %get3A_356 = arith.index_cast %get3A_354 : i32 to index
    %get3A_357 = arith.constant 16 : index
    %get3A_358 = tpu.vector_load %arg5[%get3A_355, %get3A_356, %get3A_357] {strides = array<i32>} : memref<2x2x80xi32, #tpu.memory_space<vmem>>, vector<16xi32>,
    %shift_right_arithmetic3A_359 = arith.constant 14 : i32
    %shift_right_arithmetic3A_360 = vector.broadcast %shift_right_arithmetic3A_359 : i32 to vector<16xi32>
    %shift_right_arithmetic3A_361 = arith.shrsi %get3A_358, %shift_right_arithmetic3A_360 : vector<16xi32>
    %mul3A_362 = arith.constant 2 : i32
    %mul3A_363 = vector.broadcast %mul3A_362 : i32 to vector<16xi32>
    %mul3A_364 = arith.muli %shift_right_arithmetic3A_361, %mul3A_363 : vector<16xi32>
    %add3A_365 = vector.broadcast %arg0 : i32 to vector<16xi32>
    %add3A_366 = arith.addi %mul3A_364, %add3A_365 : vector<16xi32>
    %swap3A_367 = arith.constant 2 : i32
    %swap3A_368 = arith.index_cast %swap3A_367 : i32 to index
    %swap3A_369 = arith.constant 16 : index
    %swap3A_370 = tpu.vector_load %arg6[%swap3A_368, %swap3A_369] {strides = array<i32>} : memref<4x80xi32, #tpu.memory_space<vmem>>, vector<16xi32>,
    tpu.vector_store %arg6[%swap3A_368, %swap3A_369], %add3A_366 {strides = array<i32>} : memref<4x80xi32, #tpu.memory_space<vmem>>, vector<16xi32>,
    %and3A_371 = arith.constant 16383 : i32
    %and3A_372 = vector.broadcast %and3A_371 : i32 to vector<16xi32>
    %and3A_373 = arith.andi %get3A_358, %and3A_372 : vector<16xi32>
    %swap3A_374 = arith.constant 2 : i32
    %swap3A_375 = arith.index_cast %swap3A_374 : i32 to index
    %swap3A_376 = arith.constant 16 : index
    %swap3A_377 = tpu.vector_load %arg7[%swap3A_375, %swap3A_376] {strides = array<i32>} : memref<4x80xi32, #tpu.memory_space<vmem>>, vector<16xi32>,
    tpu.vector_store %arg7[%swap3A_375, %swap3A_376], %and3A_373 {strides = array<i32>} : memref<4x80xi32, #tpu.memory_space<vmem>>, vector<16xi32>,
    %get3A_378 = arith.constant 1 : i32
    %get3A_379 = arith.constant 0 : i32
    %get3A_380 = arith.index_cast %get3A_378 : i32 to index
    %get3A_381 = arith.index_cast %get3A_379 : i32 to index
    %get3A_382 = arith.constant 32 : index
    %get3A_383 = tpu.vector_load %arg5[%get3A_380, %get3A_381, %get3A_382] {strides = array<i32>} : memref<2x2x80xi32, #tpu.memory_space<vmem>>, vector<16xi32>,
    %shift_right_arithmetic3A_384 = arith.constant 14 : i32
    %shift_right_arithmetic3A_385 = vector.broadcast %shift_right_arithmetic3A_384 : i32 to vector<16xi32>
    %shift_right_arithmetic3A_386 = arith.shrsi %get3A_383, %shift_right_arithmetic3A_385 : vector<16xi32>
    %mul3A_387 = arith.constant 2 : i32
    %mul3A_388 = vector.broadcast %mul3A_387 : i32 to vector<16xi32>
    %mul3A_389 = arith.muli %shift_right_arithmetic3A_386, %mul3A_388 : vector<16xi32>
    %add3A_390 = vector.broadcast %arg0 : i32 to vector<16xi32>
    %add3A_391 = arith.addi %mul3A_389, %add3A_390 : vector<16xi32>
    %swap3A_392 = arith.constant 2 : i32
    %swap3A_393 = arith.index_cast %swap3A_392 : i32 to index
    %swap3A_394 = arith.constant 32 : index
    %swap3A_395 = tpu.vector_load %arg6[%swap3A_393, %swap3A_394] {strides = array<i32>} : memref<4x80xi32, #tpu.memory_space<vmem>>, vector<16xi32>,
    tpu.vector_store %arg6[%swap3A_393, %swap3A_394], %add3A_391 {strides = array<i32>} : memref<4x80xi32, #tpu.memory_space<vmem>>, vector<16xi32>,
    %and3A_396 = arith.constant 16383 : i32
    %and3A_397 = vector.broadcast %and3A_396 : i32 to vector<16xi32>
    %and3A_398 = arith.andi %get3A_383, %and3A_397 : vector<16xi32>
    %swap3A_399 = arith.constant 2 : i32
    %swap3A_400 = arith.index_cast %swap3A_399 : i32 to index
    %swap3A_401 = arith.constant 32 : index
    %swap3A_402 = tpu.vector_load %arg7[%swap3A_400, %swap3A_401] {strides = array<i32>} : memref<4x80xi32, #tpu.memory_space<vmem>>, vector<16xi32>,
    tpu.vector_store %arg7[%swap3A_400, %swap3A_401], %and3A_398 {strides = array<i32>} : memref<4x80xi32, #tpu.memory_space<vmem>>, vector<16xi32>,
    %get3A_403 = arith.constant 1 : i32
    %get3A_404 = arith.constant 0 : i32
    %get3A_405 = arith.index_cast %get3A_403 : i32 to index
    %get3A_406 = arith.index_cast %get3A_404 : i32 to index
    %get3A_407 = arith.constant 48 : index
    %get3A_408 = tpu.vector_load %arg5[%get3A_405, %get3A_406, %get3A_407] {strides = array<i32>} : memref<2x2x80xi32, #tpu.memory_space<vmem>>, vector<16xi32>,
    %shift_right_arithmetic3A_409 = arith.constant 14 : i32
    %shift_right_arithmetic3A_410 = vector.broadcast %shift_right_arithmetic3A_409 : i32 to vector<16xi32>
    %shift_right_arithmetic3A_411 = arith.shrsi %get3A_408, %shift_right_arithmetic3A_410 : vector<16xi32>
    %mul3A_412 = arith.constant 2 : i32
    %mul3A_413 = vector.broadcast %mul3A_412 : i32 to vector<16xi32>
    %mul3A_414 = arith.muli %shift_right_arithmetic3A_411, %mul3A_413 : vector<16xi32>
    %add3A_415 = vector.broadcast %arg0 : i32 to vector<16xi32>
    %add3A_416 = arith.addi %mul3A_414, %add3A_415 : vector<16xi32>
    %swap3A_417 = arith.constant 2 : i32
    %swap3A_418 = arith.index_cast %swap3A_417 : i32 to index
    %swap3A_419 = arith.constant 48 : index
    %swap3A_420 = tpu.vector_load %arg6[%swap3A_418, %swap3A_419] {strides = array<i32>} : memref<4x80xi32, #tpu.memory_space<vmem>>, vector<16xi32>,
    tpu.vector_store %arg6[%swap3A_418, %swap3A_419], %add3A_416 {strides = array<i32>} : memref<4x80xi32, #tpu.memory_space<vmem>>, vector<16xi32>,
    %and3A_421 = arith.constant 16383 : i32
    %and3A_422 = vector.broadcast %and3A_421 : i32 to vector<16xi32>
    %and3A_423 = arith.andi %get3A_408, %and3A_422 : vector<16xi32>
    %swap3A_424 = arith.constant 2 : i32
    %swap3A_425 = arith.index_cast %swap3A_424 : i32 to index
    %swap3A_426 = arith.constant 48 : index
    %swap3A_427 = tpu.vector_load %arg7[%swap3A_425, %swap3A_426] {strides = array<i32>} : memref<4x80xi32, #tpu.memory_space<vmem>>, vector<16xi32>,
    tpu.vector_store %arg7[%swap3A_425, %swap3A_426], %and3A_423 {strides = array<i32>} : memref<4x80xi32, #tpu.memory_space<vmem>>, vector<16xi32>,
    %get3A_428 = arith.constant 1 : i32
    %get3A_429 = arith.constant 0 : i32
    %get3A_430 = arith.index_cast %get3A_428 : i32 to index
    %get3A_431 = arith.index_cast %get3A_429 : i32 to index
    %get3A_432 = arith.constant 64 : index
    %get3A_433 = tpu.vector_load %arg5[%get3A_430, %get3A_431, %get3A_432] {strides = array<i32>} : memref<2x2x80xi32, #tpu.memory_space<vmem>>, vector<16xi32>,
    %shift_right_arithmetic3A_434 = arith.constant 14 : i32
    %shift_right_arithmetic3A_435 = vector.broadcast %shift_right_arithmetic3A_434 : i32 to vector<16xi32>
    %shift_right_arithmetic3A_436 = arith.shrsi %get3A_433, %shift_right_arithmetic3A_435 : vector<16xi32>
    %mul3A_437 = arith.constant 2 : i32
    %mul3A_438 = vector.broadcast %mul3A_437 : i32 to vector<16xi32>
    %mul3A_439 = arith.muli %shift_right_arithmetic3A_436, %mul3A_438 : vector<16xi32>
    %add3A_440 = vector.broadcast %arg0 : i32 to vector<16xi32>
    %add3A_441 = arith.addi %mul3A_439, %add3A_440 : vector<16xi32>
    %swap3A_442 = arith.constant 2 : i32
    %swap3A_443 = arith.index_cast %swap3A_442 : i32 to index
    %swap3A_444 = arith.constant 64 : index
    %swap3A_445 = tpu.vector_load %arg6[%swap3A_443, %swap3A_444] {strides = array<i32>} : memref<4x80xi32, #tpu.memory_space<vmem>>, vector<16xi32>,
    tpu.vector_store %arg6[%swap3A_443, %swap3A_444], %add3A_441 {strides = array<i32>} : memref<4x80xi32, #tpu.memory_space<vmem>>, vector<16xi32>,
    %and3A_446 = arith.constant 16383 : i32
    %and3A_447 = vector.broadcast %and3A_446 : i32 to vector<16xi32>
    %and3A_448 = arith.andi %get3A_433, %and3A_447 : vector<16xi32>
    %swap3A_449 = arith.constant 2 : i32
    %swap3A_450 = arith.index_cast %swap3A_449 : i32 to index
    %swap3A_451 = arith.constant 64 : index
    %swap3A_452 = tpu.vector_load %arg7[%swap3A_450, %swap3A_451] {strides = array<i32>} : memref<4x80xi32, #tpu.memory_space<vmem>>, vector<16xi32>,
    tpu.vector_store %arg7[%swap3A_450, %swap3A_451], %and3A_448 {strides = array<i32>} : memref<4x80xi32, #tpu.memory_space<vmem>>, vector<16xi32>,
    %get3A_453 = arith.constant 1 : i32
    %get3A_454 = arith.constant 1 : i32
    %get3A_455 = arith.index_cast %get3A_453 : i32 to index
    %get3A_456 = arith.index_cast %get3A_454 : i32 to index
    %get3A_457 = arith.constant 0 : index
    %get3A_458 = tpu.vector_load %arg5[%get3A_455, %get3A_456, %get3A_457] {strides = array<i32>} : memref<2x2x80xi32, #tpu.memory_space<vmem>>, vector<16xi32>,
    %shift_right_arithmetic3A_459 = arith.constant 14 : i32
    %shift_right_arithmetic3A_460 = vector.broadcast %shift_right_arithmetic3A_459 : i32 to vector<16xi32>
    %shift_right_arithmetic3A_461 = arith.shrsi %get3A_458, %shift_right_arithmetic3A_460 : vector<16xi32>
    %mul3A_462 = arith.constant 2 : i32
    %mul3A_463 = vector.broadcast %mul3A_462 : i32 to vector<16xi32>
    %mul3A_464 = arith.muli %shift_right_arithmetic3A_461, %mul3A_463 : vector<16xi32>
    %add3A_465 = vector.broadcast %arg0 : i32 to vector<16xi32>
    %add3A_466 = arith.addi %mul3A_464, %add3A_465 : vector<16xi32>
    %swap3A_467 = arith.constant 3 : i32
    %swap3A_468 = arith.index_cast %swap3A_467 : i32 to index
    %swap3A_469 = arith.constant 0 : index
    %swap3A_470 = tpu.vector_load %arg6[%swap3A_468, %swap3A_469] {strides = array<i32>} : memref<4x80xi32, #tpu.memory_space<vmem>>, vector<16xi32>,
    tpu.vector_store %arg6[%swap3A_468, %swap3A_469], %add3A_466 {strides = array<i32>} : memref<4x80xi32, #tpu.memory_space<vmem>>, vector<16xi32>,
    %and3A_471 = arith.constant 16383 : i32
    %and3A_472 = vector.broadcast %and3A_471 : i32 to vector<16xi32>
    %and3A_473 = arith.andi %get3A_458, %and3A_472 : vector<16xi32>
    %swap3A_474 = arith.constant 3 : i32
    %swap3A_475 = arith.index_cast %swap3A_474 : i32 to index
    %swap3A_476 = arith.constant 0 : index
    %swap3A_477 = tpu.vector_load %arg7[%swap3A_475, %swap3A_476] {strides = array<i32>} : memref<4x80xi32, #tpu.memory_space<vmem>>, vector<16xi32>,
    tpu.vector_store %arg7[%swap3A_475, %swap3A_476], %and3A_473 {strides = array<i32>} : memref<4x80xi32, #tpu.memory_space<vmem>>, vector<16xi32>,
    %get3A_478 = arith.constant 1 : i32
    %get3A_479 = arith.constant 1 : i32
    %get3A_480 = arith.index_cast %get3A_478 : i32 to index
    %get3A_481 = arith.index_cast %get3A_479 : i32 to index
    %get3A_482 = arith.constant 16 : index
    %get3A_483 = tpu.vector_load %arg5[%get3A_480, %get3A_481, %get3A_482] {strides = array<i32>} : memref<2x2x80xi32, #tpu.memory_space<vmem>>, vector<16xi32>,
    %shift_right_arithmetic3A_484 = arith.constant 14 : i32
    %shift_right_arithmetic3A_485 = vector.broadcast %shift_right_arithmetic3A_484 : i32 to vector<16xi32>
    %shift_right_arithmetic3A_486 = arith.shrsi %get3A_483, %shift_right_arithmetic3A_485 : vector<16xi32>
    %mul3A_487 = arith.constant 2 : i32
    %mul3A_488 = vector.broadcast %mul3A_487 : i32 to vector<16xi32>
    %mul3A_489 = arith.muli %shift_right_arithmetic3A_486, %mul3A_488 : vector<16xi32>
    %add3A_490 = vector.broadcast %arg0 : i32 to vector<16xi32>
    %add3A_491 = arith.addi %mul3A_489, %add3A_490 : vector<16xi32>
    %swap3A_492 = arith.constant 3 : i32
    %swap3A_493 = arith.index_cast %swap3A_492 : i32 to index
    %swap3A_494 = arith.constant 16 : index
    %swap3A_495 = tpu.vector_load %arg6[%swap3A_493, %swap3A_494] {strides = array<i32>} : memref<4x80xi32, #tpu.memory_space<vmem>>, vector<16xi32>,
    tpu.vector_store %arg6[%swap3A_493, %swap3A_494], %add3A_491 {strides = array<i32>} : memref<4x80xi32, #tpu.memory_space<vmem>>, vector<16xi32>,
    %and3A_496 = arith.constant 16383 : i32
    %and3A_497 = vector.broadcast %and3A_496 : i32 to vector<16xi32>
    %and3A_498 = arith.andi %get3A_483, %and3A_497 : vector<16xi32>
    %swap3A_499 = arith.constant 3 : i32
    %swap3A_500 = arith.index_cast %swap3A_499 : i32 to index
    %swap3A_501 = arith.constant 16 : index
    %swap3A_502 = tpu.vector_load %arg7[%swap3A_500, %swap3A_501] {strides = array<i32>} : memref<4x80xi32, #tpu.memory_space<vmem>>, vector<16xi32>,
    tpu.vector_store %arg7[%swap3A_500, %swap3A_501], %and3A_498 {strides = array<i32>} : memref<4x80xi32, #tpu.memory_space<vmem>>, vector<16xi32>,
    %get3A_503 = arith.constant 1 : i32
    %get3A_504 = arith.constant 1 : i32
    %get3A_505 = arith.index_cast %get3A_503 : i32 to index
    %get3A_506 = arith.index_cast %get3A_504 : i32 to index
    %get3A_507 = arith.constant 32 : index
    %get3A_508 = tpu.vector_load %arg5[%get3A_505, %get3A_506, %get3A_507] {strides = array<i32>} : memref<2x2x80xi32, #tpu.memory_space<vmem>>, vector<16xi32>,
    %shift_right_arithmetic3A_509 = arith.constant 14 : i32
    %shift_right_arithmetic3A_510 = vector.broadcast %shift_right_arithmetic3A_509 : i32 to vector<16xi32>
    %shift_right_arithmetic3A_511 = arith.shrsi %get3A_508, %shift_right_arithmetic3A_510 : vector<16xi32>
    %mul3A_512 = arith.constant 2 : i32
    %mul3A_513 = vector.broadcast %mul3A_512 : i32 to vector<16xi32>
    %mul3A_514 = arith.muli %shift_right_arithmetic3A_511, %mul3A_513 : vector<16xi32>
    %add3A_515 = vector.broadcast %arg0 : i32 to vector<16xi32>
    %add3A_516 = arith.addi %mul3A_514, %add3A_515 : vector<16xi32>
    %swap3A_517 = arith.constant 3 : i32
    %swap3A_518 = arith.index_cast %swap3A_517 : i32 to index
    %swap3A_519 = arith.constant 32 : index
    %swap3A_520 = tpu.vector_load %arg6[%swap3A_518, %swap3A_519] {strides = array<i32>} : memref<4x80xi32, #tpu.memory_space<vmem>>, vector<16xi32>,
    tpu.vector_store %arg6[%swap3A_518, %swap3A_519], %add3A_516 {strides = array<i32>} : memref<4x80xi32, #tpu.memory_space<vmem>>, vector<16xi32>,
    %and3A_521 = arith.constant 16383 : i32
    %and3A_522 = vector.broadcast %and3A_521 : i32 to vector<16xi32>
    %and3A_523 = arith.andi %get3A_508, %and3A_522 : vector<16xi32>
    %swap3A_524 = arith.constant 3 : i32
    %swap3A_525 = arith.index_cast %swap3A_524 : i32 to index
    %swap3A_526 = arith.constant 32 : index
    %swap3A_527 = tpu.vector_load %arg7[%swap3A_525, %swap3A_526] {strides = array<i32>} : memref<4x80xi32, #tpu.memory_space<vmem>>, vector<16xi32>,
    tpu.vector_store %arg7[%swap3A_525, %swap3A_526], %and3A_523 {strides = array<i32>} : memref<4x80xi32, #tpu.memory_space<vmem>>, vector<16xi32>,
    %get3A_528 = arith.constant 1 : i32
    %get3A_529 = arith.constant 1 : i32
    %get3A_530 = arith.index_cast %get3A_528 : i32 to index
    %get3A_531 = arith.index_cast %get3A_529 : i32 to index
    %get3A_532 = arith.constant 48 : index
    %get3A_533 = tpu.vector_load %arg5[%get3A_530, %get3A_531, %get3A_532] {strides = array<i32>} : memref<2x2x80xi32, #tpu.memory_space<vmem>>, vector<16xi32>,
    %shift_right_arithmetic3A_534 = arith.constant 14 : i32
    %shift_right_arithmetic3A_535 = vector.broadcast %shift_right_arithmetic3A_534 : i32 to vector<16xi32>
    %shift_right_arithmetic3A_536 = arith.shrsi %get3A_533, %shift_right_arithmetic3A_535 : vector<16xi32>
    %mul3A_537 = arith.constant 2 : i32
    %mul3A_538 = vector.broadcast %mul3A_537 : i32 to vector<16xi32>
    %mul3A_539 = arith.muli %shift_right_arithmetic3A_536, %mul3A_538 : vector<16xi32>
    %add3A_540 = vector.broadcast %arg0 : i32 to vector<16xi32>
    %add3A_541 = arith.addi %mul3A_539, %add3A_540 : vector<16xi32>
    %swap3A_542 = arith.constant 3 : i32
    %swap3A_543 = arith.index_cast %swap3A_542 : i32 to index
    %swap3A_544 = arith.constant 48 : index
    %swap3A_545 = tpu.vector_load %arg6[%swap3A_543, %swap3A_544] {strides = array<i32>} : memref<4x80xi32, #tpu.memory_space<vmem>>, vector<16xi32>,
    tpu.vector_store %arg6[%swap3A_543, %swap3A_544], %add3A_541 {strides = array<i32>} : memref<4x80xi32, #tpu.memory_space<vmem>>, vector<16xi32>,
    %and3A_546 = arith.constant 16383 : i32
    %and3A_547 = vector.broadcast %and3A_546 : i32 to vector<16xi32>
    %and3A_548 = arith.andi %get3A_533, %and3A_547 : vector<16xi32>
    %swap3A_549 = arith.constant 3 : i32
    %swap3A_550 = arith.index_cast %swap3A_549 : i32 to index
    %swap3A_551 = arith.constant 48 : index
    %swap3A_552 = tpu.vector_load %arg7[%swap3A_550, %swap3A_551] {strides = array<i32>} : memref<4x80xi32, #tpu.memory_space<vmem>>, vector<16xi32>,
    tpu.vector_store %arg7[%swap3A_550, %swap3A_551], %and3A_548 {strides = array<i32>} : memref<4x80xi32, #tpu.memory_space<vmem>>, vector<16xi32>,
    %get3A_553 = arith.constant 1 : i32
    %get3A_554 = arith.constant 1 : i32
    %get3A_555 = arith.index_cast %get3A_553 : i32 to index
    %get3A_556 = arith.index_cast %get3A_554 : i32 to index
    %get3A_557 = arith.constant 64 : index
    %get3A_558 = tpu.vector_load %arg5[%get3A_555, %get3A_556, %get3A_557] {strides = array<i32>} : memref<2x2x80xi32, #tpu.memory_space<vmem>>, vector<16xi32>,
    %shift_right_arithmetic3A_559 = arith.constant 14 : i32
    %shift_right_arithmetic3A_560 = vector.broadcast %shift_right_arithmetic3A_559 : i32 to vector<16xi32>
    %shift_right_arithmetic3A_561 = arith.shrsi %get3A_558, %shift_right_arithmetic3A_560 : vector<16xi32>
    %mul3A_562 = arith.constant 2 : i32
    %mul3A_563 = vector.broadcast %mul3A_562 : i32 to vector<16xi32>
    %mul3A_564 = arith.muli %shift_right_arithmetic3A_561, %mul3A_563 : vector<16xi32>
    %add3A_565 = vector.broadcast %arg0 : i32 to vector<16xi32>
    %add3A_566 = arith.addi %mul3A_564, %add3A_565 : vector<16xi32>
    %swap3A_567 = arith.constant 3 : i32
    %swap3A_568 = arith.index_cast %swap3A_567 : i32 to index
    %swap3A_569 = arith.constant 64 : index
    %swap3A_570 = tpu.vector_load %arg6[%swap3A_568, %swap3A_569] {strides = array<i32>} : memref<4x80xi32, #tpu.memory_space<vmem>>, vector<16xi32>,
    tpu.vector_store %arg6[%swap3A_568, %swap3A_569], %add3A_566 {strides = array<i32>} : memref<4x80xi32, #tpu.memory_space<vmem>>, vector<16xi32>,
    %and3A_571 = arith.constant 16383 : i32
    %and3A_572 = vector.broadcast %and3A_571 : i32 to vector<16xi32>
    %and3A_573 = arith.andi %get3A_558, %and3A_572 : vector<16xi32>
    %swap3A_574 = arith.constant 3 : i32
    %swap3A_575 = arith.index_cast %swap3A_574 : i32 to index
    %swap3A_576 = arith.constant 64 : index
    %swap3A_577 = tpu.vector_load %arg7[%swap3A_575, %swap3A_576] {strides = array<i32>} : memref<4x80xi32, #tpu.memory_space<vmem>>, vector<16xi32>,
    tpu.vector_store %arg7[%swap3A_575, %swap3A_576], %and3A_573 {strides = array<i32>} : memref<4x80xi32, #tpu.memory_space<vmem>>, vector<16xi32>,
    %dma_wait3A_578 = arith.constant 0 : i32
    %dma_wait3A_579 = arith.constant 0 : i32
    %dma_wait3A_580 = tpu.memref_slice %arg7[%dma_wait3A_578, %dma_wait3A_579] : memref<4x80xi32, #tpu.memory_space<vmem>> -> memref<1x80xi32, #tpu.memory_space<vmem>>
    %dma_wait3A_581 = tpu.memref_squeeze %dma_wait3A_580 : memref<1x80xi32, #tpu.memory_space<vmem>> -> memref<80xi32, #tpu.memory_space<vmem>>
    %dma_wait3A_582 = arith.constant 0 : i32
    %dma_wait3A_583 = arith.constant 0 : i32
    %dma_wait3A_584 = tpu.memref_slice %arg10[%dma_wait3A_582, %dma_wait3A_583] : memref<10240x128xf32, #tpu.memory_space<vmem_shared>> -> memref<10240x128xf32, #tpu.memory_space<vmem_shared>>
    tpu.wait_indirect_dma semaphore(%arg13 : memref<!tpu.dma_semaphore, #tpu.memory_space<semaphore_mem>>) src(%arg8 : memref<80x128xf32, #tpu.memory_space<vmem>>) dst(%dma_wait3A_584 : memref<10240x128xf32, #tpu.memory_space<vmem_shared>>)
    %dma_start3A_585 = arith.constant 2 : i32
    %dma_start3A_586 = arith.constant 0 : i32
    %dma_start3A_587 = tpu.memref_slice %arg6[%dma_start3A_585, %dma_start3A_586] : memref<4x80xi32, #tpu.memory_space<vmem>> -> memref<1x80xi32, #tpu.memory_space<vmem>>
    %dma_start3A_588 = tpu.memref_squeeze %dma_start3A_587 : memref<1x80xi32, #tpu.memory_space<vmem>> -> memref<80xi32, #tpu.memory_space<vmem>>
    %dma_start3A_589 = arith.constant 0 : i32
    %dma_start3A_590 = arith.constant 0 : i32
    %dma_start3A_591 = tpu.memref_slice %arg2[%dma_start3A_589, %dma_start3A_590] : memref<20000x128xf32, #tpu.memory_space<hbm>> -> memref<20000x128xf32, #tpu.memory_space<hbm>>
    tpu.enqueue_indirect_dma source(%dma_start3A_591 : memref<20000x128xf32, #tpu.memory_space<hbm>>) target(%arg8 : memref<80x128xf32, #tpu.memory_space<vmem>>) offsets(%dma_start3A_588 : memref<80xi32, #tpu.memory_space<vmem>>) semaphore(%arg11 : memref<!tpu.dma_semaphore, #tpu.memory_space<semaphore_mem>>)
    %dma_wait3A_592 = arith.constant 1 : i32
    %dma_wait3A_593 = arith.constant 0 : i32
    %dma_wait3A_594 = tpu.memref_slice %arg7[%dma_wait3A_592, %dma_wait3A_593] : memref<4x80xi32, #tpu.memory_space<vmem>> -> memref<1x80xi32, #tpu.memory_space<vmem>>
    %dma_wait3A_595 = tpu.memref_squeeze %dma_wait3A_594 : memref<1x80xi32, #tpu.memory_space<vmem>> -> memref<80xi32, #tpu.memory_space<vmem>>
    %dma_wait3A_596 = arith.constant 0 : i32
    %dma_wait3A_597 = arith.constant 0 : i32
    %dma_wait3A_598 = tpu.memref_slice %arg10[%dma_wait3A_596, %dma_wait3A_597] : memref<10240x128xf32, #tpu.memory_space<vmem_shared>> -> memref<10240x128xf32, #tpu.memory_space<vmem_shared>>
    tpu.wait_indirect_dma semaphore(%arg14 : memref<!tpu.dma_semaphore, #tpu.memory_space<semaphore_mem>>) src(%arg9 : memref<80x128xf32, #tpu.memory_space<vmem>>) dst(%dma_wait3A_598 : memref<10240x128xf32, #tpu.memory_space<vmem_shared>>)
    %dma_start3A_599 = arith.constant 3 : i32
    %dma_start3A_600 = arith.constant 0 : i32
    %dma_start3A_601 = tpu.memref_slice %arg6[%dma_start3A_599, %dma_start3A_600] : memref<4x80xi32, #tpu.memory_space<vmem>> -> memref<1x80xi32, #tpu.memory_space<vmem>>
    %dma_start3A_602 = tpu.memref_squeeze %dma_start3A_601 : memref<1x80xi32, #tpu.memory_space<vmem>> -> memref<80xi32, #tpu.memory_space<vmem>>
    %dma_start3A_603 = arith.constant 0 : i32
    %dma_start3A_604 = arith.constant 0 : i32
    %dma_start3A_605 = tpu.memref_slice %arg2[%dma_start3A_603, %dma_start3A_604] : memref<20000x128xf32, #tpu.memory_space<hbm>> -> memref<20000x128xf32, #tpu.memory_space<hbm>>
    tpu.enqueue_indirect_dma source(%dma_start3A_605 : memref<20000x128xf32, #tpu.memory_space<hbm>>) target(%arg9 : memref<80x128xf32, #tpu.memory_space<vmem>>) offsets(%dma_start3A_602 : memref<80xi32, #tpu.memory_space<vmem>>) semaphore(%arg12 : memref<!tpu.dma_semaphore, #tpu.memory_space<semaphore_mem>>)
    %dma_wait3A_606 = arith.constant 2 : i32
    %dma_wait3A_607 = arith.constant 0 : i32
    %dma_wait3A_608 = tpu.memref_slice %arg6[%dma_wait3A_606, %dma_wait3A_607] : memref<4x80xi32, #tpu.memory_space<vmem>> -> memref<1x80xi32, #tpu.memory_space<vmem>>
    %dma_wait3A_609 = tpu.memref_squeeze %dma_wait3A_608 : memref<1x80xi32, #tpu.memory_space<vmem>> -> memref<80xi32, #tpu.memory_space<vmem>>
    %dma_wait3A_610 = arith.constant 0 : i32
    %dma_wait3A_611 = arith.constant 0 : i32
    %dma_wait3A_612 = tpu.memref_slice %arg2[%dma_wait3A_610, %dma_wait3A_611] : memref<20000x128xf32, #tpu.memory_space<hbm>> -> memref<20000x128xf32, #tpu.memory_space<hbm>>
    tpu.wait_indirect_dma semaphore(%arg11 : memref<!tpu.dma_semaphore, #tpu.memory_space<semaphore_mem>>) src(%dma_wait3A_612 : memref<20000x128xf32, #tpu.memory_space<hbm>>) dst(%arg8 : memref<80x128xf32, #tpu.memory_space<vmem>>)
    %dma_start3A_613 = arith.constant 2 : i32
    %dma_start3A_614 = arith.constant 0 : i32
    %dma_start3A_615 = tpu.memref_slice %arg7[%dma_start3A_613, %dma_start3A_614] : memref<4x80xi32, #tpu.memory_space<vmem>> -> memref<1x80xi32, #tpu.memory_space<vmem>>
    %dma_start3A_616 = tpu.memref_squeeze %dma_start3A_615 : memref<1x80xi32, #tpu.memory_space<vmem>> -> memref<80xi32, #tpu.memory_space<vmem>>
    %dma_start3A_617 = arith.constant 0 : i32
    %dma_start3A_618 = arith.constant 0 : i32
    %dma_start3A_619 = tpu.memref_slice %arg10[%dma_start3A_617, %dma_start3A_618] : memref<10240x128xf32, #tpu.memory_space<vmem_shared>> -> memref<10240x128xf32, #tpu.memory_space<vmem_shared>>
    tpu.enqueue_indirect_dma source(%arg8 : memref<80x128xf32, #tpu.memory_space<vmem>>) target(%dma_start3A_619 : memref<10240x128xf32, #tpu.memory_space<vmem_shared>>) offsets(%dma_start3A_616 : memref<80xi32, #tpu.memory_space<vmem>>) semaphore(%arg13 : memref<!tpu.dma_semaphore, #tpu.memory_space<semaphore_mem>>) {add = true}
    %dma_wait3A_620 = arith.constant 3 : i32
    %dma_wait3A_621 = arith.constant 0 : i32
    %dma_wait3A_622 = tpu.memref_slice %arg6[%dma_wait3A_620, %dma_wait3A_621] : memref<4x80xi32, #tpu.memory_space<vmem>> -> memref<1x80xi32, #tpu.memory_space<vmem>>
    %dma_wait3A_623 = tpu.memref_squeeze %dma_wait3A_622 : memref<1x80xi32, #tpu.memory_space<vmem>> -> memref<80xi32, #tpu.memory_space<vmem>>
    %dma_wait3A_624 = arith.constant 0 : i32
    %dma_wait3A_625 = arith.constant 0 : i32
    %dma_wait3A_626 = tpu.memref_slice %arg2[%dma_wait3A_624, %dma_wait3A_625] : memref<20000x128xf32, #tpu.memory_space<hbm>> -> memref<20000x128xf32, #tpu.memory_space<hbm>>
    tpu.wait_indirect_dma semaphore(%arg12 : memref<!tpu.dma_semaphore, #tpu.memory_space<semaphore_mem>>) src(%dma_wait3A_626 : memref<20000x128xf32, #tpu.memory_space<hbm>>) dst(%arg9 : memref<80x128xf32, #tpu.memory_space<vmem>>)
    %dma_start3A_627 = arith.constant 3 : i32
    %dma_start3A_628 = arith.constant 0 : i32
    %dma_start3A_629 = tpu.memref_slice %arg7[%dma_start3A_627, %dma_start3A_628] : memref<4x80xi32, #tpu.memory_space<vmem>> -> memref<1x80xi32, #tpu.memory_space<vmem>>
    %dma_start3A_630 = tpu.memref_squeeze %dma_start3A_629 : memref<1x80xi32, #tpu.memory_space<vmem>> -> memref<80xi32, #tpu.memory_space<vmem>>
    %dma_start3A_631 = arith.constant 0 : i32
    %dma_start3A_632 = arith.constant 0 : i32
    %dma_start3A_633 = tpu.memref_slice %arg10[%dma_start3A_631, %dma_start3A_632] : memref<10240x128xf32, #tpu.memory_space<vmem_shared>> -> memref<10240x128xf32, #tpu.memory_space<vmem_shared>>
    tpu.enqueue_indirect_dma source(%arg9 : memref<80x128xf32, #tpu.memory_space<vmem>>) target(%dma_start3A_633 : memref<10240x128xf32, #tpu.memory_space<vmem_shared>>) offsets(%dma_start3A_630 : memref<80xi32, #tpu.memory_space<vmem>>) semaphore(%arg14 : memref<!tpu.dma_semaphore, #tpu.memory_space<semaphore_mem>>) {add = true}
    %dma_wait3A_634 = arith.constant 2 : i32
    %dma_wait3A_635 = arith.constant 0 : i32
    %dma_wait3A_636 = tpu.memref_slice %arg7[%dma_wait3A_634, %dma_wait3A_635] : memref<4x80xi32, #tpu.memory_space<vmem>> -> memref<1x80xi32, #tpu.memory_space<vmem>>
    %dma_wait3A_637 = tpu.memref_squeeze %dma_wait3A_636 : memref<1x80xi32, #tpu.memory_space<vmem>> -> memref<80xi32, #tpu.memory_space<vmem>>
    %dma_wait3A_638 = arith.constant 0 : i32
    %dma_wait3A_639 = arith.constant 0 : i32
    %dma_wait3A_640 = tpu.memref_slice %arg10[%dma_wait3A_638, %dma_wait3A_639] : memref<10240x128xf32, #tpu.memory_space<vmem_shared>> -> memref<10240x128xf32, #tpu.memory_space<vmem_shared>>
    tpu.wait_indirect_dma semaphore(%arg13 : memref<!tpu.dma_semaphore, #tpu.memory_space<semaphore_mem>>) src(%arg8 : memref<80x128xf32, #tpu.memory_space<vmem>>) dst(%dma_wait3A_640 : memref<10240x128xf32, #tpu.memory_space<vmem_shared>>)
    %dma_wait3A_641 = arith.constant 3 : i32
    %dma_wait3A_642 = arith.constant 0 : i32
    %dma_wait3A_643 = tpu.memref_slice %arg7[%dma_wait3A_641, %dma_wait3A_642] : memref<4x80xi32, #tpu.memory_space<vmem>> -> memref<1x80xi32, #tpu.memory_space<vmem>>
    %dma_wait3A_644 = tpu.memref_squeeze %dma_wait3A_643 : memref<1x80xi32, #tpu.memory_space<vmem>> -> memref<80xi32, #tpu.memory_space<vmem>>
    %dma_wait3A_645 = arith.constant 0 : i32
    %dma_wait3A_646 = arith.constant 0 : i32
    %dma_wait3A_647 = tpu.memref_slice %arg10[%dma_wait3A_645, %dma_wait3A_646] : memref<10240x128xf32, #tpu.memory_space<vmem_shared>> -> memref<10240x128xf32, #tpu.memory_space<vmem_shared>>
    tpu.wait_indirect_dma semaphore(%arg14 : memref<!tpu.dma_semaphore, #tpu.memory_space<semaphore_mem>>) src(%arg9 : memref<80x128xf32, #tpu.memory_space<vmem>>) dst(%dma_wait3A_647 : memref<10240x128xf32, #tpu.memory_space<vmem_shared>>)
    %barrier3A_648 = arith.constant 0 : index
    tpu.barrier barrier_id(%barrier3A_648)
    %mul3A_649 = arith.constant 640 : i32
    %mul3A_650 = arith.muli %arg1, %mul3A_649 : i32
    %mul3A_651 = arith.constant 640 : i32
    %mul3A_652 = arith.muli %arg1, %mul3A_651 : i32
    "tpu.region"() ({
      %run_scoped3A_653 = tpu.sem_alloc : memref<!tpu.dma_semaphore, #tpu.memory_space<semaphore_mem>>
      %dma_start3A_654 = arith.constant 0 : i32
      %dma_start3A_655 = tpu.memref_slice %arg4[%arg0, %mul3A_652, %dma_start3A_654] : memref<2x10240x128xf32, #tpu.memory_space<hbm>> -> memref<1x640x128xf32, #tpu.memory_space<hbm>>
      %dma_start3A_656 = tpu.memref_squeeze %dma_start3A_655 : memref<1x640x128xf32, #tpu.memory_space<hbm>> -> memref<640x128xf32, #tpu.memory_space<hbm>>
      %dma_start3A_657 = arith.constant 0 : i32
      %dma_start3A_658 = tpu.memref_slice %arg10[%mul3A_650, %dma_start3A_657] : memref<10240x128xf32, #tpu.memory_space<vmem_shared>> -> memref<640x128xf32, #tpu.memory_space<vmem_shared>>
      tpu.enqueue_dma source(%dma_start3A_658 : memref<640x128xf32, #tpu.memory_space<vmem_shared>>) target(%dma_start3A_656 : memref<640x128xf32, #tpu.memory_space<hbm>>) target_semaphore(%run_scoped3A_653 : memref<!tpu.dma_semaphore, #tpu.memory_space<semaphore_mem>>)
      %dma_wait3A_659 = arith.constant 0 : i32
      %dma_wait3A_660 = tpu.memref_slice %arg4[%arg0, %mul3A_652, %dma_wait3A_659] : memref<2x10240x128xf32, #tpu.memory_space<hbm>> -> memref<1x640x128xf32, #tpu.memory_space<hbm>>
      %dma_wait3A_661 = tpu.memref_squeeze %dma_wait3A_660 : memref<1x640x128xf32, #tpu.memory_space<hbm>> -> memref<640x128xf32, #tpu.memory_space<hbm>>
      %dma_wait3A_662 = arith.constant 0 : i32
      %dma_wait3A_663 = tpu.memref_slice %arg10[%mul3A_650, %dma_wait3A_662] : memref<10240x128xf32, #tpu.memory_space<vmem_shared>> -> memref<640x128xf32, #tpu.memory_space<vmem_shared>>
      tpu.wait_dma2 semaphore(%run_scoped3A_653 : memref<!tpu.dma_semaphore, #tpu.memory_space<semaphore_mem>>) src(%dma_wait3A_663 : memref<640x128xf32, #tpu.memory_space<vmem_shared>>) dst(%dma_wait3A_661 : memref<640x128xf32, #tpu.memory_space<hbm>>)
      tpu.yield
    }) : () -> ()
    return
  }
}

#map = affine_map<(d0, d1) -> (0, 0)>
#map1 = affine_map<(d0, d1) -> (0, 0, 0)>
module attributes {stable_mosaic.version = 14 : i64} {
  func.func @deg_kernel(%arg0: i32, %arg1: i32, %arg2: memref<2048x80xi32, #tpu.memory_space<hbm>>, %arg3: memref<2x16x12000xf32, #tpu.memory_space<hbm>>, %arg4: memref<64x80xi32, #tpu.memory_space<vmem>>, %arg5: memref<12000xf32, #tpu.memory_space<vmem>>) attributes {dimension_semantics = [#tpu.dimension_semantics<core_parallel>, #tpu.dimension_semantics<subcore_parallel>], iteration_bounds = array<i64: 2, 16>, scalar_prefetch = 0 : i64, scratch_operands = 2 : i64, tpu.core_type = #tpu.core_type<sc_vector_subcore>, window_params = [{transform_indices = #map}, {transform_indices = #map1}]} {
    %mul3A = arith.constant 2 : i32
    %mul3A_0 = arith.muli %arg1, %mul3A : i32
    %add3A = arith.addi %mul3A_0, %arg0 : i32
    %mul3A_1 = arith.constant 64 : i32
    %mul3A_2 = arith.muli %add3A, %mul3A_1 : i32
    "tpu.region"() ({
      %run_scoped3A = tpu.sem_alloc : memref<!tpu.dma_semaphore, #tpu.memory_space<semaphore_mem>>
      %dma_start3A = arith.constant 0 : i32
      %dma_start3A_13 = tpu.memref_slice %arg2[%mul3A_2, %dma_start3A] : memref<2048x80xi32, #tpu.memory_space<hbm>> -> memref<64x80xi32, #tpu.memory_space<hbm>>
      %dma_start3A_14 = arith.constant 0 : i32
      %dma_start3A_15 = tpu.memref_slice %arg2[%mul3A_2, %dma_start3A_14] : memref<2048x80xi32, #tpu.memory_space<hbm>> -> memref<64x80xi32, #tpu.memory_space<hbm>>
      tpu.enqueue_dma source(%dma_start3A_15 : memref<64x80xi32, #tpu.memory_space<hbm>>) target(%arg4 : memref<64x80xi32, #tpu.memory_space<vmem>>) target_semaphore(%run_scoped3A : memref<!tpu.dma_semaphore, #tpu.memory_space<semaphore_mem>>)
      %dma_wait3A = arith.constant 0 : i32
      %dma_wait3A_16 = tpu.memref_slice %arg2[%mul3A_2, %dma_wait3A] : memref<2048x80xi32, #tpu.memory_space<hbm>> -> memref<64x80xi32, #tpu.memory_space<hbm>>
      %dma_wait3A_17 = arith.constant 0 : i32
      %dma_wait3A_18 = tpu.memref_slice %arg2[%mul3A_2, %dma_wait3A_17] : memref<2048x80xi32, #tpu.memory_space<hbm>> -> memref<64x80xi32, #tpu.memory_space<hbm>>
      tpu.wait_dma2 semaphore(%run_scoped3A : memref<!tpu.dma_semaphore, #tpu.memory_space<semaphore_mem>>) src(%dma_wait3A_18 : memref<64x80xi32, #tpu.memory_space<hbm>>) dst(%arg4 : memref<64x80xi32, #tpu.memory_space<vmem>>)
      tpu.yield
    }) : () -> ()
    %scan3A = arith.constant 0 : i32
    %scan3A_3 = arith.constant 750 : i32
    %scan3A_4 = arith.addi %scan3A, %scan3A_3 : i32
    %scan3A_5 = arith.constant 1 : i32
    scf.for %scan3A_13 = %scan3A to %scan3A_4 step %scan3A_5  : i32 {
      %mul3A_14 = arith.constant 16 : i32
      %mul3A_15 = arith.muli %scan3A_13, %mul3A_14 : i32
      %add3A_16 = arith.constant 0 : i32
      %add3A_17 = arith.addi %add3A_16, %mul3A_15 : i32
      %broadcast_in_dim3A_18 = arith.constant 0.000000e+00 : f32
      %broadcast_in_dim3A_19 = vector.broadcast %broadcast_in_dim3A_18 : f32 to vector<16xf32>
      %swap3A = arith.index_cast %add3A_17 : i32 to index
      %swap3A_20 = tpu.vector_load %arg5[%swap3A] {strides = array<i32>} : memref<12000xf32, #tpu.memory_space<vmem>>, vector<16xf32>,
      tpu.vector_store %arg5[%swap3A], %broadcast_in_dim3A_19 {strides = array<i32>} : memref<12000xf32, #tpu.memory_space<vmem>>, vector<16xf32>,
    }
    %scan3A_6 = arith.constant 750 : i32
    %broadcast_in_dim3A = arith.constant 1.000000e+00 : f32
    %broadcast_in_dim3A_7 = vector.broadcast %broadcast_in_dim3A : f32 to vector<16xf32>
    %scan3A_8 = arith.constant 0 : i32
    %scan3A_9 = arith.constant 64 : i32
    %scan3A_10 = arith.addi %scan3A_8, %scan3A_9 : i32
    %scan3A_11 = arith.constant 1 : i32
    scf.for %scan3A_13 = %scan3A_8 to %scan3A_10 step %scan3A_11  : i32 {
      %mul3A_14 = arith.constant 1 : i32
      %mul3A_15 = arith.muli %scan3A_13, %mul3A_14 : i32
      %add3A_16 = arith.constant 0 : i32
      %add3A_17 = arith.addi %add3A_16, %mul3A_15 : i32
      %scan3A_18 = arith.constant 0 : i32
      %scan3A_19 = arith.constant 5 : i32
      %scan3A_20 = arith.addi %scan3A_18, %scan3A_19 : i32
      %scan3A_21 = arith.constant 1 : i32
      scf.for %scan3A_23 = %scan3A_18 to %scan3A_20 step %scan3A_21  : i32 {
        %mul3A_24 = arith.constant 16 : i32
        %mul3A_25 = arith.muli %scan3A_23, %mul3A_24 : i32
        %add3A_26 = arith.constant 0 : i32
        %add3A_27 = arith.addi %add3A_26, %mul3A_25 : i32
        %get3A = arith.index_cast %add3A_17 : i32 to index
        %get3A_28 = arith.index_cast %add3A_27 : i32 to index
        %get3A_29 = tpu.vector_load %arg4[%get3A, %get3A_28] {strides = array<i32>} : memref<64x80xi32, #tpu.memory_space<vmem>>, vector<16xi32>,
        %and3A = arith.constant 16383 : i32
        %and3A_30 = vector.broadcast %and3A : i32 to vector<16xi32>
        %and3A_31 = arith.andi %get3A_29, %and3A_30 : vector<16xi32>
        tpu.vector_store_idx %arg5[%and3A_31], %broadcast_in_dim3A_7 {add = true} : memref<12000xf32, #tpu.memory_space<vmem>>[vector<16xi32>], vector<16xf32>,
      }
      %scan3A_22 = arith.constant 5 : i32
    }
    %scan3A_12 = arith.constant 64 : i32
    "tpu.region"() ({
      %run_scoped3A = tpu.sem_alloc : memref<!tpu.dma_semaphore, #tpu.memory_space<semaphore_mem>>
      %dma_start3A = arith.constant 0 : i32
      %dma_start3A_13 = tpu.memref_slice %arg3[%arg0, %arg1, %dma_start3A] : memref<2x16x12000xf32, #tpu.memory_space<hbm>> -> memref<1x1x12000xf32, #tpu.memory_space<hbm>>
      %dma_start3A_14 = tpu.memref_squeeze %dma_start3A_13 : memref<1x1x12000xf32, #tpu.memory_space<hbm>> -> memref<12000xf32, #tpu.memory_space<hbm>>
      %dma_start3A_15 = arith.constant 0 : i32
      %dma_start3A_16 = tpu.memref_slice %arg3[%arg0, %arg1, %dma_start3A_15] : memref<2x16x12000xf32, #tpu.memory_space<hbm>> -> memref<1x1x12000xf32, #tpu.memory_space<hbm>>
      %dma_start3A_17 = tpu.memref_squeeze %dma_start3A_16 : memref<1x1x12000xf32, #tpu.memory_space<hbm>> -> memref<12000xf32, #tpu.memory_space<hbm>>
      tpu.enqueue_dma source(%arg5 : memref<12000xf32, #tpu.memory_space<vmem>>) target(%dma_start3A_17 : memref<12000xf32, #tpu.memory_space<hbm>>) target_semaphore(%run_scoped3A : memref<!tpu.dma_semaphore, #tpu.memory_space<semaphore_mem>>)
      %dma_wait3A = arith.constant 0 : i32
      %dma_wait3A_18 = tpu.memref_slice %arg3[%arg0, %arg1, %dma_wait3A] : memref<2x16x12000xf32, #tpu.memory_space<hbm>> -> memref<1x1x12000xf32, #tpu.memory_space<hbm>>
      %dma_wait3A_19 = tpu.memref_squeeze %dma_wait3A_18 : memref<1x1x12000xf32, #tpu.memory_space<hbm>> -> memref<12000xf32, #tpu.memory_space<hbm>>
      %dma_wait3A_20 = arith.constant 0 : i32
      %dma_wait3A_21 = tpu.memref_slice %arg3[%arg0, %arg1, %dma_wait3A_20] : memref<2x16x12000xf32, #tpu.memory_space<hbm>> -> memref<1x1x12000xf32, #tpu.memory_space<hbm>>
      %dma_wait3A_22 = tpu.memref_squeeze %dma_wait3A_21 : memref<1x1x12000xf32, #tpu.memory_space<hbm>> -> memref<12000xf32, #tpu.memory_space<hbm>>
      tpu.wait_dma2 semaphore(%run_scoped3A : memref<!tpu.dma_semaphore, #tpu.memory_space<semaphore_mem>>) src(%arg5 : memref<12000xf32, #tpu.memory_space<vmem>>) dst(%dma_wait3A_22 : memref<12000xf32, #tpu.memory_space<hbm>>)
      tpu.yield
    }) : () -> ()
    return
  }
}

module attributes {stable_mosaic.version = 14 : i64} {
  func.func @body(%arg0: i32, %arg1: memref<1000x256xf32, #tpu.memory_space<vmem>>, %arg2: memref<2x1000x128xf32, #tpu.memory_space<vmem>>, %arg3: memref<2x16x12x1000xf32, #tpu.memory_space<vmem>>, %arg4: memref<256x256xf32, #tpu.memory_space<vmem>>, %arg5: memref<256x256xf32, #tpu.memory_space<vmem>>, %arg6: memref<1x256xf32, #tpu.memory_space<vmem>>, %arg7: memref<256x1024xf32, #tpu.memory_space<vmem>>, %arg8: memref<1x1024xf32, #tpu.memory_space<vmem>>, %arg9: memref<1024x256xf32, #tpu.memory_space<vmem>>, %arg10: memref<1x256xf32, #tpu.memory_space<vmem>>, %arg11: memref<1000x256xf32, #tpu.memory_space<vmem>>) attributes {dimension_semantics = [#tpu.dimension_semantics<parallel>], iteration_bounds = array<i64: 10>, scalar_prefetch = 0 : i64, scratch_operands = 0 : i64, tpu.core_type = #tpu.core_type<tc>, window_params = [{transform_indices = @transform_0, window_bounds = array<i64: 1000, 256>}, {transform_indices = @transform_1, window_bounds = array<i64: 2, 1000, 128>}, {pipeline_mode = #tpu.pipeline_mode<synchronous>, transform_indices = @transform_2, window_bounds = array<i64: 2, 16, 12, 1000>}, {pipeline_mode = #tpu.pipeline_mode<synchronous>, transform_indices = @transform_3, window_bounds = array<i64: 256, 256>}, {pipeline_mode = #tpu.pipeline_mode<synchronous>, transform_indices = @transform_4, window_bounds = array<i64: 256, 256>}, {pipeline_mode = #tpu.pipeline_mode<synchronous>, transform_indices = @transform_5, window_bounds = array<i64: 1, 256>}, {pipeline_mode = #tpu.pipeline_mode<synchronous>, transform_indices = @transform_6, window_bounds = array<i64: 256, 1024>}, {pipeline_mode = #tpu.pipeline_mode<synchronous>, transform_indices = @transform_7, window_bounds = array<i64: 1, 1024>}, {pipeline_mode = #tpu.pipeline_mode<synchronous>, transform_indices = @transform_8, window_bounds = array<i64: 1024, 256>}, {pipeline_mode = #tpu.pipeline_mode<synchronous>, transform_indices = @transform_9, window_bounds = array<i64: 1, 256>}, {transform_indices = @transform_10, window_bounds = array<i64: 1000, 256>}]} {
    %get3A = arith.constant 0 : index
    %get3A_0 = arith.constant 0 : index
    %get3A_1 = arith.index_cast %arg0 : i32 to index
    %get3A_2 = arith.constant 0 : index
    %get3A_3 = vector.load %arg3[%get3A, %get3A_0, %get3A_1, %get3A_2] : memref<2x16x12x1000xf32, #tpu.memory_space<vmem>>, vector<2x16x1x1000xf32>
    %reduce_sum3A = arith.constant dense<0.000000e+00> : vector<1000xf32>
    %reduce_sum3A_4 = vector.multi_reduction <add>, %get3A_3, %reduce_sum3A [0, 1, 2] : vector<2x16x1x1000xf32> to vector<1000xf32>
    %max3A = arith.constant 1.000000e+00 : f32
    %max3A_5 = vector.broadcast %max3A : f32 to vector<1000xf32>
    %max3A_6 = arith.maximumf %reduce_sum3A_4, %max3A_5 : vector<1000xf32>
    %div3A = arith.constant 1.000000e+00 : f32
    %div3A_7 = vector.broadcast %div3A : f32 to vector<1000xf32>
    %div3A_8 = arith.divf %div3A_7, %max3A_6 : vector<1000xf32>
    %reshape3A = vector.shape_cast %div3A_8 : vector<1000xf32> to vector<1x1000xf32>
    %transpose3A = tpu.transpose %reshape3A, [1, 0] : vector<1x1000xf32> -> vector<1000x1xf32>
    %get3A_9 = arith.constant 0 : index
    %get3A_10 = arith.constant 0 : index
    %get3A_11 = arith.constant 0 : index
    %get3A_12 = vector.load %arg2[%get3A_9, %get3A_10, %get3A_11] : memref<2x1000x128xf32, #tpu.memory_space<vmem>>, vector<1x1000x128xf32>
    %get3A_13 = vector.shape_cast %get3A_12 : vector<1x1000x128xf32> to vector<1000x128xf32>
    %mul3A = vector.broadcast %transpose3A : vector<1000x1xf32> to vector<1000x128xf32>
    %mul3A_14 = arith.mulf %get3A_13, %mul3A : vector<1000x128xf32>
    %get3A_15 = arith.constant 1 : index
    %get3A_16 = arith.constant 0 : index
    %get3A_17 = arith.constant 0 : index
    %get3A_18 = vector.load %arg2[%get3A_15, %get3A_16, %get3A_17] : memref<2x1000x128xf32, #tpu.memory_space<vmem>>, vector<1x1000x128xf32>
    %get3A_19 = vector.shape_cast %get3A_18 : vector<1x1000x128xf32> to vector<1000x128xf32>
    %mul3A_20 = vector.broadcast %transpose3A : vector<1000x1xf32> to vector<1000x128xf32>
    %mul3A_21 = arith.mulf %get3A_19, %mul3A_20 : vector<1000x128xf32>
    %get3A_22 = arith.constant 0 : index
    %get3A_23 = arith.constant 0 : index
    %get3A_24 = vector.load %arg1[%get3A_22, %get3A_23] : memref<1000x256xf32, #tpu.memory_space<vmem>>, vector<1000x256xf32>
    %get3A_25 = arith.constant 0 : index
    %get3A_26 = arith.constant 0 : index
    %get3A_27 = vector.load %arg4[%get3A_25, %get3A_26] : memref<256x256xf32, #tpu.memory_space<vmem>>, vector<256x256xf32>
    %dot_general3A = arith.constant dense<0.000000e+00> : vector<1000x256xf32>
    %dot_general3A_28 = tpu.matmul %get3A_24, %get3A_27, %dot_general3A {dimension_numbers = #tpu.dot_dimension_numbers<[1], [0], [0], [1], [0, 0, 1, 1], [], []>, transpose_lhs_hint = false} : vector<1000x256xf32>, vector<256x256xf32>, vector<1000x256xf32> -> vector<1000x256xf32>
    %get3A_29 = arith.constant 0 : index
    %get3A_30 = arith.constant 0 : index
    %get3A_31 = vector.load %arg5[%get3A_29, %get3A_30] : memref<256x256xf32, #tpu.memory_space<vmem>>, vector<128x256xf32>
    %dot_general3A_32 = arith.constant dense<0.000000e+00> : vector<1000x256xf32>
    %dot_general3A_33 = tpu.matmul %mul3A_14, %get3A_31, %dot_general3A_32 {dimension_numbers = #tpu.dot_dimension_numbers<[1], [0], [0], [1], [0, 0, 1, 1], [], []>, transpose_lhs_hint = false} : vector<1000x128xf32>, vector<128x256xf32>, vector<1000x256xf32> -> vector<1000x256xf32>
    %add3A = arith.addf %dot_general3A_28, %dot_general3A_33 : vector<1000x256xf32>
    %get3A_34 = arith.constant 128 : index
    %get3A_35 = arith.constant 0 : index
    %get3A_36 = vector.load %arg5[%get3A_34, %get3A_35] : memref<256x256xf32, #tpu.memory_space<vmem>>, vector<128x256xf32>
    %dot_general3A_37 = arith.constant dense<0.000000e+00> : vector<1000x256xf32>
    %dot_general3A_38 = tpu.matmul %mul3A_21, %get3A_36, %dot_general3A_37 {dimension_numbers = #tpu.dot_dimension_numbers<[1], [0], [0], [1], [0, 0, 1, 1], [], []>, transpose_lhs_hint = false} : vector<1000x128xf32>, vector<128x256xf32>, vector<1000x256xf32> -> vector<1000x256xf32>
    %add3A_39 = arith.addf %add3A, %dot_general3A_38 : vector<1000x256xf32>
    %get3A_40 = arith.constant 0 : index
    %get3A_41 = arith.constant 0 : index
    %get3A_42 = vector.load %arg6[%get3A_40, %get3A_41] : memref<1x256xf32, #tpu.memory_space<vmem>>, vector<1x256xf32>
    %add3A_43 = vector.broadcast %get3A_42 : vector<1x256xf32> to vector<1000x256xf32>
    %add3A_44 = arith.addf %add3A_39, %add3A_43 : vector<1000x256xf32>
    %max3A_45 = arith.constant 0.000000e+00 : f32
    %max3A_46 = vector.broadcast %max3A_45 : f32 to vector<1000x256xf32>
    %max3A_47 = arith.maximumf %add3A_44, %max3A_46 : vector<1000x256xf32>
    %get3A_48 = arith.constant 0 : index
    %get3A_49 = arith.constant 0 : index
    %get3A_50 = vector.load %arg7[%get3A_48, %get3A_49] : memref<256x1024xf32, #tpu.memory_space<vmem>>, vector<256x1024xf32>
    %dot_general3A_51 = arith.constant dense<0.000000e+00> : vector<1000x1024xf32>
    %dot_general3A_52 = tpu.matmul %max3A_47, %get3A_50, %dot_general3A_51 {dimension_numbers = #tpu.dot_dimension_numbers<[1], [0], [0], [1], [0, 0, 1, 1], [], []>, transpose_lhs_hint = false} : vector<1000x256xf32>, vector<256x1024xf32>, vector<1000x1024xf32> -> vector<1000x1024xf32>
    %get3A_53 = arith.constant 0 : index
    %get3A_54 = arith.constant 0 : index
    %get3A_55 = vector.load %arg8[%get3A_53, %get3A_54] : memref<1x1024xf32, #tpu.memory_space<vmem>>, vector<1x1024xf32>
    %add3A_56 = vector.broadcast %get3A_55 : vector<1x1024xf32> to vector<1000x1024xf32>
    %add3A_57 = arith.addf %dot_general3A_52, %add3A_56 : vector<1000x1024xf32>
    %max3A_58 = arith.constant 0.000000e+00 : f32
    %max3A_59 = vector.broadcast %max3A_58 : f32 to vector<1000x1024xf32>
    %max3A_60 = arith.maximumf %add3A_57, %max3A_59 : vector<1000x1024xf32>
    %get3A_61 = arith.constant 0 : index
    %get3A_62 = arith.constant 0 : index
    %get3A_63 = vector.load %arg9[%get3A_61, %get3A_62] : memref<1024x256xf32, #tpu.memory_space<vmem>>, vector<1024x256xf32>
    %dot_general3A_64 = arith.constant dense<0.000000e+00> : vector<1000x256xf32>
    %dot_general3A_65 = tpu.matmul %max3A_60, %get3A_63, %dot_general3A_64 {dimension_numbers = #tpu.dot_dimension_numbers<[1], [0], [0], [1], [0, 0, 1, 1], [], []>, transpose_lhs_hint = false} : vector<1000x1024xf32>, vector<1024x256xf32>, vector<1000x256xf32> -> vector<1000x256xf32>
    %get3A_66 = arith.constant 0 : index
    %get3A_67 = arith.constant 0 : index
    %get3A_68 = vector.load %arg10[%get3A_66, %get3A_67] : memref<1x256xf32, #tpu.memory_space<vmem>>, vector<1x256xf32>
    %add3A_69 = vector.broadcast %get3A_68 : vector<1x256xf32> to vector<1000x256xf32>
    %add3A_70 = arith.addf %dot_general3A_65, %add3A_69 : vector<1000x256xf32>
    %swap3A = arith.constant 0 : index
    %swap3A_71 = arith.constant 0 : index
    %swap3A_72 = vector.load %arg11[%swap3A, %swap3A_71] : memref<1000x256xf32, #tpu.memory_space<vmem>>, vector<1000x256xf32>
    tpu.vector_store %arg11[%swap3A, %swap3A_71], %add3A_70 {strides = array<i32>} : memref<1000x256xf32, #tpu.memory_space<vmem>>, vector<1000x256xf32>,
    return
  }
  func.func @transform_0(%arg0: i32) -> (i32, i32) {
    %c0_i32 = arith.constant 0 : i32
    %c0_i32_0 = arith.constant 0 : i32
    return %arg0, %c0_i32 : i32, i32
  }
  func.func @transform_1(%arg0: i32) -> (i32, i32, i32) {
    %c0_i32 = arith.constant 0 : i32
    %c0_i32_0 = arith.constant 0 : i32
    %c0_i32_1 = arith.constant 0 : i32
    return %c0_i32, %arg0, %c0_i32_0 : i32, i32, i32
  }
  func.func @transform_2(%arg0: i32) -> (i32, i32, i32, i32) {
    %c0_i32 = arith.constant 0 : i32
    %c0_i32_0 = arith.constant 0 : i32
    %c0_i32_1 = arith.constant 0 : i32
    %c0_i32_2 = arith.constant 0 : i32
    %c0_i32_3 = arith.constant 0 : i32
    return %c0_i32, %c0_i32_0, %c0_i32_1, %c0_i32_2 : i32, i32, i32, i32
  }
  func.func @transform_3(%arg0: i32) -> (i32, i32) {
    %c0_i32 = arith.constant 0 : i32
    %c0_i32_0 = arith.constant 0 : i32
    %c0_i32_1 = arith.constant 0 : i32
    return %c0_i32, %c0_i32_0 : i32, i32
  }
  func.func @transform_4(%arg0: i32) -> (i32, i32) {
    %c0_i32 = arith.constant 0 : i32
    %c0_i32_0 = arith.constant 0 : i32
    %c0_i32_1 = arith.constant 0 : i32
    return %c0_i32, %c0_i32_0 : i32, i32
  }
  func.func @transform_5(%arg0: i32) -> (i32, i32) {
    %c0_i32 = arith.constant 0 : i32
    %c0_i32_0 = arith.constant 0 : i32
    %c0_i32_1 = arith.constant 0 : i32
    return %c0_i32, %c0_i32_0 : i32, i32
  }
  func.func @transform_6(%arg0: i32) -> (i32, i32) {
    %c0_i32 = arith.constant 0 : i32
    %c0_i32_0 = arith.constant 0 : i32
    %c0_i32_1 = arith.constant 0 : i32
    return %c0_i32, %c0_i32_0 : i32, i32
  }
  func.func @transform_7(%arg0: i32) -> (i32, i32) {
    %c0_i32 = arith.constant 0 : i32
    %c0_i32_0 = arith.constant 0 : i32
    %c0_i32_1 = arith.constant 0 : i32
    return %c0_i32, %c0_i32_0 : i32, i32
  }
  func.func @transform_8(%arg0: i32) -> (i32, i32) {
    %c0_i32 = arith.constant 0 : i32
    %c0_i32_0 = arith.constant 0 : i32
    %c0_i32_1 = arith.constant 0 : i32
    return %c0_i32, %c0_i32_0 : i32, i32
  }
  func.func @transform_9(%arg0: i32) -> (i32, i32) {
    %c0_i32 = arith.constant 0 : i32
    %c0_i32_0 = arith.constant 0 : i32
    %c0_i32_1 = arith.constant 0 : i32
    return %c0_i32, %c0_i32_0 : i32, i32
  }
  func.func @transform_10(%arg0: i32) -> (i32, i32) {
    %c0_i32 = arith.constant 0 : i32
    %c0_i32_0 = arith.constant 0 : i32
    return %arg0, %c0_i32 : i32, i32
  }
}

</mosaic_0001>

<sc_bundles>
// kernel: kernel.5.cloned.1.call-start
scs
__scs_entry_jumppad:
0x0: {  	(pc) =	sbr.rel $0x88, $3  }
0x1: {  	(tag) =	ssettag $0x0;
	lr =	simm.s32 $0x1  }
0x2: {  	[smem:$0x3F98] =	sst lr;
	_ =	strace $0xD0000000  }
0x3: {  	_ = 	snop  }
0x4: {  	_ = 	snop  }
0x5: {  	_ = 	snop  }
0x6: {  	_ = 	snop  }
0x7: {  	_ = 	snop  }
__scs_overlays_trampoline_lowered:
0x8: {  	[smem:$0x3FA7] =	sst s0  }
0x9: {  	[smem:$0x3FA8] =	sst s1  }
0xa: {  	[smem:$0x3FA9] =	sst s2  }
0xb: {  	[smem:$0x3FAA] =	sst s3  }
0xc: {  	[smem:$0x3FAB] =	sst s4  }
0xd: {  	[smem:$0x3FAC] =	sst s5  }
0xe: {  	[smem:$0x3FAD] =	sst s6  }
0xf: {  	[smem:$0x3FAE] =	sst s7  }
0x10: {  	[smem:$0x3FAF] =	sst s8  }
0x11: {  	[smem:$0x3FB0] =	sst s9;
	s0 =	simm.s32 @!p0 $0x0  }
0x12: {  	s1 =	sld [smem:$0x3F96];
	s0 =	simm.s32 @p0 $0x1  }
0x13: {  	[smem:$0x3FB1] =	sst s0;
	s0 =	simm.s32 @!p1 $0x0  }
0x14: {  	s2 =	sld [smem:$0x3F95];
	s0 =	simm.s32 @p1 $0x1  }
0x15: {  	[smem:$0x3FB2] =	sst s0;
	s0 =	simm.s32 @!p2 $0x0  }
0x16: {  	s3 =	sld [smem:$0x3FDB];
	s0 =	simm.s32 @p2 $0x1  }
0x17: {  	s4 =	simm.s32 $0x1BF5;
	[smem:$0x3FB4] =	sst s0  }
0x18: {  	s0 =	sld [smem:$0x3F97];
	_ =	swait.ge [sflag:s4], $0x0  }
0x19: {  	s7 =	sld [smem:$0x3F98]  }
0x1a: {  	s8 =	sadd.s32 $0xFFFFE003, lr  }
0x1b: {  	s9 =	sadd.s32 $0xFFFFFEF7, lr;
	s5 =	simm.s32 $0xFFFFFFFF;
	p2 =	slt.u32 s8, $0xFFFFF086  }
0x1c: {  	p1 =	slt.u32 s9, $0xF7A;
	s5 =	simm.s32 @!p2 $0x0  }
0x1d: {  	s5 =	simm.s32 @p1 $0x1;
	p0 =	seq.s32 s7, s2  }
0x1e: {  	s7 =	smul.u32 @!p0 $0xF7A, s2;
	p2 =	seq.s32 @!p0 s5, $0x0  }
0x1f: {  	s9 =	smul.u32 $0xF7A, s1;
	s8 =	simm.s32 @!p0 $0x1BF5;
	p2 =	por !p2, p0  }
0x20: {  	[sflag:s8] =	ssyncset.s32 @!p0 $0xFFFFF086;
	s6 =	sadd.s32 @!p0 s3, s7;
	s7 =	simm.s32 @!p0 $0x108  }
0x21: {  	s3 =	sadd.s32 s3, s9;
	s6 =	sadd.s32 @!p0 $0x88, s6;
	s7 =	simm.s32 @p2 $0x1082  }
0x22: {  	[simem:s7], [sflag:s8] =	dma.local @!p0 [hbm:s6], $0xF7A  }
0x23: {  	s9 =	sor.u32 $0xD0000000, s2;
	s6 =	simm.s32 $0x108;
	_ =	swait.ge @!p0 [sflag:s8], $0x0  }
0x24: {  	s3 =	sadd.s32 $0x88, s3;
	s6 =	simm.s32 @!p1 $0x1082;
	[sflag:s4] =	ssyncset.s32 $0xFFFFF086  }
0x25: {  	[simem:s6], [sflag:s4] =	dma.local [hbm:s3], $0xF7A  }
0x26: {  	[smem:$0x3F98] =	sst s1;
	(tag) =	ssettag s2;
	_ =	strace s9  }
0x27: {  	s1 =	sld [smem:$0x3FA8]  }
0x28: {  	s2 =	sld [smem:$0x3FA9]  }
0x29: {  	s4 =	sld [smem:$0x3FAB]  }
0x2a: {  	p0 =	seq.s32 s5, $0x0;
	s5 =	sld [smem:$0x3FAC]  }
0x2b: {  	s6 =	sld [smem:$0x3FAD]  }
0x2c: {  	s7 =	sld [smem:$0x3FAE]  }
0x2d: {  	s3 =	simm.s32 $0x108;
	s8 =	sld [smem:$0x3FAF]  }
0x2e: {  	s3 =	simm.s32 @!p0 $0x1082;
	s9 =	sld [smem:$0x3FB0]  }
0x2f: {  	lr =	sadd.s32 s0, s3;
	s0 =	sld [smem:$0x3FA7]  }
0x30: {  	s3 =	sld [smem:$0x3FAA]  }
0x31: {  	[smem:$0x3FB3] =	sst s10  }
0x32: {  	s10 =	sld [smem:$0x3FB1];
	_ =	sdelay $0x3  }
0x33: {  	p0 =	seq.s32 s10, $0x1;
	s10 =	sld [smem:$0x3FB3];
	_ =	sdelay $0x3  }
0x34: {  	[smem:$0x3FB3] =	sst s10  }
0x35: {  	s10 =	sld [smem:$0x3FB2];
	_ =	sdelay $0x3  }
0x36: {  	p1 =	seq.s32 s10, $0x1;
	s10 =	sld [smem:$0x3FB3];
	_ =	sdelay $0x3  }
0x37: {  	[smem:$0x3FB3] =	sst s10  }
0x38: {  	s10 =	sld [smem:$0x3FB4]  }
0x39: {  	_ = 	snop;
	(pc) =	sbr.ind lr, $3  }
0x3a: {  	_ = 	snop  }
0x3b: {  	_ = 	snop  }
0x3c: {  	p2 =	seq.s32 s10, $0x1;
	s10 =	sld [smem:$0x3FB3]  }
0x3d: {  	_ =	shalt  }
0x3e: {  	_ =	shalt  }
0x3f: {  	_ =	shalt  }
0x40: {  	_ =	shalt  }
0x41: {  	_ =	shalt  }
0x42: {  	_ =	shalt  }
0x43: {  	_ =	shalt  }
0x44: {  	_ =	shalt  }
0x45: {  	_ =	shalt  }
0x46: {  	_ =	shalt  }
0x47: {  	_ =	shalt  }
0x48: {  	_ =	shalt  }
0x49: {  	_ =	shalt  }
0x4a: {  	_ =	shalt  }
0x4b: {  	_ =	shalt  }
0x4c: {  	_ =	shalt  }
0x4d: {  	_ =	shalt  }
0x4e: {  	_ =	shalt  }
0x4f: {  	_ =	shalt  }
0x50: {  	_ =	shalt  }
0x51: {  	_ =	shalt  }
0x52: {  	_ =	shalt  }
0x53: {  	_ =	shalt  }
0x54: {  	_ =	shalt  }
0x55: {  	_ =	shalt  }
0x56: {  	_ =	shalt  }
0x57: {  	_ =	shalt  }
0x58: {  	_ =	shalt  }
0x59: {  	_ =	shalt  }
0x5a: {  	_ =	shalt  }
0x5b: {  	_ =	shalt  }
0x5c: {  	_ =	shalt  }
0x5d: {  	_ =	shalt  }
0x5e: {  	_ =	shalt  }
0x5f: {  	_ =	shalt  }
0x60: {  	_ =	shalt  }
0x61: {  	_ =	shalt  }
0x62: {  	_ =	shalt  }
0x63: {  	_ =	shalt  }
0x64: {  	_ =	shalt  }
0x65: {  	_ =	shalt  }
0x66: {  	_ =	shalt  }
0x67: {  	_ =	shalt  }
0x68: {  	_ =	shalt  }
0x69: {  	_ =	shalt  }
0x6a: {  	_ =	shalt  }
0x6b: {  	_ =	shalt  }
0x6c: {  	_ =	shalt  }
0x6d: {  	_ =	shalt  }
0x6e: {  	_ =	shalt  }
0x6f: {  	_ =	shalt  }
0x70: {  	_ =	shalt  }
0x71: {  	_ =	shalt  }
0x72: {  	_ =	shalt  }
0x73: {  	_ =	shalt  }
0x74: {  	_ =	shalt  }
0x75: {  	_ =	shalt  }
0x76: {  	_ =	shalt  }
0x77: {  	_ =	shalt  }
0x78: {  	_ =	shalt  }
0x79: {  	_ =	shalt  }
0x7a: {  	_ =	shalt  }
0x7b: {  	_ =	shalt  }
0x7c: {  	_ =	shalt  }
0x7d: {  	_ =	shalt  }
0x7e: {  	_ =	shalt  }
0x7f: {  	_ =	shalt  }
0x80: {  	_ =	shalt  }
0x81: {  	_ =	shalt  }
0x82: {  	_ =	shalt  }
0x83: {  	_ =	shalt  }
0x84: {  	_ =	shalt  }
0x85: {  	_ =	shalt  }
0x86: {  	_ =	shalt  }
0x87: {  	_ =	shalt  }
.Lfunc_end0:
.L_simem_size_0:
called_computation_lowered:
.L_overlay_start_0:
0x88: {  	s2 =	sld [smem:$0x3FD9]  }
0x89: {  	s3 =	sld [smem:$0x3FFE];
	_ =	sdelay $0x1  }
0x8a: {  	s1 =	srdreg.scid  }
0x8b: {  	s0 =	sand.u32 $0x1, s1  }
0x8c: {  	s17 =	sshll.u32 s0, $0xA;
	s2 =	sadd.s32 s3, s2  }
0x8d: {  	s2 =	sadd.s32 s2, s17  }
0x8e: {  	[smem:$0x3FBF] =	sst s2  }
0x8f: {  	_ = 	snop  }
0x90: {  	s18 =	sld [smem:$0x3FD0];
	(tm) =	ssettm $0x1  }
0x91: {  	s19 =	sld [smem:$0x3FFB];
	_ =	sdelay $0x3  }
0x92: {  	_ =	strace s19  }
0x93: {  	s2 =	sld [smem:$0x3FFC];
	_ =	sdelay $0x3  }
0x94: {  	_ =	strace s2  }
0x95: {  	s2 =	sld [smem:$0x3FFD];
	_ =	sdelay $0x3  }
0x96: {  	_ =	strace s2  }
0x97: {  	_ =	strace $0x8FFFFFFF  }
0x98: {  	s20 =	sld [smem:$0x3FDB];
	_ =	sdelay $0x1  }
0x99: {  	s4 =	simm.s32 $_scs_section_size  }
0x9a: {  	s5 =	simm.s32 $_size__tile_overlayer_lowered;
	s6 =	simm.s32 $_tile_overlayer_lowered  }
0x9b: {  	s7 =	simm.s32 $0x1BFF;
	s21 =	sshll.u32 s6, $0x1;
	s4 =	sadd.s32 s4, s20  }
0x9c: {  	s22 =	simm.s32 $0x0;
	s5 =	sshll.u32 s5, $0x1;
	s6 =	sadd.s32 s21, s4  }
0x9d: {  	[timem:s22], [sflag:s7] =	dma.local [hbm:s6], s5  }
0x9e: {  	_ =	swait.ge [sflag:s7], s5  }
0x9f: {  	s5 =	ssub.s32 $0x0, s5;
	[sflag:s7] =	ssyncset.done $0x0  }
0xa0: {  	[sflag:s7] =	ssyncadd.s32 s5;
	_ =	sdelay $0x1  }
0xa1: {  	s23 =	simm.s32 $0x1B8B  }
0xa2: {  	_ =	swait.ge [sflag:s23], $0x1  }
0xa3: {  	[sflag:s23] =	ssyncset.done $0x0  }
0xa4: {  	[sflag:s23] =	ssyncadd.s32 $0xFFFFFFFF  }
0xa5: {  	s5 =	sld [smem:$0x0]  }
0xa6: {  	s6 =	sand.u32 $0xFFFFFFFE, s1  }
0xa7: {  	p0 =	sne.s32 s1, s6  }
0xa8: {  	s6 =	sshll.u32 @p0 s6, $0xE  }
0xa9: {  	s6 =	sadd.s32 @p0 $0x11B8D, s6;
	s7 =	sshll.u32 @p0 s5, $0x11  }
0xaa: {  	s6 =	sor.u32 @p0 s7, s6  }
0xab: {  	[sflag:s6] =	ssyncadd.remote.s32 @p0 $0x1;
	_ =	sdelay $0x1  }
0xac: {  	s6 =	simm.s32 @p0 $0x1B8D  }
0xad: {  	_ =	swait.eq @p0 [sflag:s6], $0x1  }
0xae: {  	[sflag:s6] =	ssyncadd.s32 @p0 $0xFFFFFFFF  }
0xaf: {  	s7 =	sshll.u32 @!p0 s1, $0xE  }
0xb0: {  	s7 =	sor.u32 @!p0 $0x4000, s7;
	s6 =	simm.s32 @!p0 $0x1B8D  }
0xb1: {  	s5 =	sshll.u32 @!p0 s5, $0x11;
	s7 =	sadd.s32 @!p0 $0x11B8D, s7;
	_ =	swait.eq @!p0 [sflag:s6], $0x1  }
0xb2: {  	s5 =	sor.u32 @!p0 s5, s7;
	[sflag:s6] =	ssyncadd.s32 @!p0 $0xFFFFFFFF  }
0xb3: {  	s25 =	simm.s32 $0x1B8E;
	s24 =	sld [smem:$0x3FFE];
	[sflag:s5] =	ssyncadd.remote.s32 @!p0 $0x1  }
0xb4: {  	s26 =	simm.s32 $execute0_lowered;
	[smem:$0x3FD2] =	sst s25  }
0xb5: {  	s6 =	sshll.u32 s26, $0x1;
	_ =	strace $0x80000049;
	[dreg:$0x1] =	wrdreg $0xFFFFFFFF  }
0xb6: {  	s28 =	simm.s32 $_size_execute0_lowered;
	s4 =	sadd.s32 s4, s6;
	[dreg:$0x0] =	wrdreg $0x0  }
0xb7: {  	s6 =	sshll.u32 s28, $0x1;
	[dreg:$0x2] =	wrdreg s4  }
0xb8: {  	[dreg:$0x3] =	wrdreg s6  }
0xb9: {  	[dreg:$0x4] =	wrdreg $0xC0  }
0xba: {  	_ =	task [dreg:s22], $0x5FFFF  }
0xbb: {  	[dreg:$0x1] =	wrdreg $0xFFFFFFFF  }
0xbc: {  	[dreg:$0x0] =	wrdreg $0x60  }
0xbd: {  	[dreg:$0x2] =	wrdreg s18  }
0xbe: {  	[dreg:$0x3] =	wrdreg s24  }
0xbf: {  	[dreg:$0x4] =	wrdreg $0x56000  }
0xc0: {  	[dreg:$0x5] =	wrdreg $0x9  }
0xc1: {  	_ =	task.clear_ibuf [dreg:s22], $0x6FFFF;
	_ =	strace $0x90000049  }
0xc2: {  	s29 =	simm.s32 $0x9;
	_ =	strace $0x8000004B  }
0xc3: {  	_ =	swait.ge [sflag:s29], $0x1  }
0xc4: {  	[sflag:s29] =	ssyncadd.s32 $0xFFFFFFFF  }
0xc5: {  	_ =	strace $0x9000004B  }
0xc6: {  	_ =	sfence  }
0xc7: {  	s30 =	sld [smem:$0x0];
	_ =	sdelay $0x2  }
0xc8: {  	s31 =	sshll.u32 s1, $0xD;
	s1 =	sshrl.u32 s1, $0x2  }
0xc9: {  	s4 =	sand.u32 $0x4000, s31;
	s1 =	sadd.s32 s1, s30  }
0xca: {  	s0 =	sor.u32 s4, s0;
	s1 =	sshll.u32 s1, $0x11  }
0xcb: {  	s0 =	sor.u32 s1, s0  }
0xcc: {  	s0 =	sadd.s32 $0x8F2B, s0  }
0xcd: {  	[sflag:s0] =	ssyncadd.remote.s32 $0x1  }
0xce: {  	_ =	sfence.sel $0xFFFF  }
0xcf: {  	[dreg:$0x0] =	wrdreg $0xFFFFFFFF;
	(pc) =	sbr.abs _section_cstart, $3  }
0xd0: {  	[dreg:$0x1] =	wrdreg $0xFFFFFFFF  }
0xd1: {  	_ =	task.clear_ibuf [dreg:s22], $0x2FFFF;
	_ =	strace $0x9FFFFFFF  }
0xd2: {  	(tm) =	ssettm $0x7FFFFFFF  }
0xd3: {  	_ =	shalt  }
tec
execute0_lowered:
.L_overlay_start_1:
0x0: {  	(tag) =	ssettag $0x1  }
0x1: {  	s1 =	rddreg [dreg:$0x0]  }
0x2: {  	s0 =	rddreg [dreg:$0x1]  }
0x3: {  	s2 =	rddreg [dreg:$0x2]  }
0x4: {  	s3 =	srdreg.scid;
	s4 =	simm.s32 $0x0;
	s9 =	stileid.u32  }
0x5: {  	s17 =	simm.s32 $0x600;
	s18 =	simm.s32 $0x7;
	s28 =	simm.s32 $0x480  }
0x6: {  	s29 =	simm.s32 $0x6;
	s30 =	simm.s32 $0x3;
	s31 =	simm.s32 $0x300  }
0x7: {  	s10 =	simm.s32 $0x0;
	s7 =	sand.u32 $0x1, s3;
	s5 =	smul.u32 $0x14000, s9  }
0x8: {  	[smem:$0x7FF] =	sst s4;
	s6 =	sshll.u32 s9, $0xB;
	s9 =	smul.u32 $0x50000, s9  }
0x9: {  	s3 =	smul.u32 $0x140000, s7;
	_ =	strace $0x8000004A;
	s19 =	ssub.s32 $0x2, s7  }
0xa: {  	s6 =	sadd.s32 s6, s0;
	v0 =	vmov s7;
	s7 =	simm.s32 $0x580;
	s8 =	sshrl.u32 s19, $0x1  }
0xb: {  	s21 =	sshrl.u32 s9, $0x2;
	s9 =	simm.s32 $0x5;
	s3 =	sadd.s32 s5, s3  }
0xc: {  	s20 =	ssub.s32 s19, s8;
	s5 =	sadd.s32 $0x1000, s6;
	s6 =	sadd.s32 $0x1020, s6  }
0xd: {  	s8 =	sadd.s32 s21, s2;
	s19 =	simm.s32 $0x100;
	s21 =	simm.s32 $0x200  }
0xe: {  	s3 =	sshrl.u32 s3, $0x3;
	[dreg:$0x4] =	wrdreg s6;
	s22 =	smax.u32 s20, $0x1  }
0xf: {  	s23 =	sadd.s32 $0x2800, s8;
	s24 =	sadd.s32 $0x5000, s8;
	[dreg:$0x6] =	wrdreg s22  }
0x10: {  	s25 =	sadd.s32 $0x7800, s8;
	s26 =	sadd.s32 $0xA000, s8;
	[dreg:$0x7] =	wrdreg s23  }
0x11: {  	s14 =	sadd.s32 $0xC800, s8;
	s15 =	sadd.s32 $0xF000, s8;
	[dreg:$0x8] =	wrdreg s24  }
0x12: {  	s16 =	sadd.s32 $0x11800, s8;
	s20 =	simm.s32 $0x50;
	[dreg:$0x9] =	wrdreg s25  }
0x13: {  	s6 =	simm.s32 $0x500;
	s0 =	sadd.s32 s3, s0;
	[dreg:$0xa] =	wrdreg s26  }
0x14: {  	s22 =	simm.s32 $0x280;
	s23 =	simm.s32 $0x2E00;
	s24 =	simm.s32 $0x1  }
0x15: {  	s25 =	simm.s32 $0x400;
	s26 =	simm.s32 $0x2;
	s0 =	sadd.s32 $0x14C00, s0  }
0x16: {  	v1 =	vimm.f32 $0.0e+00;
	s3 =	simm.s32 $0x380;
	[dreg:$0x5] =	wrdreg s0;
	s0 =	simm.s32 $0x4  }
.LBB2_1:
0x17: {  	s11 =	simm.s32 $0x70;
	s12 =	simm.s32 $0x3C0  }
.LBB2_2:
0x18: {  	p0 =	sne.s32 s12, $0x9FC0;
	[tilespmem:s11+$0x600] =	vst v1  }
0x19: {  	[tilespmem:s11+$0x590] =	vst v1  }
0x1a: {  	[tilespmem:s11+$0x5A0] =	vst v1  }
.Ltmp0:
0x1b: {  	[tilespmem:s11+$0x5B0] =	vst v1;
	(pc) =	sbr.rel @p0 .LBB2_2-.Ltmp0, $4  }
0x1c: {  	[tilespmem:s11+$0x5C0] =	vst v1  }
0x1d: {  	[tilespmem:s11+$0x5D0] =	vst v1  }
0x1e: {  	[tilespmem:s11+$0x5E0] =	vst v1  }
0x1f: {  	[tilespmem:s11+$0x5F0] =	vst v1;
	s11 =	sshra.s32 s12, $0x2;
	s12 =	sadd.s32 $0x200, s12  }
0x20: {  	[tilespmem:s11+$0x600] =	vst v1  }
0x21: {  	[tilespmem:s11+$0x590] =	vst v1  }
0x22: {  	[tilespmem:s11+$0x5A0] =	vst v1  }
0x23: {  	[tilespmem:s11+$0x5B0] =	vst v1  }
0x24: {  	[tilespmem:s11+$0x5C0] =	vst v1  }
0x25: {  	[tilespmem:s11+$0x5D0] =	vst v1  }
0x26: {  	[tilespmem:s11+$0x5E0] =	vst v1  }
0x27: {  	[tilespmem:s11+$0x5F0] =	vst v1  }
0x28: {  	[spmem:s8] =	stream.linear.scatter [tilespmem:s17], [sflag:$0x7], $0x2800, $0x38;
	[tilespmem:$0x19600] =	vst v63  }
0x29: {  	_ =	swait.ge [sflag:s18], $0x2800  }
0x2a: {  	[sflag:s18] =	ssyncset.done $0x0  }
0x2b: {  	s13 =	rddreg [dreg:$0x7];
	[sflag:s18] =	ssyncadd.s32 $0xFFFFD800  }
0x2c: {  	[spmem:s13] =	stream.linear.scatter [tilespmem:s17], [sflag:$0x7], $0x2800, $0x38;
	[tilespmem:$0x19600] =	vst v63  }
0x2d: {  	_ =	swait.ge [sflag:s18], $0x2800  }
0x2e: {  	[sflag:s18] =	ssyncset.done $0x0  }
0x2f: {  	s12 =	rddreg [dreg:$0x8];
	[sflag:s18] =	ssyncadd.s32 $0xFFFFD800  }
0x30: {  	[spmem:s12] =	stream.linear.scatter [tilespmem:s17], [sflag:$0x7], $0x2800, $0x38;
	[tilespmem:$0x19600] =	vst v63  }
0x31: {  	_ =	swait.ge [sflag:s18], $0x2800  }
0x32: {  	[sflag:s18] =	ssyncset.done $0x0  }
0x33: {  	s13 =	rddreg [dreg:$0x9];
	[sflag:s18] =	ssyncadd.s32 $0xFFFFD800  }
0x34: {  	[spmem:s13] =	stream.linear.scatter [tilespmem:s17], [sflag:$0x7], $0x2800, $0x38;
	[tilespmem:$0x19600] =	vst v63  }
0x35: {  	_ =	swait.ge [sflag:s18], $0x2800  }
0x36: {  	[sflag:s18] =	ssyncset.done $0x0  }
0x37: {  	s12 =	rddreg [dreg:$0xa];
	[sflag:s18] =	ssyncadd.s32 $0xFFFFD800  }
0x38: {  	[spmem:s12] =	stream.linear.scatter [tilespmem:s17], [sflag:$0x7], $0x2800, $0x38;
	[tilespmem:$0x19600] =	vst v63  }
0x39: {  	_ =	swait.ge [sflag:s18], $0x2800  }
0x3a: {  	[sflag:s18] =	ssyncset.done $0x0  }
0x3b: {  	[sflag:s18] =	ssyncadd.s32 $0xFFFFD800  }
0x3c: {  	[spmem:s14] =	stream.linear.scatter [tilespmem:s17], [sflag:$0x7], $0x2800, $0x38;
	[tilespmem:$0x19600] =	vst v63  }
0x3d: {  	_ =	swait.ge [sflag:s18], $0x2800  }
0x3e: {  	[sflag:s18] =	ssyncset.done $0x0  }
0x3f: {  	[sflag:s18] =	ssyncadd.s32 $0xFFFFD800  }
0x40: {  	[spmem:s15] =	stream.linear.scatter [tilespmem:s17], [sflag:$0x7], $0x2800, $0x38;
	[tilespmem:$0x19600] =	vst v63  }
0x41: {  	_ =	swait.ge [sflag:s18], $0x2800  }
0x42: {  	[sflag:s18] =	ssyncset.done $0x0  }
0x43: {  	[sflag:s18] =	ssyncadd.s32 $0xFFFFD800  }
0x44: {  	[spmem:s16] =	stream.linear.scatter [tilespmem:s17], [sflag:$0x7], $0x2800, $0x38;
	[tilespmem:$0x19600] =	vst v63  }
0x45: {  	_ =	swait.ge [sflag:s18], $0x2800  }
0x46: {  	[sflag:s18] =	ssyncset.done $0x0  }
0x47: {  	[sflag:s18] =	ssyncadd.s32 $0xFFFFD800  }
0x48: {  	[tilespmem:s4], [sflag:$0x7] =	stream.linear.gather [hbm4b:s5+s4], $0x100, $0x38;
	[tilespmem:$0x19600] =	vst v63  }
0x49: {  	_ =	swait.ge [sflag:s18], $0x100  }
0x4a: {  	[sflag:s18] =	ssyncset.done $0x0  }
0x4b: {  	[sflag:s18] =	ssyncadd.s32 $0xFFFFFF00  }
0x4c: {  	v2 =	vld [tilespmem:$0x0]  }
0x4d: {  	v3 =	vld [tilespmem:$0x10];
	_ =	sdelay $0x1  }
0x4e: {  	v4 =	vld [tilespmem:$0x20];
	_ =	sdelay $0x1  }
0x4f: {  	v6 =	vld [tilespmem:$0x30];
	v5 =	vshra.s32 v2, $0xD  }
0x50: {  	v7 =	vshra.s32 v3, $0xD;
	v2 =	vand.u32 $0x3FFF, v2;
	v5 =	vand.u32 $0xFFFFFFFE, v5  }
0x51: {  	v57 =	vld [tilespmem:$0x40];
	v56 =	vand.u32 $0xFFFFFFFE, v7;
	[tilespmem:$0x400] =	vst v2;
	v5 =	vor.u32 v0, v5  }
0x52: {  	v58 =	vshra.s32 v4, $0xD;
	v2 =	vor.u32 v0, v56;
	[tilespmem:$0x200] =	vst v5  }
0x53: {  	v59 =	vld [tilespmem:$0x80];
	[tilespmem:$0x210] =	vst v2;
	v2 =	vand.u32 $0x3FFF, v3;
	v3 =	vand.u32 $0xFFFFFFFE, v58  }
0x54: {  	[tilespmem:$0x410] =	vst v2;
	v2 =	vor.u32 v0, v3;
	v3 =	vshra.s32 v6, $0xD  }
0x55: {  	v60 =	vld [tilespmem:$0x90];
	[tilespmem:$0x220] =	vst v2;
	v2 =	vand.u32 $0x3FFF, v4;
	v3 =	vand.u32 $0xFFFFFFFE, v3  }
0x56: {  	[tilespmem:$0x420] =	vst v2;
	v2 =	vor.u32 v0, v3;
	v3 =	vshra.s32 v57, $0xD  }
0x57: {  	v61 =	vld [tilespmem:$0xA0];
	[tilespmem:$0x230] =	vst v2;
	v2 =	vand.u32 $0x3FFF, v6;
	v3 =	vand.u32 $0xFFFFFFFE, v3  }
0x58: {  	[tilespmem:$0x430] =	vst v2;
	v2 =	vor.u32 v0, v3;
	v3 =	vshra.s32 v59, $0xD  }
0x59: {  	v62 =	vld [tilespmem:$0xB0];
	[tilespmem:$0x240] =	vst v2;
	v2 =	vand.u32 $0x3FFF, v57;
	v3 =	vand.u32 $0xFFFFFFFE, v3  }
0x5a: {  	[tilespmem:$0x440] =	vst v2;
	v2 =	vor.u32 v0, v3;
	v3 =	vshra.s32 v60, $0xD  }
0x5b: {  	v63 =	vld [tilespmem:$0xC0];
	[tilespmem:$0x280] =	vst v2;
	v2 =	vand.u32 $0x3FFF, v59;
	v3 =	vand.u32 $0xFFFFFFFE, v3  }
0x5c: {  	[tilespmem:$0x480] =	vst v2;
	v2 =	vor.u32 v0, v3;
	v3 =	vshra.s32 v61, $0xD  }
0x5d: {  	[tilespmem:$0x290] =	vst v2;
	v2 =	vand.u32 $0x3FFF, v60;
	v3 =	vand.u32 $0xFFFFFFFE, v3  }
0x5e: {  	[tilespmem:$0x490] =	vst v2;
	v2 =	vor.u32 v0, v3;
	v3 =	vshra.s32 v62, $0xD  }
0x5f: {  	[tilespmem:$0x2A0] =	vst v2;
	v2 =	vand.u32 $0x3FFF, v61;
	v3 =	vand.u32 $0xFFFFFFFE, v3  }
0x60: {  	[tilespmem:$0x4A0] =	vst v2;
	v2 =	vor.u32 v0, v3;
	v3 =	vshra.s32 v63, $0xD  }
0x61: {  	[tilespmem:$0x2B0] =	vst v2;
	v2 =	vand.u32 $0x3FFF, v62;
	v3 =	vand.u32 $0xFFFFFFFE, v3  }
0x62: {  	[tilespmem:$0x4B0] =	vst v2;
	v2 =	vor.u32 v0, v3  }
0x63: {  	[tilespmem:$0x2C0] =	vst v2;
	v2 =	vand.u32 $0x3FFF, v63  }
0x64: {  	s13 =	rddreg [dreg:$0x4];
	[tilespmem:$0x4C0] =	vst v2  }
0x65: {  	[tilespmem:s19], [sflag:$0x6] =	stream.linear.gather [hbm4b:s13+s4], $0x100, $0x38;
	[tilespmem:$0x19600] =	vst v63  }
0x66: {  	_ = 	snop  }
0x67: {  	[tilespmem:s17], [sflag:$0x1] =	stream.indirect.gather [hbm4b:s1+s20], $0x80, s21, s20, $0xb8;
	[tilespmem:$0x19600] =	vst v63  }
0x68: {  	_ = 	snop  }
0x69: {  	[tilespmem:s23], [sflag:$0x2] =	stream.indirect.gather [hbm4b:s1+s20], $0x80, s22, s20, $0xb8;
	[tilespmem:$0x19600] =	vst v63  }
0x6a: {  	s11 =	simm.s32 $0xFFFFF840;
	[bflag:$0x0] =	sbarrier.arrive $0xFFFF  }
.LBB2_4:
0x6b: {  	s12 =	sadd.s32 s11, s5  }
0x6c: {  	s13 =	sadd.s32 $0x800, s12  }
0x6d: {  	[tilespmem:s4], [sflag:$0x5] =	stream.linear.gather [hbm4b:s13+s4], $0x100, $0x38;
	[tilespmem:$0x19600] =	vst v63  }
0x6e: {  	_ =	swait.ge [sflag:s24], $0x2800  }
0x6f: {  	[sflag:s24] =	ssyncset.done $0x0  }
0x70: {  	[sflag:s24] =	ssyncadd.s32 $0xFFFFD800  }
0x71: {  	[spmem:s2] =	stream.indirect.scatter.add.f32 [tilespmem:s17], [sflag:$0x3], $0x80, s25, s20, $0xb8;
	[tilespmem:$0x19600] =	vst v63  }
0x72: {  	_ =	swait.ge [sflag:s26], $0x2800  }
0x73: {  	[sflag:s26] =	ssyncset.done $0x0  }
0x74: {  	[sflag:s26] =	ssyncadd.s32 $0xFFFFD800  }
0x75: {  	[spmem:s2] =	stream.indirect.scatter.add.f32 [tilespmem:s23], [sflag:$0x4], $0x80, s28, s20, $0xb8;
	[tilespmem:$0x19600] =	vst v63  }
0x76: {  	_ =	swait.ge [sflag:s29], $0x100  }
0x77: {  	[sflag:s29] =	ssyncset.done $0x0  }
0x78: {  	[sflag:s29] =	ssyncadd.s32 $0xFFFFFF00  }
0x79: {  	v2 =	vld [tilespmem:$0x100]  }
0x7a: {  	v3 =	vld [tilespmem:$0x110];
	_ =	sdelay $0x1  }
0x7b: {  	v4 =	vld [tilespmem:$0x120];
	_ =	sdelay $0x1  }
0x7c: {  	v6 =	vld [tilespmem:$0x130];
	v5 =	vshra.s32 v2, $0xD  }
0x7d: {  	v7 =	vshra.s32 v3, $0xD;
	v2 =	vand.u32 $0x3FFF, v2;
	v5 =	vand.u32 $0xFFFFFFFE, v5  }
0x7e: {  	v45 =	vld [tilespmem:$0x140];
	v44 =	vand.u32 $0xFFFFFFFE, v7;
	[tilespmem:$0x500] =	vst v2;
	v5 =	vor.u32 v0, v5  }
0x7f: {  	v46 =	vshra.s32 v4, $0xD;
	v2 =	vor.u32 v0, v44;
	[tilespmem:$0x300] =	vst v5  }
0x80: {  	v47 =	vld [tilespmem:$0x180];
	[tilespmem:$0x310] =	vst v2;
	v2 =	vand.u32 $0x3FFF, v3;
	v3 =	vand.u32 $0xFFFFFFFE, v46  }
0x81: {  	[tilespmem:$0x510] =	vst v2;
	v2 =	vor.u32 v0, v3;
	v3 =	vshra.s32 v6, $0xD  }
0x82: {  	v48 =	vld [tilespmem:$0x190];
	[tilespmem:$0x320] =	vst v2;
	v2 =	vand.u32 $0x3FFF, v4;
	v3 =	vand.u32 $0xFFFFFFFE, v3  }
0x83: {  	[tilespmem:$0x520] =	vst v2;
	v2 =	vor.u32 v0, v3;
	v3 =	vshra.s32 v45, $0xD  }
0x84: {  	v49 =	vld [tilespmem:$0x1A0];
	[tilespmem:$0x330] =	vst v2;
	v2 =	vand.u32 $0x3FFF, v6;
	v3 =	vand.u32 $0xFFFFFFFE, v3  }
0x85: {  	[tilespmem:$0x530] =	vst v2;
	v2 =	vor.u32 v0, v3;
	v3 =	vshra.s32 v47, $0xD  }
0x86: {  	v50 =	vld [tilespmem:$0x1B0];
	[tilespmem:$0x340] =	vst v2;
	v2 =	vand.u32 $0x3FFF, v45;
	v3 =	vand.u32 $0xFFFFFFFE, v3  }
0x87: {  	[tilespmem:$0x540] =	vst v2;
	v2 =	vor.u32 v0, v3;
	v3 =	vshra.s32 v48, $0xD  }
0x88: {  	v51 =	vld [tilespmem:$0x1C0];
	[tilespmem:$0x380] =	vst v2;
	v2 =	vand.u32 $0x3FFF, v47;
	v3 =	vand.u32 $0xFFFFFFFE, v3  }
0x89: {  	[tilespmem:$0x580] =	vst v2;
	v2 =	vor.u32 v0, v3;
	v3 =	vshra.s32 v49, $0xD  }
0x8a: {  	[tilespmem:$0x390] =	vst v2;
	v2 =	vand.u32 $0x3FFF, v48;
	v3 =	vand.u32 $0xFFFFFFFE, v3  }
0x8b: {  	[tilespmem:$0x590] =	vst v2;
	v2 =	vor.u32 v0, v3;
	v3 =	vshra.s32 v50, $0xD  }
0x8c: {  	[tilespmem:$0x3A0] =	vst v2;
	v2 =	vand.u32 $0x3FFF, v49;
	v3 =	vand.u32 $0xFFFFFFFE, v3  }
0x8d: {  	[tilespmem:$0x5A0] =	vst v2;
	v2 =	vor.u32 v0, v3;
	v3 =	vshra.s32 v51, $0xD  }
0x8e: {  	[tilespmem:$0x3B0] =	vst v2;
	v2 =	vand.u32 $0x3FFF, v50;
	v3 =	vand.u32 $0xFFFFFFFE, v3  }
0x8f: {  	[tilespmem:$0x5B0] =	vst v2;
	v2 =	vor.u32 v0, v3  }
0x90: {  	[tilespmem:$0x3C0] =	vst v2;
	v2 =	vand.u32 $0x3FFF, v51  }
0x91: {  	[tilespmem:$0x5C0] =	vst v2  }
0x92: {  	_ =	swait.ge [sflag:s30], $0x2800  }
0x93: {  	[sflag:s30] =	ssyncset.done $0x0  }
0x94: {  	[sflag:s30] =	ssyncadd.s32 $0xFFFFD800  }
0x95: {  	[tilespmem:s17], [sflag:$0x1] =	stream.indirect.gather [hbm4b:s1+s20], $0x80, s31, s20, $0xb8;
	[tilespmem:$0x19600] =	vst v63  }
0x96: {  	_ =	swait.ge [sflag:s0], $0x2800  }
0x97: {  	[sflag:s0] =	ssyncset.done $0x0  }
0x98: {  	[sflag:s0] =	ssyncadd.s32 $0xFFFFD800  }
0x99: {  	[tilespmem:s23], [sflag:$0x2] =	stream.indirect.gather [hbm4b:s1+s20], $0x80, s3, s20, $0xb8;
	[tilespmem:$0x19600] =	vst v63  }
0x9a: {  	s12 =	sadd.s32 $0x820, s12  }
0x9b: {  	[tilespmem:s19], [sflag:$0x6] =	stream.linear.gather [hbm4b:s12+s4], $0x100, $0x38;
	[tilespmem:$0x19600] =	vst v63  }
0x9c: {  	_ =	swait.ge [sflag:s24], $0x2800  }
0x9d: {  	[sflag:s24] =	ssyncset.done $0x0  }
0x9e: {  	[sflag:s24] =	ssyncadd.s32 $0xFFFFD800  }
0x9f: {  	[spmem:s2] =	stream.indirect.scatter.add.f32 [tilespmem:s17], [sflag:$0x3], $0x80, s6, s20, $0xb8;
	[tilespmem:$0x19600] =	vst v63  }
0xa0: {  	_ =	swait.ge [sflag:s26], $0x2800  }
0xa1: {  	[sflag:s26] =	ssyncset.done $0x0  }
0xa2: {  	[sflag:s26] =	ssyncadd.s32 $0xFFFFD800  }
0xa3: {  	[spmem:s2] =	stream.indirect.scatter.add.f32 [tilespmem:s23], [sflag:$0x4], $0x80, s7, s20, $0xb8;
	[tilespmem:$0x19600] =	vst v63  }
0xa4: {  	_ =	swait.ge [sflag:s9], $0x100  }
0xa5: {  	[sflag:s9] =	ssyncset.done $0x0  }
0xa6: {  	[sflag:s9] =	ssyncadd.s32 $0xFFFFFF00  }
0xa7: {  	v2 =	vld [tilespmem:$0x0]  }
0xa8: {  	v3 =	vld [tilespmem:$0x10];
	_ =	sdelay $0x1  }
0xa9: {  	v52 =	vld [tilespmem:$0x20];
	_ =	sdelay $0x1  }
0xaa: {  	v54 =	vld [tilespmem:$0x30];
	v53 =	vshra.s32 v2, $0xD  }
0xab: {  	v55 =	vshra.s32 v3, $0xD;
	v2 =	vand.u32 $0x3FFF, v2;
	v5 =	vand.u32 $0xFFFFFFFE, v53  }
0xac: {  	v57 =	vld [tilespmem:$0x40];
	v56 =	vand.u32 $0xFFFFFFFE, v55;
	[tilespmem:$0x400] =	vst v2;
	v5 =	vor.u32 v0, v5  }
0xad: {  	v58 =	vshra.s32 v52, $0xD;
	v2 =	vor.u32 v0, v56;
	[tilespmem:$0x200] =	vst v5  }
0xae: {  	v59 =	vld [tilespmem:$0x80];
	[tilespmem:$0x210] =	vst v2;
	v2 =	vand.u32 $0x3FFF, v3;
	v3 =	vand.u32 $0xFFFFFFFE, v58  }
0xaf: {  	[tilespmem:$0x410] =	vst v2;
	v2 =	vor.u32 v0, v3;
	v3 =	vshra.s32 v54, $0xD  }
0xb0: {  	v60 =	vld [tilespmem:$0x90];
	[tilespmem:$0x220] =	vst v2;
	v2 =	vand.u32 $0x3FFF, v52;
	v3 =	vand.u32 $0xFFFFFFFE, v3  }
0xb1: {  	[tilespmem:$0x420] =	vst v2;
	v2 =	vor.u32 v0, v3;
	v3 =	vshra.s32 v57, $0xD  }
0xb2: {  	v61 =	vld [tilespmem:$0xA0];
	[tilespmem:$0x230] =	vst v2;
	v2 =	vand.u32 $0x3FFF, v54;
	v3 =	vand.u32 $0xFFFFFFFE, v3  }
0xb3: {  	[tilespmem:$0x430] =	vst v2;
	v2 =	vor.u32 v0, v3;
	v3 =	vshra.s32 v59, $0xD  }
0xb4: {  	v62 =	vld [tilespmem:$0xB0];
	[tilespmem:$0x240] =	vst v2;
	v2 =	vand.u32 $0x3FFF, v57;
	v3 =	vand.u32 $0xFFFFFFFE, v3  }
0xb5: {  	[tilespmem:$0x440] =	vst v2;
	v2 =	vor.u32 v0, v3;
	v3 =	vshra.s32 v60, $0xD  }
0xb6: {  	v63 =	vld [tilespmem:$0xC0];
	[tilespmem:$0x280] =	vst v2;
	v2 =	vand.u32 $0x3FFF, v59;
	v3 =	vand.u32 $0xFFFFFFFE, v3  }
0xb7: {  	[tilespmem:$0x480] =	vst v2;
	v2 =	vor.u32 v0, v3;
	v3 =	vshra.s32 v61, $0xD  }
0xb8: {  	[tilespmem:$0x290] =	vst v2;
	v2 =	vand.u32 $0x3FFF, v60;
	v3 =	vand.u32 $0xFFFFFFFE, v3  }
0xb9: {  	[tilespmem:$0x490] =	vst v2;
	v2 =	vor.u32 v0, v3;
	v3 =	vshra.s32 v62, $0xD  }
0xba: {  	[tilespmem:$0x2A0] =	vst v2;
	v2 =	vand.u32 $0x3FFF, v61;
	v3 =	vand.u32 $0xFFFFFFFE, v3  }
0xbb: {  	[tilespmem:$0x4A0] =	vst v2;
	v2 =	vor.u32 v0, v3;
	v3 =	vshra.s32 v63, $0xD  }
0xbc: {  	[tilespmem:$0x2B0] =	vst v2;
	v2 =	vand.u32 $0x3FFF, v62;
	v3 =	vand.u32 $0xFFFFFFFE, v3  }
0xbd: {  	[tilespmem:$0x4B0] =	vst v2;
	v2 =	vor.u32 v0, v3  }
0xbe: {  	[tilespmem:$0x2C0] =	vst v2;
	v2 =	vand.u32 $0x3FFF, v63  }
0xbf: {  	[tilespmem:$0x4C0] =	vst v2  }
0xc0: {  	_ =	swait.ge [sflag:s30], $0x2800  }
0xc1: {  	[sflag:s30] =	ssyncset.done $0x0  }
0xc2: {  	p0 =	sne.s32 s11, $0xFFFFFFC0;
	[sflag:s30] =	ssyncadd.s32 $0xFFFFD800  }
0xc3: {  	[tilespmem:s17], [sflag:$0x1] =	stream.indirect.gather [hbm4b:s1+s20], $0x80, s21, s20, $0xb8;
	[tilespmem:$0x19600] =	vst v63  }
.Ltmp1:
0xc4: {  	_ = 	snop;
	(pc) =	sbr.rel @p0 .LBB2_4-.Ltmp1, $4  }
0xc5: {  	_ =	swait.ge [sflag:s0], $0x2800  }
0xc6: {  	[sflag:s0] =	ssyncset.done $0x0  }
0xc7: {  	s11 =	sadd.s32 $0x40, s11;
	[sflag:s0] =	ssyncadd.s32 $0xFFFFD800  }
0xc8: {  	[tilespmem:s23], [sflag:$0x2] =	stream.indirect.gather [hbm4b:s1+s20], $0x80, s22, s20, $0xb8;
	[tilespmem:$0x19600] =	vst v63  }
0xc9: {  	_ =	swait.ge [sflag:s24], $0x2800  }
0xca: {  	[sflag:s24] =	ssyncset.done $0x0  }
0xcb: {  	[sflag:s24] =	ssyncadd.s32 $0xFFFFD800  }
0xcc: {  	[spmem:s2] =	stream.indirect.scatter.add.f32 [tilespmem:s17], [sflag:$0x3], $0x80, s25, s20, $0xb8;
	[tilespmem:$0x19600] =	vst v63  }
0xcd: {  	_ =	swait.ge [sflag:s26], $0x2800  }
0xce: {  	[sflag:s26] =	ssyncset.done $0x0  }
0xcf: {  	[sflag:s26] =	ssyncadd.s32 $0xFFFFD800  }
0xd0: {  	[spmem:s2] =	stream.indirect.scatter.add.f32 [tilespmem:s23], [sflag:$0x4], $0x80, s28, s20, $0xb8;
	[tilespmem:$0x19600] =	vst v63  }
0xd1: {  	_ =	swait.ge [sflag:s29], $0x100  }
0xd2: {  	[sflag:s29] =	ssyncset.done $0x0  }
0xd3: {  	[sflag:s29] =	ssyncadd.s32 $0xFFFFFF00  }
0xd4: {  	v2 =	vld [tilespmem:$0x100]  }
0xd5: {  	v3 =	vld [tilespmem:$0x110];
	_ =	sdelay $0x1  }
0xd6: {  	v4 =	vld [tilespmem:$0x120];
	_ =	sdelay $0x1  }
0xd7: {  	v6 =	vld [tilespmem:$0x130];
	v5 =	vshra.s32 v2, $0xD  }
0xd8: {  	v7 =	vshra.s32 v3, $0xD;
	v2 =	vand.u32 $0x3FFF, v2;
	v5 =	vand.u32 $0xFFFFFFFE, v5  }
0xd9: {  	v57 =	vld [tilespmem:$0x140];
	v56 =	vand.u32 $0xFFFFFFFE, v7;
	[tilespmem:$0x500] =	vst v2;
	v5 =	vor.u32 v0, v5  }
0xda: {  	v58 =	vshra.s32 v4, $0xD;
	v2 =	vor.u32 v0, v56;
	[tilespmem:$0x300] =	vst v5  }
0xdb: {  	v59 =	vld [tilespmem:$0x180];
	[tilespmem:$0x310] =	vst v2;
	v2 =	vand.u32 $0x3FFF, v3;
	v3 =	vand.u32 $0xFFFFFFFE, v58  }
0xdc: {  	[tilespmem:$0x510] =	vst v2;
	v2 =	vor.u32 v0, v3;
	v3 =	vshra.s32 v6, $0xD  }
0xdd: {  	v60 =	vld [tilespmem:$0x190];
	[tilespmem:$0x320] =	vst v2;
	v2 =	vand.u32 $0x3FFF, v4;
	v3 =	vand.u32 $0xFFFFFFFE, v3  }
0xde: {  	[tilespmem:$0x520] =	vst v2;
	v2 =	vor.u32 v0, v3;
	v3 =	vshra.s32 v57, $0xD  }
0xdf: {  	v61 =	vld [tilespmem:$0x1A0];
	[tilespmem:$0x330] =	vst v2;
	v2 =	vand.u32 $0x3FFF, v6;
	v3 =	vand.u32 $0xFFFFFFFE, v3  }
0xe0: {  	[tilespmem:$0x530] =	vst v2;
	v2 =	vor.u32 v0, v3;
	v3 =	vshra.s32 v59, $0xD  }
0xe1: {  	v62 =	vld [tilespmem:$0x1B0];
	[tilespmem:$0x340] =	vst v2;
	v2 =	vand.u32 $0x3FFF, v57;
	v3 =	vand.u32 $0xFFFFFFFE, v3  }
0xe2: {  	[tilespmem:$0x540] =	vst v2;
	v2 =	vor.u32 v0, v3;
	v3 =	vshra.s32 v60, $0xD  }
0xe3: {  	v63 =	vld [tilespmem:$0x1C0];
	[tilespmem:$0x380] =	vst v2;
	v2 =	vand.u32 $0x3FFF, v59;
	v3 =	vand.u32 $0xFFFFFFFE, v3  }
0xe4: {  	[tilespmem:$0x580] =	vst v2;
	v2 =	vor.u32 v0, v3;
	v3 =	vshra.s32 v61, $0xD  }
0xe5: {  	[tilespmem:$0x390] =	vst v2;
	v2 =	vand.u32 $0x3FFF, v60;
	v3 =	vand.u32 $0xFFFFFFFE, v3  }
0xe6: {  	[tilespmem:$0x590] =	vst v2;
	v2 =	vor.u32 v0, v3;
	v3 =	vshra.s32 v62, $0xD  }
0xe7: {  	[tilespmem:$0x3A0] =	vst v2;
	v2 =	vand.u32 $0x3FFF, v61;
	v3 =	vand.u32 $0xFFFFFFFE, v3  }
0xe8: {  	[tilespmem:$0x5A0] =	vst v2;
	v2 =	vor.u32 v0, v3;
	v3 =	vshra.s32 v63, $0xD  }
0xe9: {  	[tilespmem:$0x3B0] =	vst v2;
	v2 =	vand.u32 $0x3FFF, v62;
	v3 =	vand.u32 $0xFFFFFFFE, v3  }
0xea: {  	[tilespmem:$0x5B0] =	vst v2;
	v2 =	vor.u32 v0, v3  }
0xeb: {  	[tilespmem:$0x3C0] =	vst v2;
	v2 =	vand.u32 $0x3FFF, v63  }
0xec: {  	[tilespmem:$0x5C0] =	vst v2  }
0xed: {  	_ =	swait.ge [sflag:s30], $0x2800  }
0xee: {  	[sflag:s30] =	ssyncset.done $0x0  }
0xef: {  	[sflag:s30] =	ssyncadd.s32 $0xFFFFD800  }
0xf0: {  	[tilespmem:s17], [sflag:$0x1] =	stream.indirect.gather [hbm4b:s1+s20], $0x80, s31, s20, $0xb8;
	[tilespmem:$0x19600] =	vst v63  }
0xf1: {  	_ =	swait.ge [sflag:s0], $0x2800  }
0xf2: {  	[sflag:s0] =	ssyncset.done $0x0  }
0xf3: {  	[sflag:s0] =	ssyncadd.s32 $0xFFFFD800  }
0xf4: {  	[tilespmem:s23], [sflag:$0x2] =	stream.indirect.gather [hbm4b:s1+s20], $0x80, s3, s20, $0xb8;
	[tilespmem:$0x19600] =	vst v63  }
0xf5: {  	_ =	swait.ge [sflag:s24], $0x2800  }
0xf6: {  	[sflag:s24] =	ssyncset.done $0x0  }
0xf7: {  	[sflag:s24] =	ssyncadd.s32 $0xFFFFD800  }
0xf8: {  	[spmem:s2] =	stream.indirect.scatter.add.f32 [tilespmem:s17], [sflag:$0x3], $0x80, s6, s20, $0xb8;
	[tilespmem:$0x19600] =	vst v63  }
0xf9: {  	_ =	swait.ge [sflag:s26], $0x2800  }
0xfa: {  	[sflag:s26] =	ssyncset.done $0x0  }
0xfb: {  	[sflag:s26] =	ssyncadd.s32 $0xFFFFD800  }
0xfc: {  	[spmem:s2] =	stream.indirect.scatter.add.f32 [tilespmem:s23], [sflag:$0x4], $0x80, s7, s20, $0xb8;
	[tilespmem:$0x19600] =	vst v63  }
0xfd: {  	_ =	swait.ge [sflag:s30], $0x2800  }
0xfe: {  	[sflag:s30] =	ssyncset.done $0x0  }
0xff: {  	[sflag:s30] =	ssyncadd.s32 $0xFFFFD800  }
0x100: {  	_ =	swait.ge [sflag:s0], $0x2800  }
0x101: {  	[sflag:s0] =	ssyncset.done $0x0  }
0x102: {  	s11 =	stileid.u32;
	[sflag:s0] =	ssyncadd.s32 $0xFFFFD800  }
0x103: {  	s11 =	sshll.u32 s11, $0x6;
	[bflag:$0x0] =	sbarrier.arrive $0xFFFF  }
0x104: {  	s12 =	sshrl.u32 s8, $0x3;
	s11 =	sor.u32 $0x1C07, s11;
	s13 =	rddreg [dreg:$0x5]  }
0x105: {  	[hbm:s13], [sflag:s11] =	dma.local [spmem:s12], $0x2800  }
0x106: {  	_ =	swait.ge [sflag:s18], $0x2800  }
0x107: {  	s10 =	sadd.s32 $0x1, s10;
	s13 =	rddreg [dreg:$0x6]  }
0x108: {  	p0 =	sne.s32 s10, s13  }
.Ltmp2:
0x109: {  	_ = 	snop;
	(pc) =	sbr.rel @p0 .LBB2_1-.Ltmp2, $3  }
0x10a: {  	_ =	sdelay $0x1  }
0x10b: {  	[sflag:s18] =	ssyncset.done $0x0  }
0x10c: {  	[sflag:s18] =	ssyncadd.s32 $0xFFFFD800  }
0x10d: {  	_ =	sfence.sel $0x180000  }
0x10e: {  	[bflag:$0x0] =	sbarrier.arrive $0xFFFF  }
0x10f: {  	_ =	strace $0x9000004A  }
0x110: {  	s0 =	stileid.u32;
	[bflag:$0x2] =	sbarrier.arrive $0xFFFF  }
0x111: {  	p0 =	sne.s32 s0, $0x0;
	s0 =	rddreg [dreg:$0x3]  }
0x112: {  	s0 =	sadd.s32 @!p0 $0x100000, s0  }
0x113: {  	[sflag:s0] =	ssyncadd.tile.s32 @!p0 $0x1;
	_ =	shalt  }
.Lfunc_end2:
_tile_overlayer_lowered:
.L_overlay_start_2:
0x114: {  	(tag) =	ssettag $0x2  }
0x115: {  	s0 =	rddreg [dreg:$0x0];
	s2 =	stileid.u32  }
0x116: {  	s1 =	rddreg [dreg:$0x1];
	p0 =	sne.s32 s2, $0x0  }
0x117: {  	s3 =	rddreg [dreg:$0x2];
	[bflag:$0x3] =	sbarrier.arrive $0xFFFF;
	s2 =	simm.s32 @!p0 $0x1C07  }
0x118: {  	[timem:s3], [sflag:s2] =	dma.local @!p0 [hbm:s0], s1  }
0x119: {  	s0 =	simm.s32 @!p0 $0x7  }
0x11a: {  	_ =	swait.ge @!p0 [sflag:s0], s1  }
0x11b: {  	s1 =	ssub.s32 @!p0 $0x0, s1;
	[sflag:s0] =	ssyncset.done @!p0 $0x0  }
0x11c: {  	[sflag:s0] =	ssyncadd.s32 @!p0 s1  }
0x11d: {  	[bflag:$0x3] =	sbarrier.arrive $0xFFFF  }
0x11e: {  	_ =	shalt  }

// kernel: kernel.8.cloned.1.call-start
scs
__scs_entry_jumppad:
0x0: {  	(pc) =	sbr.rel $0x88, $3  }
0x1: {  	(tag) =	ssettag $0x0;
	lr =	simm.s32 $0x1  }
0x2: {  	[smem:$0x3F98] =	sst lr;
	_ =	strace $0xD0000000  }
0x3: {  	_ = 	snop  }
0x4: {  	_ = 	snop  }
0x5: {  	_ = 	snop  }
0x6: {  	_ = 	snop  }
0x7: {  	_ = 	snop  }
__scs_overlays_trampoline_lowered:
0x8: {  	[smem:$0x3FA7] =	sst s0  }
0x9: {  	[smem:$0x3FA8] =	sst s1  }
0xa: {  	[smem:$0x3FA9] =	sst s2  }
0xb: {  	[smem:$0x3FAA] =	sst s3  }
0xc: {  	[smem:$0x3FAB] =	sst s4  }
0xd: {  	[smem:$0x3FAC] =	sst s5  }
0xe: {  	[smem:$0x3FAD] =	sst s6  }
0xf: {  	[smem:$0x3FAE] =	sst s7  }
0x10: {  	[smem:$0x3FAF] =	sst s8  }
0x11: {  	[smem:$0x3FB0] =	sst s9;
	s0 =	simm.s32 @!p0 $0x0  }
0x12: {  	s1 =	sld [smem:$0x3F96];
	s0 =	simm.s32 @p0 $0x1  }
0x13: {  	[smem:$0x3FB1] =	sst s0;
	s0 =	simm.s32 @!p1 $0x0  }
0x14: {  	s2 =	sld [smem:$0x3F95];
	s0 =	simm.s32 @p1 $0x1  }
0x15: {  	[smem:$0x3FB2] =	sst s0;
	s0 =	simm.s32 @!p2 $0x0  }
0x16: {  	s3 =	sld [smem:$0x3FDB];
	s0 =	simm.s32 @p2 $0x1  }
0x17: {  	s4 =	simm.s32 $0x1BF5;
	[smem:$0x3FB4] =	sst s0  }
0x18: {  	s0 =	sld [smem:$0x3F97];
	_ =	swait.ge [sflag:s4], $0x0  }
0x19: {  	s7 =	sld [smem:$0x3F98]  }
0x1a: {  	s8 =	sadd.s32 $0xFFFFE003, lr  }
0x1b: {  	s9 =	sadd.s32 $0xFFFFFEF7, lr;
	s5 =	simm.s32 $0xFFFFFFFF;
	p2 =	slt.u32 s8, $0xFFFFF086  }
0x1c: {  	p1 =	slt.u32 s9, $0xF7A;
	s5 =	simm.s32 @!p2 $0x0  }
0x1d: {  	s5 =	simm.s32 @p1 $0x1;
	p0 =	seq.s32 s7, s2  }
0x1e: {  	s7 =	smul.u32 @!p0 $0xF7A, s2;
	p2 =	seq.s32 @!p0 s5, $0x0  }
0x1f: {  	s9 =	smul.u32 $0xF7A, s1;
	s8 =	simm.s32 @!p0 $0x1BF5;
	p2 =	por !p2, p0  }
0x20: {  	[sflag:s8] =	ssyncset.s32 @!p0 $0xFFFFF086;
	s6 =	sadd.s32 @!p0 s3, s7;
	s7 =	simm.s32 @!p0 $0x108  }
0x21: {  	s3 =	sadd.s32 s3, s9;
	s6 =	sadd.s32 @!p0 $0x88, s6;
	s7 =	simm.s32 @p2 $0x1082  }
0x22: {  	[simem:s7], [sflag:s8] =	dma.local @!p0 [hbm:s6], $0xF7A  }
0x23: {  	s9 =	sor.u32 $0xD0000000, s2;
	s6 =	simm.s32 $0x108;
	_ =	swait.ge @!p0 [sflag:s8], $0x0  }
0x24: {  	s3 =	sadd.s32 $0x88, s3;
	s6 =	simm.s32 @!p1 $0x1082;
	[sflag:s4] =	ssyncset.s32 $0xFFFFF086  }
0x25: {  	[simem:s6], [sflag:s4] =	dma.local [hbm:s3], $0xF7A  }
0x26: {  	[smem:$0x3F98] =	sst s1;
	(tag) =	ssettag s2;
	_ =	strace s9  }
0x27: {  	s1 =	sld [smem:$0x3FA8]  }
0x28: {  	s2 =	sld [smem:$0x3FA9]  }
0x29: {  	s4 =	sld [smem:$0x3FAB]  }
0x2a: {  	p0 =	seq.s32 s5, $0x0;
	s5 =	sld [smem:$0x3FAC]  }
0x2b: {  	s6 =	sld [smem:$0x3FAD]  }
0x2c: {  	s7 =	sld [smem:$0x3FAE]  }
0x2d: {  	s3 =	simm.s32 $0x108;
	s8 =	sld [smem:$0x3FAF]  }
0x2e: {  	s3 =	simm.s32 @!p0 $0x1082;
	s9 =	sld [smem:$0x3FB0]  }
0x2f: {  	lr =	sadd.s32 s0, s3;
	s0 =	sld [smem:$0x3FA7]  }
0x30: {  	s3 =	sld [smem:$0x3FAA]  }
0x31: {  	[smem:$0x3FB3] =	sst s10  }
0x32: {  	s10 =	sld [smem:$0x3FB1];
	_ =	sdelay $0x3  }
0x33: {  	p0 =	seq.s32 s10, $0x1;
	s10 =	sld [smem:$0x3FB3];
	_ =	sdelay $0x3  }
0x34: {  	[smem:$0x3FB3] =	sst s10  }
0x35: {  	s10 =	sld [smem:$0x3FB2];
	_ =	sdelay $0x3  }
0x36: {  	p1 =	seq.s32 s10, $0x1;
	s10 =	sld [smem:$0x3FB3];
	_ =	sdelay $0x3  }
0x37: {  	[smem:$0x3FB3] =	sst s10  }
0x38: {  	s10 =	sld [smem:$0x3FB4]  }
0x39: {  	_ = 	snop;
	(pc) =	sbr.ind lr, $3  }
0x3a: {  	_ = 	snop  }
0x3b: {  	_ = 	snop  }
0x3c: {  	p2 =	seq.s32 s10, $0x1;
	s10 =	sld [smem:$0x3FB3]  }
0x3d: {  	_ =	shalt  }
0x3e: {  	_ =	shalt  }
0x3f: {  	_ =	shalt  }
0x40: {  	_ =	shalt  }
0x41: {  	_ =	shalt  }
0x42: {  	_ =	shalt  }
0x43: {  	_ =	shalt  }
0x44: {  	_ =	shalt  }
0x45: {  	_ =	shalt  }
0x46: {  	_ =	shalt  }
0x47: {  	_ =	shalt  }
0x48: {  	_ =	shalt  }
0x49: {  	_ =	shalt  }
0x4a: {  	_ =	shalt  }
0x4b: {  	_ =	shalt  }
0x4c: {  	_ =	shalt  }
0x4d: {  	_ =	shalt  }
0x4e: {  	_ =	shalt  }
0x4f: {  	_ =	shalt  }
0x50: {  	_ =	shalt  }
0x51: {  	_ =	shalt  }
0x52: {  	_ =	shalt  }
0x53: {  	_ =	shalt  }
0x54: {  	_ =	shalt  }
0x55: {  	_ =	shalt  }
0x56: {  	_ =	shalt  }
0x57: {  	_ =	shalt  }
0x58: {  	_ =	shalt  }
0x59: {  	_ =	shalt  }
0x5a: {  	_ =	shalt  }
0x5b: {  	_ =	shalt  }
0x5c: {  	_ =	shalt  }
0x5d: {  	_ =	shalt  }
0x5e: {  	_ =	shalt  }
0x5f: {  	_ =	shalt  }
0x60: {  	_ =	shalt  }
0x61: {  	_ =	shalt  }
0x62: {  	_ =	shalt  }
0x63: {  	_ =	shalt  }
0x64: {  	_ =	shalt  }
0x65: {  	_ =	shalt  }
0x66: {  	_ =	shalt  }
0x67: {  	_ =	shalt  }
0x68: {  	_ =	shalt  }
0x69: {  	_ =	shalt  }
0x6a: {  	_ =	shalt  }
0x6b: {  	_ =	shalt  }
0x6c: {  	_ =	shalt  }
0x6d: {  	_ =	shalt  }
0x6e: {  	_ =	shalt  }
0x6f: {  	_ =	shalt  }
0x70: {  	_ =	shalt  }
0x71: {  	_ =	shalt  }
0x72: {  	_ =	shalt  }
0x73: {  	_ =	shalt  }
0x74: {  	_ =	shalt  }
0x75: {  	_ =	shalt  }
0x76: {  	_ =	shalt  }
0x77: {  	_ =	shalt  }
0x78: {  	_ =	shalt  }
0x79: {  	_ =	shalt  }
0x7a: {  	_ =	shalt  }
0x7b: {  	_ =	shalt  }
0x7c: {  	_ =	shalt  }
0x7d: {  	_ =	shalt  }
0x7e: {  	_ =	shalt  }
0x7f: {  	_ =	shalt  }
0x80: {  	_ =	shalt  }
0x81: {  	_ =	shalt  }
0x82: {  	_ =	shalt  }
0x83: {  	_ =	shalt  }
0x84: {  	_ =	shalt  }
0x85: {  	_ =	shalt  }
0x86: {  	_ =	shalt  }
0x87: {  	_ =	shalt  }
.Lfunc_end0:
.L_simem_size_0:
called_computation.1_lowered:
.L_overlay_start_0:
0x88: {  	s2 =	sld [smem:$0x3FD9]  }
0x89: {  	s3 =	sld [smem:$0x3FFE];
	_ =	sdelay $0x1  }
0x8a: {  	s1 =	srdreg.scid  }
0x8b: {  	s0 =	sand.u32 $0x1, s1  }
0x8c: {  	s16 =	sshll.u32 s0, $0xA;
	s2 =	sadd.s32 s3, s2  }
0x8d: {  	s2 =	sadd.s32 s2, s16  }
0x8e: {  	[smem:$0x3FBF] =	sst s2  }
0x8f: {  	_ = 	snop  }
0x90: {  	(tm) =	ssettm $0x1  }
0x91: {  	s17 =	sld [smem:$0x3FFB];
	_ =	sdelay $0x3  }
0x92: {  	_ =	strace s17  }
0x93: {  	s2 =	sld [smem:$0x3FFC];
	_ =	sdelay $0x3  }
0x94: {  	_ =	strace s2  }
0x95: {  	s2 =	sld [smem:$0x3FFD];
	_ =	sdelay $0x3  }
0x96: {  	_ =	strace s2  }
0x97: {  	_ =	strace $0x8FFFFFFF  }
0x98: {  	s18 =	sld [smem:$0x3FDB];
	_ =	sdelay $0x1  }
0x99: {  	s19 =	simm.s32 $_scs_section_size  }
0x9a: {  	s4 =	simm.s32 $_size__tile_overlayer_lowered;
	s5 =	simm.s32 $_tile_overlayer_lowered  }
0x9b: {  	s22 =	simm.s32 $0x1BFF;
	s21 =	sshll.u32 s5, $0x1;
	s2 =	sadd.s32 s19, s18  }
0x9c: {  	s6 =	simm.s32 $0x0;
	s20 =	sshll.u32 s4, $0x1;
	s4 =	sadd.s32 s21, s2  }
0x9d: {  	[timem:s6], [sflag:s22] =	dma.local [hbm:s4], s20  }
0x9e: {  	_ =	swait.ge [sflag:s22], s20  }
0x9f: {  	s3 =	ssub.s32 $0x0, s20;
	[sflag:s22] =	ssyncset.done $0x0  }
0xa0: {  	[sflag:s22] =	ssyncadd.s32 s3;
	_ =	sdelay $0x1  }
0xa1: {  	s23 =	simm.s32 $0x1B8B  }
0xa2: {  	_ =	swait.ge [sflag:s23], $0x1  }
0xa3: {  	[sflag:s23] =	ssyncset.done $0x0  }
0xa4: {  	s25 =	simm.s32 $0x1B8E;
	s24 =	sld [smem:$0x3FFE];
	[sflag:s23] =	ssyncadd.s32 $0xFFFFFFFF  }
0xa5: {  	s26 =	simm.s32 $execute0_lowered;
	[smem:$0x3FD2] =	sst s25  }
0xa6: {  	s4 =	sshll.u32 s26, $0x1;
	_ =	strace $0x80000046;
	[dreg:$0x1] =	wrdreg $0xFFFFFFFF  }
0xa7: {  	s28 =	simm.s32 $_size_execute0_lowered;
	s2 =	sadd.s32 s2, s4;
	[dreg:$0x0] =	wrdreg $0x0  }
0xa8: {  	s4 =	sshll.u32 s28, $0x1;
	[dreg:$0x2] =	wrdreg s2  }
0xa9: {  	[dreg:$0x3] =	wrdreg s4  }
0xaa: {  	[dreg:$0x4] =	wrdreg $0xC0  }
0xab: {  	_ =	task [dreg:s6], $0x5FFFF  }
0xac: {  	[dreg:$0x1] =	wrdreg $0xFFFFFFFF  }
0xad: {  	[dreg:$0x0] =	wrdreg $0x60  }
0xae: {  	[dreg:$0x2] =	wrdreg s24  }
0xaf: {  	[dreg:$0x3] =	wrdreg $0xA  }
0xb0: {  	_ =	task.clear_ibuf [dreg:s6], $0x4FFFF;
	_ =	strace $0x90000046  }
0xb1: {  	s29 =	simm.s32 $0xA;
	_ =	strace $0x80000048  }
0xb2: {  	_ =	swait.ge [sflag:s29], $0x1  }
0xb3: {  	[sflag:s29] =	ssyncadd.s32 $0xFFFFFFFF  }
0xb4: {  	_ =	strace $0x90000048  }
0xb5: {  	_ =	sfence  }
0xb6: {  	s30 =	sld [smem:$0x0];
	_ =	sdelay $0x2  }
0xb7: {  	s31 =	sshll.u32 s1, $0xD;
	s1 =	sshrl.u32 s1, $0x2  }
0xb8: {  	s3 =	sand.u32 $0x4000, s31;
	s1 =	sadd.s32 s1, s30  }
0xb9: {  	s0 =	sor.u32 s3, s0;
	s1 =	sshll.u32 s1, $0x11  }
0xba: {  	s0 =	sor.u32 s1, s0  }
0xbb: {  	s0 =	sadd.s32 $0x8F2B, s0  }
0xbc: {  	[sflag:s0] =	ssyncadd.remote.s32 $0x1  }
0xbd: {  	_ =	sfence.sel $0xFFFF  }
0xbe: {  	[dreg:$0x0] =	wrdreg $0xFFFFFFFF;
	(pc) =	sbr.abs _section_cstart, $3  }
0xbf: {  	[dreg:$0x1] =	wrdreg $0xFFFFFFFF  }
0xc0: {  	_ =	task.clear_ibuf [dreg:s6], $0x2FFFF;
	_ =	strace $0x9FFFFFFF  }
0xc1: {  	(tm) =	ssettm $0x7FFFFFFF  }
tec
execute0_lowered:
.L_overlay_start_1:
0x0: {  	(tag) =	ssettag $0x1  }
0x1: {  	s0 =	srdreg.scid;
	s4 =	rddreg [dreg:$0x0]  }
0x2: {  	s1 =	rddreg [dreg:$0x1];
	s2 =	simm.s32 $0x0;
	s9 =	simm.s32 $0x400  }
0x3: {  	s10 =	simm.s32 $0x0;
	s3 =	sand.u32 $0x1, s0;
	s0 =	stileid.u32  }
0x4: {  	[smem:$0x7FF] =	sst s2;
	s5 =	smul.u32 $0x2F000, s3;
	s6 =	sshrl.u32 s0, $0x3  }
0x5: {  	s7 =	sshll.u32 s0, $0x7;
	s8 =	sshll.u32 s3, $0xA;
	s6 =	smul.u32 $0x17800, s6  }
0x6: {  	_ =	strace $0x80000047;
	s3 =	ssub.s32 $0x2, s3;
	s30 =	sshll.u32 s0, $0xB  }
0x7: {  	s28 =	sand.u32 $0x380, s7;
	s29 =	sadd.s32 s8, s4;
	s5 =	sadd.s32 s5, s6  }
0x8: {  	s31 =	sshrl.u32 s3, $0x1;
	s7 =	simm.s32 $0x2000;
	s5 =	sor.u32 s28, s5  }
0x9: {  	s8 =	simm.s32 $0x80;
	s6 =	sadd.s32 s30, s29;
	s5 =	sshrl.u32 s5, $0x3  }
0xa: {  	s4 =	sadd.s32 s5, s4;
	s5 =	ssub.s32 s3, s31;
	s3 =	sadd.s32 $0x1000, s6  }
0xb: {  	v0 =	vimm.f32 $0.0e+00;
	v1 =	vimm.f32 $1.000000000e+00;
	s6 =	simm.s32 $0x1;
	s4 =	sadd.s32 $0x9000, s4;
	s5 =	smax.u32 s5, $0x1  }
.LBB2_1:
0xc: {  	[tilespmem:s2], [sflag:$0x1] =	stream.linear.gather [hbm4b:s3+s2], $0x2000, $0x38;
	[tilespmem:$0x4F00] =	vst v63  }
0xd: {  	_ =	swait.ge [sflag:s6], $0x2000  }
0xe: {  	[sflag:s6] =	ssyncset.done $0x0  }
0xf: {  	s11 =	simm.s32 $0x0;
	[sflag:s6] =	ssyncadd.s32 $0xFFFFE000  }
.LBB2_2:
0x10: {  	p0 =	sne.s32 s11, $0xBB40  }
.Ltmp0:
0x11: {  	_ = 	snop;
	(pc) =	sbr.rel @p0 .LBB2_2-.Ltmp0, $3  }
0x12: {  	_ =	sdelay $0x1  }
0x13: {  	s12 =	sshra.s32 s11, $0x2  }
0x14: {  	s11 =	sadd.s32 $0x40, s11;
	[tilespmem:s12+$0x2000] =	vst v0  }
0x15: {  	s11 =	simm.s32 $0x0  }
.LBB2_4:
0x16: {  	s12 =	sshra.s32 s11, $0x2  }
0x17: {  	v2 =	vld [tilespmem:s12+$0x0];
	_ =	sdelay $0x4  }
0x18: {  	v2 =	vand.u32 $0x3FFF, v2;
	_ =	sdelay $0x4  }
0x19: {  	[tilespmem:v2+s7+$0x0] =	vst.idx.add.f32.msk $0xffff, v1  }
0x1a: {  	v2 =	vld [tilespmem:s12+$0x10];
	_ =	sdelay $0x4  }
0x1b: {  	v2 =	vand.u32 $0x3FFF, v2;
	_ =	sdelay $0x4  }
0x1c: {  	[tilespmem:v2+s7+$0x0] =	vst.idx.add.f32.msk $0xffff, v1  }
0x1d: {  	v2 =	vld [tilespmem:s12+$0x20];
	_ =	sdelay $0x4  }
0x1e: {  	v2 =	vand.u32 $0x3FFF, v2;
	_ =	sdelay $0x4  }
0x1f: {  	[tilespmem:v2+s7+$0x0] =	vst.idx.add.f32.msk $0xffff, v1  }
0x20: {  	v2 =	vld [tilespmem:s12+$0x30];
	_ =	sdelay $0x4  }
0x21: {  	v2 =	vand.u32 $0x3FFF, v2;
	_ =	sdelay $0x4  }
0x22: {  	[tilespmem:v2+s7+$0x0] =	vst.idx.add.f32.msk $0xffff, v1  }
0x23: {  	v2 =	vld [tilespmem:s12+$0x40];
	_ =	sdelay $0x4  }
0x24: {  	p0 =	sne.s32 s11, $0x7E00;
	v2 =	vand.u32 $0x3FFF, v2  }
.Ltmp1:
0x25: {  	_ = 	snop;
	(pc) =	sbr.rel @p0 .LBB2_4-.Ltmp1, $2  }
0x26: {  	_ =	sdelay $0x2  }
0x27: {  	s11 =	sadd.s32 $0x200, s11;
	[tilespmem:v2+s7+$0x0] =	vst.idx.add.f32.msk $0xffff, v1  }
0x28: {  	s10 =	sadd.s32 $0x1, s10  }
0x29: {  	p0 =	sne.s32 s10, s5  }
.Ltmp2:
0x2a: {  	_ = 	snop;
	(pc) =	sbr.rel @p0 .LBB2_1-.Ltmp2, $4  }
0x2b: {  	[hbm4b:s4+s8] =	stream.strided.scatter [tilespmem:s7], [sflag:$0x1], $0x2F00, s9, s8, $0x38;
	[tilespmem:$0x4F00] =	vst v63  }
0x2c: {  	_ =	swait.ge [sflag:s6], $0x2F00  }
0x2d: {  	[sflag:s6] =	ssyncset.done $0x0  }
0x2e: {  	[sflag:s6] =	ssyncadd.s32 $0xFFFFD100  }
0x2f: {  	_ =	sfence.sel $0x180000  }
0x30: {  	[bflag:$0x0] =	sbarrier.arrive $0xFFFF  }
0x31: {  	p0 =	sne.s32 s0, $0x0;
	_ =	strace $0x90000047  }
0x32: {  	s0 =	sadd.s32 @!p0 $0x100000, s1;
	[bflag:$0x2] =	sbarrier.arrive $0xFFFF  }
0x33: {  	[sflag:s0] =	ssyncadd.tile.s32 @!p0 $0x1;
	_ =	shalt  }
.Lfunc_end2:
_tile_overlayer_lowered:
.L_overlay_start_2:
0x34: {  	(tag) =	ssettag $0x2  }
0x35: {  	s0 =	rddreg [dreg:$0x0];
	s2 =	stileid.u32  }
0x36: {  	s1 =	rddreg [dreg:$0x1];
	p0 =	sne.s32 s2, $0x0  }
0x37: {  	s3 =	rddreg [dreg:$0x2];
	[bflag:$0x3] =	sbarrier.arrive $0xFFFF;
	s2 =	simm.s32 @!p0 $0x1C01  }
0x38: {  	[timem:s3], [sflag:s2] =	dma.local @!p0 [hbm:s0], s1  }
0x39: {  	s0 =	simm.s32 @!p0 $0x1  }
0x3a: {  	_ =	swait.ge @!p0 [sflag:s0], s1  }
0x3b: {  	s1 =	ssub.s32 @!p0 $0x0, s1;
	[sflag:s0] =	ssyncset.done @!p0 $0x0  }
0x3c: {  	[sflag:s0] =	ssyncadd.s32 @!p0 s1  }
0x3d: {  	[bflag:$0x3] =	sbarrier.arrive $0xFFFF  }
0x3e: {  	_ =	shalt  }

</sc_bundles>
